<compile_context>
chip_gen: v7x
topology: tpu7x:2x2x1
jax: 0.10.2.dev20260603
libtpu: 0.0.44.dev20260713+nightly
codegen_flags: <defaults>
</compile_context>

<pallas_src>
import dataclasses
import functools

import jax
import jax.numpy as jnp
from jax import lax
from jax.experimental import pallas as pl
from jax.experimental.pallas import tpu as pltpu
from jax.experimental.pallas import tpu_sc as plsc

N = 10000
E = 320000
G = 64
NTILES = 32
B = 400
NCH = 25
R = 2000
NBLK = N // R
RPT = N // 16
F32 = jnp.float32


def _proj_kernel(x_ref, wl_ref, bl_ref, wr_ref, br_ref, ol_ref, or_ref):
    xb = x_ref[...]
    ol_ref[...] = jnp.dot(xb, wl_ref[...], preferred_element_type=F32) + bl_ref[...]
    or_ref[...] = jnp.dot(xb, wr_ref[...], preferred_element_type=F32) + br_ref[...]


def _proj(xp, Wl, bl, Wr, br):
    K = xp.shape[1]
    return pl.pallas_call(
        _proj_kernel,
        grid=(NBLK,),
        in_specs=[
            pl.BlockSpec((R, K), lambda i: (i, 0)),
            pl.BlockSpec((K, 16), lambda i: (0, 0)),
            pl.BlockSpec((1, 16), lambda i: (0, 0)),
            pl.BlockSpec((K, 16), lambda i: (0, 0)),
            pl.BlockSpec((1, 16), lambda i: (0, 0)),
        ],
        out_specs=[
            pl.BlockSpec((R, 16), lambda i: (i, 0)),
            pl.BlockSpec((R, 16), lambda i: (i, 0)),
        ],
        out_shape=[jax.ShapeDtypeStruct((N, 16), F32)] * 2,
    )(xp, Wl, bl, Wr, br)


def _sc_agg(xl, xr, src3, dst3, attp):
    mesh = plsc.VectorSubcoreMesh(core_axis_name="c", subcore_axis_name="s")
    cp = pltpu.CompilerParams()
    if "needs_layout_passes" in pltpu.CompilerParams.__dataclass_fields__:
        cp = dataclasses.replace(cp, needs_layout_passes=False)
    if "use_tc_tiling_on_sc" in pltpu.CompilerParams.__dataclass_fields__:
        cp = dataclasses.replace(cp, use_tc_tiling_on_sc=False)

    @functools.partial(
        pl.kernel,
        out_type=jax.ShapeDtypeStruct((2 * N, 32), F32),
        mesh=mesh,
        compiler_params=cp,
        scratch_types=[
            pltpu.VMEM((NCH, B), jnp.int32),
            pltpu.VMEM((NCH, B), jnp.int32),
            pltpu.VMEM((16,), F32),
            pltpu.VMEM((B, 16), F32),
            pltpu.VMEM((B, 16), F32),
            pltpu.VMEM((B, 16), F32),
            pltpu.VMEM((B, 16), F32),
            pltpu.VMEM((B, 32), F32),
            pltpu.VMEM((B, 32), F32),
            pltpu.VMEM((RPT, 32), F32),
            pltpu.VMEM_SHARED((N, 32), F32),
            pltpu.SemaphoreType.DMA,
            pltpu.SemaphoreType.DMA,
            pltpu.SemaphoreType.DMA,
            pltpu.SemaphoreType.DMA,
        ],
    )
    def k(xl_hbm, xr_hbm, src_hbm, dst_hbm, att_hbm, outd_hbm,
          srcv, dstv, attv, glv0, grv0, glv1, grv1, sbv0, sbv1, zv, shv,
          sgl0, sgr0, sgl1, sgr1):
        c = lax.axis_index("c")
        s = lax.axis_index("s")
        wid = c * 16 + s

        @plsc.parallel_loop(0, RPT)
        def _zrow(i):
            zv[i, 0:16] = jnp.zeros((16,), F32)
            zv[i, 16:32] = jnp.zeros((16,), F32)

        pltpu.sync_copy(zv, shv.at[pl.ds(s * RPT, RPT)])
        pltpu.sync_copy(src_hbm.at[wid], srcv)
        pltpu.sync_copy(dst_hbm.at[wid], dstv)
        pltpu.sync_copy(att_hbm, attv)
        plsc.subcore_barrier()
        attr = attv[...]

        def compute(glv, grv, sbv):
            @plsc.parallel_loop(0, B, unroll=8)
            def _edge(e):
                g = glv[e]
                r = grv[e]
                s2 = g + r
                p = jnp.maximum(s2, 0.2 * s2)
                t = p * attr
                a = jnp.sum(t)
                ev = jnp.exp(jnp.broadcast_to(a, (16,)))
                sbv[e, 0:16] = g * ev
                sbv[e, 16:32] = ev

        def issue(ci, glv, grv, sgl, sgr):
            pltpu.async_copy(xl_hbm.at[srcv.at[ci]], glv, sgl)
            pltpu.async_copy(xr_hbm.at[dstv.at[ci]], grv, sgr)

        def drain(ci, glv, grv, sgl, sgr):
            pltpu.make_async_copy(xl_hbm.at[srcv.at[ci]], glv, sgl).wait()
            pltpu.make_async_copy(xr_hbm.at[dstv.at[ci]], grv, sgr).wait()

        issue(0, glv0, grv0, sgl0, sgr0)

        @pl.loop(0, NCH - 1, step=2)
        def _pair(ci):
            drain(ci, glv0, grv0, sgl0, sgr0)
            issue(ci + 1, glv1, grv1, sgl1, sgr1)
            compute(glv0, grv0, sbv0)
            pltpu.sync_copy(sbv0, shv.at[dstv.at[ci]], add=True)
            drain(ci + 1, glv1, grv1, sgl1, sgr1)
            issue(ci + 2, glv0, grv0, sgl0, sgr0)
            compute(glv1, grv1, sbv1)
            pltpu.sync_copy(sbv1, shv.at[dstv.at[ci + 1]], add=True)

        drain(NCH - 1, glv0, grv0, sgl0, sgr0)
        compute(glv0, grv0, sbv0)
        pltpu.sync_copy(sbv0, shv.at[dstv.at[NCH - 1]], add=True)

        plsc.subcore_barrier()
        pltpu.sync_copy(shv.at[pl.ds(s * RPT, RPT)],
                        outd_hbm.at[pl.ds(c * N + s * RPT, RPT)])

    return k(xl, xr, src3, dst3, attp)


def _self_term(o1, o2, xl, xr, att_row):
    num = o1[:, 0:16] + o2[:, 0:16]
    den = o1[:, 16:17] + o2[:, 16:17]
    sl = xl + xr
    p = jnp.maximum(sl, 0.2 * sl)
    a = jnp.sum(p * att_row, axis=1, keepdims=True)
    e = jnp.exp(a)
    return num + e * xl, den + e


def _norm_proj_kernel(o1_ref, o2_ref, xl_ref, xr_ref, att_ref, b_ref,
                      wl_ref, bl_ref, wr_ref, br_ref, ol_ref, or_ref):
    num, den = _self_term(o1_ref[...], o2_ref[...], xl_ref[...], xr_ref[...],
                          att_ref[...])
    h = jnp.maximum(num / (den + 1e-16) + b_ref[...], 0.0)
    ol_ref[...] = jnp.dot(h, wl_ref[...], preferred_element_type=F32) + bl_ref[...]
    or_ref[...] = jnp.dot(h, wr_ref[...], preferred_element_type=F32) + br_ref[...]


def _norm_proj(outd, xl, xr, att, b1, Wl, bl, Wr, br):
    return pl.pallas_call(
        _norm_proj_kernel,
        grid=(NBLK,),
        in_specs=[
            pl.BlockSpec((R, 32), lambda i: (i, 0)),
            pl.BlockSpec((R, 32), lambda i: (i + NBLK, 0)),
            pl.BlockSpec((R, 16), lambda i: (i, 0)),
            pl.BlockSpec((R, 16), lambda i: (i, 0)),
            pl.BlockSpec((1, 16), lambda i: (0, 0)),
            pl.BlockSpec((1, 16), lambda i: (0, 0)),
            pl.BlockSpec((16, 16), lambda i: (0, 0)),
            pl.BlockSpec((1, 16), lambda i: (0, 0)),
            pl.BlockSpec((16, 16), lambda i: (0, 0)),
            pl.BlockSpec((1, 16), lambda i: (0, 0)),
        ],
        out_specs=[
            pl.BlockSpec((R, 16), lambda i: (i, 0)),
            pl.BlockSpec((R, 16), lambda i: (i, 0)),
        ],
        out_shape=[jax.ShapeDtypeStruct((N, 16), F32)] * 2,
    )(outd, outd, xl, xr, att, b1, Wl, bl, Wr, br)


def _norm_pool_kernel(o1_ref, o2_ref, xl_ref, xr_ref, att_ref, b_ref,
                      bt_ref, wlin_ref, blin_ref, s_ref, c_ref, out_ref):
    i = pl.program_id(0)
    num, den = _self_term(o1_ref[...], o2_ref[...], xl_ref[...], xr_ref[...],
                          att_ref[...])
    h = jnp.maximum(num / (den + 1e-16) + b_ref[...], 0.0)
    bt = jnp.reshape(bt_ref[...], (R, 1))
    labels = lax.broadcasted_iota(jnp.int32, (R, G), 1)
    oh = (bt == labels).astype(F32)
    contrib = lax.dot_general(oh, h, (((0,), (0,)), ((), ())),
                              preferred_element_type=F32)
    cnt = lax.dot_general(oh, jnp.ones((R, 1), F32), (((0,), (0,)), ((), ())),
                          preferred_element_type=F32)

    @pl.when(i == 0)
    def _():
        s_ref[...] = jnp.zeros_like(s_ref)
        c_ref[...] = jnp.zeros_like(c_ref)
        out_ref[...] = jnp.zeros_like(out_ref)

    s_ref[...] += contrib
    c_ref[...] += cnt

    @pl.when(i == NBLK - 1)
    def _():
        pooled = s_ref[...] / jnp.maximum(c_ref[...], 1.0)
        out_ref[...] = jnp.dot(pooled, wlin_ref[...],
                               preferred_element_type=F32) + blin_ref[...]


def _norm_pool(outd, xl, xr, att, b2, batchr, Wlinp, blin):
    _, _, out = pl.pallas_call(
        _norm_pool_kernel,
        grid=(NBLK,),
        in_specs=[
            pl.BlockSpec((R, 32), lambda i: (i, 0)),
            pl.BlockSpec((R, 32), lambda i: (i + NBLK, 0)),
            pl.BlockSpec((R, 16), lambda i: (i, 0)),
            pl.BlockSpec((R, 16), lambda i: (i, 0)),
            pl.BlockSpec((1, 16), lambda i: (0, 0)),
            pl.BlockSpec((1, 16), lambda i: (0, 0)),
            pl.BlockSpec((1, 1, R), lambda i: (i, 0, 0)),
            pl.BlockSpec((16, 1), lambda i: (0, 0)),
            pl.BlockSpec((1, 1), lambda i: (0, 0)),
        ],
        out_specs=[
            pl.BlockSpec((G, 16), lambda i: (0, 0)),
            pl.BlockSpec((G, 1), lambda i: (0, 0)),
            pl.BlockSpec((G, 1), lambda i: (0, 0)),
        ],
        out_shape=[
            jax.ShapeDtypeStruct((G, 16), F32),
            jax.ShapeDtypeStruct((G, 1), F32),
            jax.ShapeDtypeStruct((G, 1), F32),
        ],
    )(outd, outd, xl, xr, att, b2, batchr, Wlinp, blin)
    return out


def kernel(x, edge_index, batch, Wl1, bl1, Wr1, br1, att1, b1,
           Wl2, bl2, Wr2, br2, att2, b2, Wlin, blin):
    src3 = jnp.reshape(edge_index[0], (NTILES, NCH, B))
    dst3 = jnp.reshape(edge_index[1], (NTILES, NCH, B))
    batchr = jnp.reshape(batch, (NBLK, 1, R))

    bl1r = jnp.reshape(bl1, (1, 16))
    br1r = jnp.reshape(br1, (1, 16))
    b1r = jnp.reshape(b1, (1, 16))
    att1r = jnp.reshape(att1, (1, 16))
    b2r = jnp.reshape(jnp.pad(b2, (0, 8)), (1, 16))
    att2p = jnp.pad(att2, (0, 8))
    att2r = jnp.reshape(att2p, (1, 16))
    Wl2p = jnp.pad(Wl2, ((0, 0), (0, 8)))
    Wr2p = jnp.pad(Wr2, ((0, 0), (0, 8)))
    bl2r = jnp.reshape(jnp.pad(bl2, (0, 8)), (1, 16))
    br2r = jnp.reshape(jnp.pad(br2, (0, 8)), (1, 16))
    Wlinp = jnp.pad(Wlin, ((0, 8), (0, 0)))
    blinr = jnp.reshape(blin, (1, 1))

    xl1, xr1 = _proj(x, Wl1, bl1r, Wr1, br1r)
    outd1 = _sc_agg(xl1, xr1, src3, dst3, att1)
    xl2, xr2 = _norm_proj(outd1, xl1, xr1, att1r, b1r, Wl2p, bl2r, Wr2p, br2r)
    outd2 = _sc_agg(xl2, xr2, src3, dst3, att2p)
    return _norm_pool(outd2, xl2, xr2, att2r, b2r, batchr, Wlinp, blinr)

# --- scband reference (transcript-rebuilt; emitter-appended) ---
"""Pipeline reference for scband-gcn-68564857913628 (READ-ONLY COPY).

The authoritative reference and input builder live on the scoring server;
editing this copy changes nothing except your own understanding.
"""

import jax, jax.numpy as jnp
import numpy as np

N = 10000
E = 320000
F_IN = 128
H1 = 16
H2 = 8
G = 64


def _glorot(key, shape):
    fan_in, fan_out = shape[0], shape[-1]
    s = np.sqrt(6.0 / (fan_in + fan_out))
    return jax.random.uniform(key, shape, minval=-s, maxval=s, dtype=jnp.float32)


def setup_inputs(seed: int = 0) -> dict:
    key = jax.random.key(seed)
    ks = jax.random.split(key, 16)
    x = jax.random.normal(ks[0], (N, F_IN), dtype=jnp.float32)
    edge_index = jax.random.randint(ks[1], (2, E), 0, N, dtype=jnp.int32)
    batch = jnp.sort(jax.random.randint(ks[2], (N,), 0, G, dtype=jnp.int32))
    return {
        'x': x,
        'edge_index': edge_index,
        'batch': batch,
        'Wl1': _glorot(ks[3], (F_IN, H1)),
        'bl1': jnp.zeros((H1,), jnp.float32),
        'Wr1': _glorot(ks[4], (F_IN, H1)),
        'br1': jnp.zeros((H1,), jnp.float32),
        'att1': _glorot(ks[5], (H1, 1))[:, 0],
        'b1': jnp.zeros((H1,), jnp.float32),
        'Wl2': _glorot(ks[6], (H1, H2)),
        'bl2': jnp.zeros((H2,), jnp.float32),
        'Wr2': _glorot(ks[7], (H1, H2)),
        'br2': jnp.zeros((H2,), jnp.float32),
        'att2': _glorot(ks[8], (H2, 1))[:, 0],
        'b2': jnp.zeros((H2,), jnp.float32),
        'Wlin': _glorot(ks[9], (H2, 1)),
        'blin': jnp.zeros((1,), jnp.float32),
    }


def _gatv2_layer(x, src, dst, Wl, bl, Wr, br, att, bias):
    # GATv2Conv (heads=1, concat=True, negative_slope=0.2, add_self_loops already applied)
    x_l = x @ Wl + bl  # source transform
    x_r = x @ Wr + br  # target transform
    e = jax.nn.leaky_relu(x_l[src] + x_r[dst], negative_slope=0.2)
    alpha = e @ att  # [E]
    amax = jax.ops.segment_max(alpha, dst, num_segments=N)
    amax = jnp.where(jnp.isfinite(amax), amax, 0.0)
    amax = jax.lax.stop_gradient(amax)
    ex = jnp.exp(alpha - amax[dst])
    denom = jax.ops.segment_sum(ex, dst, num_segments=N)
    alpha_n = ex / (denom[dst] + 1e-16)
    out = jax.ops.segment_sum(alpha_n[:, None] * x_l[src], dst, num_segments=N)
    return out + bias


def reference(x, edge_index, batch, Wl1, bl1, Wr1, br1, att1, b1, Wl2, bl2, Wr2, br2, att2, b2, Wlin, blin):
    loop = jnp.arange(N, dtype=edge_index.dtype)
    src = jnp.concatenate([edge_index[0], loop])
    dst = jnp.concatenate([edge_index[1], loop])
    h = _gatv2_layer(x, src, dst, Wl1, bl1, Wr1, br1, att1, b1)
    h = jax.nn.relu(h)
    h = _gatv2_layer(h, src, dst, Wl2, bl2, Wr2, br2, att2, b2)
    h = jax.nn.relu(h)
    # F.dropout(x, 0.1) treated as identity (deterministic reference)
    sums = jax.ops.segment_sum(h, batch, num_segments=G)
    counts = jax.ops.segment_sum(jnp.ones((N,), jnp.float32), batch, num_segments=G)
    pooled = sums / jnp.clip(counts, 1.0)[:, None]
    out = pooled @ Wlin + blin
    return out

if __name__ == "__main__":
    import jax
    _d = setup_inputs()
    print(jax.jit(kernel)(*tuple(_d.values())))

</pallas_src>

<mosaic_0001>
#map = affine_map<(d0, d1) -> (0, 0)>
#map1 = affine_map<(d0, d1) -> (0, 0, 0)>
#map2 = affine_map<(d0, d1) -> (0)>
module attributes {stable_mosaic.version = 14 : i64} {
  func.func @k(%arg0: i32, %arg1: i32, %arg2: memref<10000x16xf32, #tpu.memory_space<hbm>>, %arg3: memref<10000x16xf32, #tpu.memory_space<hbm>>, %arg4: memref<32x25x400xi32, #tpu.memory_space<hbm>>, %arg5: memref<32x25x400xi32, #tpu.memory_space<hbm>>, %arg6: memref<16xf32, #tpu.memory_space<hbm>>, %arg7: memref<20000x32xf32, #tpu.memory_space<hbm>>, %arg8: memref<25x400xi32, #tpu.memory_space<vmem>>, %arg9: memref<25x400xi32, #tpu.memory_space<vmem>>, %arg10: memref<16xf32, #tpu.memory_space<vmem>>, %arg11: memref<400x16xf32, #tpu.memory_space<vmem>>, %arg12: memref<400x16xf32, #tpu.memory_space<vmem>>, %arg13: memref<400x16xf32, #tpu.memory_space<vmem>>, %arg14: memref<400x16xf32, #tpu.memory_space<vmem>>, %arg15: memref<400x32xf32, #tpu.memory_space<vmem>>, %arg16: memref<400x32xf32, #tpu.memory_space<vmem>>, %arg17: memref<625x32xf32, #tpu.memory_space<vmem>>, %arg18: memref<10000x32xf32, #tpu.memory_space<vmem_shared>>, %arg19: memref<!tpu.dma_semaphore, #tpu.memory_space<semaphore_mem>>, %arg20: memref<!tpu.dma_semaphore, #tpu.memory_space<semaphore_mem>>, %arg21: memref<!tpu.dma_semaphore, #tpu.memory_space<semaphore_mem>>, %arg22: memref<!tpu.dma_semaphore, #tpu.memory_space<semaphore_mem>>) attributes {dimension_semantics = [#tpu.dimension_semantics<core_parallel>, #tpu.dimension_semantics<subcore_parallel>], iteration_bounds = array<i64: 2, 16>, scalar_prefetch = 0 : i64, scratch_operands = 15 : i64, tpu.core_type = #tpu.core_type<sc_vector_subcore>, window_params = [{transform_indices = #map}, {transform_indices = #map}, {transform_indices = #map1}, {transform_indices = #map1}, {transform_indices = #map2}, {transform_indices = #map}]} {
    %mul3A = arith.constant 16 : i32
    %mul3A_0 = arith.muli %arg0, %mul3A : i32
    %add3A = arith.addi %mul3A_0, %arg1 : i32
    %parallel_loop3A = arith.constant 0 : i32
    %parallel_loop3A_1 = arith.constant 625 : i32
    %parallel_loop3A_2 = arith.constant 1 : i32
    scf.for %parallel_loop3A_47 = %parallel_loop3A to %parallel_loop3A_1 step %parallel_loop3A_2  : i32 {
      %parallel_loop3A_48 = arith.constant 0.000000e+00 : f32
      %parallel_loop3A_49 = vector.broadcast %parallel_loop3A_48 : f32 to vector<16xf32>
      %parallel_loop3A_50 = arith.index_cast %parallel_loop3A_47 : i32 to index
      %parallel_loop3A_51 = arith.constant 0 : index
      %parallel_loop3A_52 = tpu.vector_load %arg17[%parallel_loop3A_50, %parallel_loop3A_51] {strides = array<i32>} : memref<625x32xf32, #tpu.memory_space<vmem>>, vector<16xf32>,
      tpu.vector_store %arg17[%parallel_loop3A_50, %parallel_loop3A_51], %parallel_loop3A_49 {strides = array<i32>} : memref<625x32xf32, #tpu.memory_space<vmem>>, vector<16xf32>,
      %parallel_loop3A_53 = arith.constant 0.000000e+00 : f32
      %parallel_loop3A_54 = vector.broadcast %parallel_loop3A_53 : f32 to vector<16xf32>
      %parallel_loop3A_55 = arith.index_cast %parallel_loop3A_47 : i32 to index
      %parallel_loop3A_56 = arith.constant 16 : index
      %parallel_loop3A_57 = tpu.vector_load %arg17[%parallel_loop3A_55, %parallel_loop3A_56] {strides = array<i32>} : memref<625x32xf32, #tpu.memory_space<vmem>>, vector<16xf32>,
      tpu.vector_store %arg17[%parallel_loop3A_55, %parallel_loop3A_56], %parallel_loop3A_54 {strides = array<i32>} : memref<625x32xf32, #tpu.memory_space<vmem>>, vector<16xf32>,
    } {sc.loop_unroll_factor = 1 : i64, sc.parallel_access}
    %mul3A_3 = arith.constant 625 : i32
    %mul3A_4 = arith.muli %arg1, %mul3A_3 : i32
    "tpu.region"() ({
      %run_scoped3A_47 = tpu.sem_alloc : memref<!tpu.dma_semaphore, #tpu.memory_space<semaphore_mem>>
      %dma_start3A_48 = arith.constant 0 : i32
      %dma_start3A_49 = tpu.memref_slice %arg18[%mul3A_4, %dma_start3A_48] : memref<10000x32xf32, #tpu.memory_space<vmem_shared>> -> memref<625x32xf32, #tpu.memory_space<vmem_shared>>
      %dma_start3A_50 = arith.constant 0 : i32
      %dma_start3A_51 = tpu.memref_slice %arg18[%mul3A_4, %dma_start3A_50] : memref<10000x32xf32, #tpu.memory_space<vmem_shared>> -> memref<625x32xf32, #tpu.memory_space<vmem_shared>>
      tpu.enqueue_dma source(%arg17 : memref<625x32xf32, #tpu.memory_space<vmem>>) target(%dma_start3A_51 : memref<625x32xf32, #tpu.memory_space<vmem_shared>>) target_semaphore(%run_scoped3A_47 : memref<!tpu.dma_semaphore, #tpu.memory_space<semaphore_mem>>)
      %dma_wait3A_52 = arith.constant 0 : i32
      %dma_wait3A_53 = tpu.memref_slice %arg18[%mul3A_4, %dma_wait3A_52] : memref<10000x32xf32, #tpu.memory_space<vmem_shared>> -> memref<625x32xf32, #tpu.memory_space<vmem_shared>>
      %dma_wait3A_54 = arith.constant 0 : i32
      %dma_wait3A_55 = tpu.memref_slice %arg18[%mul3A_4, %dma_wait3A_54] : memref<10000x32xf32, #tpu.memory_space<vmem_shared>> -> memref<625x32xf32, #tpu.memory_space<vmem_shared>>
      tpu.wait_dma2 semaphore(%run_scoped3A_47 : memref<!tpu.dma_semaphore, #tpu.memory_space<semaphore_mem>>) src(%arg17 : memref<625x32xf32, #tpu.memory_space<vmem>>) dst(%dma_wait3A_55 : memref<625x32xf32, #tpu.memory_space<vmem_shared>>)
      tpu.yield
    }) : () -> ()
    "tpu.region"() ({
      %run_scoped3A_47 = tpu.sem_alloc : memref<!tpu.dma_semaphore, #tpu.memory_space<semaphore_mem>>
      %dma_start3A_48 = arith.constant 0 : i32
      %dma_start3A_49 = arith.constant 0 : i32
      %dma_start3A_50 = tpu.memref_slice %arg4[%add3A, %dma_start3A_48, %dma_start3A_49] : memref<32x25x400xi32, #tpu.memory_space<hbm>> -> memref<1x25x400xi32, #tpu.memory_space<hbm>>
      %dma_start3A_51 = tpu.memref_squeeze %dma_start3A_50 : memref<1x25x400xi32, #tpu.memory_space<hbm>> -> memref<25x400xi32, #tpu.memory_space<hbm>>
      %dma_start3A_52 = arith.constant 0 : i32
      %dma_start3A_53 = arith.constant 0 : i32
      %dma_start3A_54 = tpu.memref_slice %arg4[%add3A, %dma_start3A_52, %dma_start3A_53] : memref<32x25x400xi32, #tpu.memory_space<hbm>> -> memref<1x25x400xi32, #tpu.memory_space<hbm>>
      %dma_start3A_55 = tpu.memref_squeeze %dma_start3A_54 : memref<1x25x400xi32, #tpu.memory_space<hbm>> -> memref<25x400xi32, #tpu.memory_space<hbm>>
      tpu.enqueue_dma source(%dma_start3A_55 : memref<25x400xi32, #tpu.memory_space<hbm>>) target(%arg8 : memref<25x400xi32, #tpu.memory_space<vmem>>) target_semaphore(%run_scoped3A_47 : memref<!tpu.dma_semaphore, #tpu.memory_space<semaphore_mem>>)
      %dma_wait3A_56 = arith.constant 0 : i32
      %dma_wait3A_57 = arith.constant 0 : i32
      %dma_wait3A_58 = tpu.memref_slice %arg4[%add3A, %dma_wait3A_56, %dma_wait3A_57] : memref<32x25x400xi32, #tpu.memory_space<hbm>> -> memref<1x25x400xi32, #tpu.memory_space<hbm>>
      %dma_wait3A_59 = tpu.memref_squeeze %dma_wait3A_58 : memref<1x25x400xi32, #tpu.memory_space<hbm>> -> memref<25x400xi32, #tpu.memory_space<hbm>>
      %dma_wait3A_60 = arith.constant 0 : i32
      %dma_wait3A_61 = arith.constant 0 : i32
      %dma_wait3A_62 = tpu.memref_slice %arg4[%add3A, %dma_wait3A_60, %dma_wait3A_61] : memref<32x25x400xi32, #tpu.memory_space<hbm>> -> memref<1x25x400xi32, #tpu.memory_space<hbm>>
      %dma_wait3A_63 = tpu.memref_squeeze %dma_wait3A_62 : memref<1x25x400xi32, #tpu.memory_space<hbm>> -> memref<25x400xi32, #tpu.memory_space<hbm>>
      tpu.wait_dma2 semaphore(%run_scoped3A_47 : memref<!tpu.dma_semaphore, #tpu.memory_space<semaphore_mem>>) src(%dma_wait3A_63 : memref<25x400xi32, #tpu.memory_space<hbm>>) dst(%arg8 : memref<25x400xi32, #tpu.memory_space<vmem>>)
      tpu.yield
    }) : () -> ()
    "tpu.region"() ({
      %run_scoped3A_47 = tpu.sem_alloc : memref<!tpu.dma_semaphore, #tpu.memory_space<semaphore_mem>>
      %dma_start3A_48 = arith.constant 0 : i32
      %dma_start3A_49 = arith.constant 0 : i32
      %dma_start3A_50 = tpu.memref_slice %arg5[%add3A, %dma_start3A_48, %dma_start3A_49] : memref<32x25x400xi32, #tpu.memory_space<hbm>> -> memref<1x25x400xi32, #tpu.memory_space<hbm>>
      %dma_start3A_51 = tpu.memref_squeeze %dma_start3A_50 : memref<1x25x400xi32, #tpu.memory_space<hbm>> -> memref<25x400xi32, #tpu.memory_space<hbm>>
      %dma_start3A_52 = arith.constant 0 : i32
      %dma_start3A_53 = arith.constant 0 : i32
      %dma_start3A_54 = tpu.memref_slice %arg5[%add3A, %dma_start3A_52, %dma_start3A_53] : memref<32x25x400xi32, #tpu.memory_space<hbm>> -> memref<1x25x400xi32, #tpu.memory_space<hbm>>
      %dma_start3A_55 = tpu.memref_squeeze %dma_start3A_54 : memref<1x25x400xi32, #tpu.memory_space<hbm>> -> memref<25x400xi32, #tpu.memory_space<hbm>>
      tpu.enqueue_dma source(%dma_start3A_55 : memref<25x400xi32, #tpu.memory_space<hbm>>) target(%arg9 : memref<25x400xi32, #tpu.memory_space<vmem>>) target_semaphore(%run_scoped3A_47 : memref<!tpu.dma_semaphore, #tpu.memory_space<semaphore_mem>>)
      %dma_wait3A_56 = arith.constant 0 : i32
      %dma_wait3A_57 = arith.constant 0 : i32
      %dma_wait3A_58 = tpu.memref_slice %arg5[%add3A, %dma_wait3A_56, %dma_wait3A_57] : memref<32x25x400xi32, #tpu.memory_space<hbm>> -> memref<1x25x400xi32, #tpu.memory_space<hbm>>
      %dma_wait3A_59 = tpu.memref_squeeze %dma_wait3A_58 : memref<1x25x400xi32, #tpu.memory_space<hbm>> -> memref<25x400xi32, #tpu.memory_space<hbm>>
      %dma_wait3A_60 = arith.constant 0 : i32
      %dma_wait3A_61 = arith.constant 0 : i32
      %dma_wait3A_62 = tpu.memref_slice %arg5[%add3A, %dma_wait3A_60, %dma_wait3A_61] : memref<32x25x400xi32, #tpu.memory_space<hbm>> -> memref<1x25x400xi32, #tpu.memory_space<hbm>>
      %dma_wait3A_63 = tpu.memref_squeeze %dma_wait3A_62 : memref<1x25x400xi32, #tpu.memory_space<hbm>> -> memref<25x400xi32, #tpu.memory_space<hbm>>
      tpu.wait_dma2 semaphore(%run_scoped3A_47 : memref<!tpu.dma_semaphore, #tpu.memory_space<semaphore_mem>>) src(%dma_wait3A_63 : memref<25x400xi32, #tpu.memory_space<hbm>>) dst(%arg9 : memref<25x400xi32, #tpu.memory_space<vmem>>)
      tpu.yield
    }) : () -> ()
    "tpu.region"() ({
      %run_scoped3A_47 = tpu.sem_alloc : memref<!tpu.dma_semaphore, #tpu.memory_space<semaphore_mem>>
      tpu.enqueue_dma source(%arg6 : memref<16xf32, #tpu.memory_space<hbm>>) target(%arg10 : memref<16xf32, #tpu.memory_space<vmem>>) target_semaphore(%run_scoped3A_47 : memref<!tpu.dma_semaphore, #tpu.memory_space<semaphore_mem>>)
      tpu.wait_dma2 semaphore(%run_scoped3A_47 : memref<!tpu.dma_semaphore, #tpu.memory_space<semaphore_mem>>) src(%arg6 : memref<16xf32, #tpu.memory_space<hbm>>) dst(%arg10 : memref<16xf32, #tpu.memory_space<vmem>>)
      tpu.yield
    }) : () -> ()
    %barrier3A = arith.constant 0 : index
    tpu.barrier barrier_id(%barrier3A)
    %get3A = arith.constant 0 : index
    %get3A_5 = tpu.vector_load %arg10[%get3A] {strides = array<i32>} : memref<16xf32, #tpu.memory_space<vmem>>, vector<16xf32>,
    %dma_start3A = arith.constant 0 : i32
    %dma_start3A_6 = arith.constant 0 : i32
    %dma_start3A_7 = tpu.memref_slice %arg8[%dma_start3A, %dma_start3A_6] : memref<25x400xi32, #tpu.memory_space<vmem>> -> memref<1x400xi32, #tpu.memory_space<vmem>>
    %dma_start3A_8 = tpu.memref_squeeze %dma_start3A_7 : memref<1x400xi32, #tpu.memory_space<vmem>> -> memref<400xi32, #tpu.memory_space<vmem>>
    %dma_start3A_9 = arith.constant 0 : i32
    %dma_start3A_10 = arith.constant 0 : i32
    %dma_start3A_11 = tpu.memref_slice %arg2[%dma_start3A_9, %dma_start3A_10] : memref<10000x16xf32, #tpu.memory_space<hbm>> -> memref<10000x16xf32, #tpu.memory_space<hbm>>
    tpu.enqueue_indirect_dma source(%dma_start3A_11 : memref<10000x16xf32, #tpu.memory_space<hbm>>) target(%arg11 : memref<400x16xf32, #tpu.memory_space<vmem>>) offsets(%dma_start3A_8 : memref<400xi32, #tpu.memory_space<vmem>>) semaphore(%arg19 : memref<!tpu.dma_semaphore, #tpu.memory_space<semaphore_mem>>)
    %dma_start3A_12 = arith.constant 0 : i32
    %dma_start3A_13 = arith.constant 0 : i32
    %dma_start3A_14 = tpu.memref_slice %arg9[%dma_start3A_12, %dma_start3A_13] : memref<25x400xi32, #tpu.memory_space<vmem>> -> memref<1x400xi32, #tpu.memory_space<vmem>>
    %dma_start3A_15 = tpu.memref_squeeze %dma_start3A_14 : memref<1x400xi32, #tpu.memory_space<vmem>> -> memref<400xi32, #tpu.memory_space<vmem>>
    %dma_start3A_16 = arith.constant 0 : i32
    %dma_start3A_17 = arith.constant 0 : i32
    %dma_start3A_18 = tpu.memref_slice %arg3[%dma_start3A_16, %dma_start3A_17] : memref<10000x16xf32, #tpu.memory_space<hbm>> -> memref<10000x16xf32, #tpu.memory_space<hbm>>
    tpu.enqueue_indirect_dma source(%dma_start3A_18 : memref<10000x16xf32, #tpu.memory_space<hbm>>) target(%arg12 : memref<400x16xf32, #tpu.memory_space<vmem>>) offsets(%dma_start3A_15 : memref<400xi32, #tpu.memory_space<vmem>>) semaphore(%arg20 : memref<!tpu.dma_semaphore, #tpu.memory_space<semaphore_mem>>)
    %scan3A = arith.constant 0 : i32
    %scan3A_19 = arith.constant 12 : i32
    %scan3A_20 = arith.addi %scan3A, %scan3A_19 : i32
    %scan3A_21 = arith.constant 1 : i32
    scf.for %scan3A_47 = %scan3A to %scan3A_20 step %scan3A_21  : i32 {
      %mul3A_48 = arith.constant 2 : i32
      %mul3A_49 = arith.muli %scan3A_47, %mul3A_48 : i32
      %add3A_50 = arith.constant 0 : i32
      %add3A_51 = arith.addi %add3A_50, %mul3A_49 : i32
      %dma_wait3A_52 = arith.constant 0 : i32
      %dma_wait3A_53 = tpu.memref_slice %arg8[%add3A_51, %dma_wait3A_52] : memref<25x400xi32, #tpu.memory_space<vmem>> -> memref<1x400xi32, #tpu.memory_space<vmem>>
      %dma_wait3A_54 = tpu.memref_squeeze %dma_wait3A_53 : memref<1x400xi32, #tpu.memory_space<vmem>> -> memref<400xi32, #tpu.memory_space<vmem>>
      %dma_wait3A_55 = arith.constant 0 : i32
      %dma_wait3A_56 = arith.constant 0 : i32
      %dma_wait3A_57 = tpu.memref_slice %arg2[%dma_wait3A_55, %dma_wait3A_56] : memref<10000x16xf32, #tpu.memory_space<hbm>> -> memref<10000x16xf32, #tpu.memory_space<hbm>>
      tpu.wait_indirect_dma semaphore(%arg19 : memref<!tpu.dma_semaphore, #tpu.memory_space<semaphore_mem>>) src(%dma_wait3A_57 : memref<10000x16xf32, #tpu.memory_space<hbm>>) dst(%arg11 : memref<400x16xf32, #tpu.memory_space<vmem>>)
      %dma_wait3A_58 = arith.constant 0 : i32
      %dma_wait3A_59 = tpu.memref_slice %arg9[%add3A_51, %dma_wait3A_58] : memref<25x400xi32, #tpu.memory_space<vmem>> -> memref<1x400xi32, #tpu.memory_space<vmem>>
      %dma_wait3A_60 = tpu.memref_squeeze %dma_wait3A_59 : memref<1x400xi32, #tpu.memory_space<vmem>> -> memref<400xi32, #tpu.memory_space<vmem>>
      %dma_wait3A_61 = arith.constant 0 : i32
      %dma_wait3A_62 = arith.constant 0 : i32
      %dma_wait3A_63 = tpu.memref_slice %arg3[%dma_wait3A_61, %dma_wait3A_62] : memref<10000x16xf32, #tpu.memory_space<hbm>> -> memref<10000x16xf32, #tpu.memory_space<hbm>>
      tpu.wait_indirect_dma semaphore(%arg20 : memref<!tpu.dma_semaphore, #tpu.memory_space<semaphore_mem>>) src(%dma_wait3A_63 : memref<10000x16xf32, #tpu.memory_space<hbm>>) dst(%arg12 : memref<400x16xf32, #tpu.memory_space<vmem>>)
      %add3A_64 = arith.constant 1 : i32
      %add3A_65 = arith.addi %add3A_51, %add3A_64 : i32
      %dma_start3A_66 = arith.constant 0 : i32
      %dma_start3A_67 = tpu.memref_slice %arg8[%add3A_65, %dma_start3A_66] : memref<25x400xi32, #tpu.memory_space<vmem>> -> memref<1x400xi32, #tpu.memory_space<vmem>>
      %dma_start3A_68 = tpu.memref_squeeze %dma_start3A_67 : memref<1x400xi32, #tpu.memory_space<vmem>> -> memref<400xi32, #tpu.memory_space<vmem>>
      %dma_start3A_69 = arith.constant 0 : i32
      %dma_start3A_70 = arith.constant 0 : i32
      %dma_start3A_71 = tpu.memref_slice %arg2[%dma_start3A_69, %dma_start3A_70] : memref<10000x16xf32, #tpu.memory_space<hbm>> -> memref<10000x16xf32, #tpu.memory_space<hbm>>
      tpu.enqueue_indirect_dma source(%dma_start3A_71 : memref<10000x16xf32, #tpu.memory_space<hbm>>) target(%arg13 : memref<400x16xf32, #tpu.memory_space<vmem>>) offsets(%dma_start3A_68 : memref<400xi32, #tpu.memory_space<vmem>>) semaphore(%arg21 : memref<!tpu.dma_semaphore, #tpu.memory_space<semaphore_mem>>)
      %dma_start3A_72 = arith.constant 0 : i32
      %dma_start3A_73 = tpu.memref_slice %arg9[%add3A_65, %dma_start3A_72] : memref<25x400xi32, #tpu.memory_space<vmem>> -> memref<1x400xi32, #tpu.memory_space<vmem>>
      %dma_start3A_74 = tpu.memref_squeeze %dma_start3A_73 : memref<1x400xi32, #tpu.memory_space<vmem>> -> memref<400xi32, #tpu.memory_space<vmem>>
      %dma_start3A_75 = arith.constant 0 : i32
      %dma_start3A_76 = arith.constant 0 : i32
      %dma_start3A_77 = tpu.memref_slice %arg3[%dma_start3A_75, %dma_start3A_76] : memref<10000x16xf32, #tpu.memory_space<hbm>> -> memref<10000x16xf32, #tpu.memory_space<hbm>>
      tpu.enqueue_indirect_dma source(%dma_start3A_77 : memref<10000x16xf32, #tpu.memory_space<hbm>>) target(%arg14 : memref<400x16xf32, #tpu.memory_space<vmem>>) offsets(%dma_start3A_74 : memref<400xi32, #tpu.memory_space<vmem>>) semaphore(%arg22 : memref<!tpu.dma_semaphore, #tpu.memory_space<semaphore_mem>>)
      %parallel_loop3A_78 = arith.constant 0 : i32
      %parallel_loop3A_79 = arith.constant 400 : i32
      %parallel_loop3A_80 = arith.constant 1 : i32
      scf.for %parallel_loop3A_114 = %parallel_loop3A_78 to %parallel_loop3A_79 step %parallel_loop3A_80  : i32 {
        %parallel_loop3A_115 = arith.index_cast %parallel_loop3A_114 : i32 to index
        %parallel_loop3A_116 = arith.constant 0 : index
        %parallel_loop3A_117 = tpu.vector_load %arg11[%parallel_loop3A_115, %parallel_loop3A_116] {strides = array<i32>} : memref<400x16xf32, #tpu.memory_space<vmem>>, vector<16xf32>,
        %parallel_loop3A_118 = arith.index_cast %parallel_loop3A_114 : i32 to index
        %parallel_loop3A_119 = arith.constant 0 : index
        %parallel_loop3A_120 = tpu.vector_load %arg12[%parallel_loop3A_118, %parallel_loop3A_119] {strides = array<i32>} : memref<400x16xf32, #tpu.memory_space<vmem>>, vector<16xf32>,
        %parallel_loop3A_121 = arith.addf %parallel_loop3A_117, %parallel_loop3A_120 : vector<16xf32>
        %parallel_loop3A_122 = arith.constant 2.000000e-01 : f32
        %parallel_loop3A_123 = vector.broadcast %parallel_loop3A_122 : f32 to vector<16xf32>
        %parallel_loop3A_124 = arith.mulf %parallel_loop3A_123, %parallel_loop3A_121 : vector<16xf32>
        %parallel_loop3A_125 = arith.maximumf %parallel_loop3A_121, %parallel_loop3A_124 : vector<16xf32>
        %parallel_loop3A_126 = arith.mulf %parallel_loop3A_125, %get3A_5 : vector<16xf32>
        %parallel_loop3A_127 = arith.constant true
        %parallel_loop3A_128 = vector.broadcast %parallel_loop3A_127 : i1 to vector<16xi1>
        %parallel_loop3A_129 = tpu.scan <sum>, %parallel_loop3A_126 masked %parallel_loop3A_128 : vector<16xf32>, vector<16xi1> -> vector<16xf32>
        %parallel_loop3A_130 = vector.extract %parallel_loop3A_129[15] : f32 from vector<16xf32>
        %parallel_loop3A_131 = vector.broadcast %parallel_loop3A_130 : f32 to vector<16xf32>
        %parallel_loop3A_132 = math.exp %parallel_loop3A_131 : vector<16xf32>
        %parallel_loop3A_133 = arith.mulf %parallel_loop3A_117, %parallel_loop3A_132 : vector<16xf32>
        %parallel_loop3A_134 = arith.index_cast %parallel_loop3A_114 : i32 to index
        %parallel_loop3A_135 = arith.constant 0 : index
        %parallel_loop3A_136 = tpu.vector_load %arg15[%parallel_loop3A_134, %parallel_loop3A_135] {strides = array<i32>} : memref<400x32xf32, #tpu.memory_space<vmem>>, vector<16xf32>,
        tpu.vector_store %arg15[%parallel_loop3A_134, %parallel_loop3A_135], %parallel_loop3A_133 {strides = array<i32>} : memref<400x32xf32, #tpu.memory_space<vmem>>, vector<16xf32>,
        %parallel_loop3A_137 = arith.index_cast %parallel_loop3A_114 : i32 to index
        %parallel_loop3A_138 = arith.constant 16 : index
        %parallel_loop3A_139 = tpu.vector_load %arg15[%parallel_loop3A_137, %parallel_loop3A_138] {strides = array<i32>} : memref<400x32xf32, #tpu.memory_space<vmem>>, vector<16xf32>,
        tpu.vector_store %arg15[%parallel_loop3A_137, %parallel_loop3A_138], %parallel_loop3A_132 {strides = array<i32>} : memref<400x32xf32, #tpu.memory_space<vmem>>, vector<16xf32>,
      } {sc.loop_unroll_factor = 8 : i64, sc.parallel_access}
      "tpu.region"() ({
        %run_scoped3A_114 = tpu.sem_alloc : memref<!tpu.dma_semaphore, #tpu.memory_space<semaphore_mem>>
        %dma_start3A_115 = arith.constant 0 : i32
        %dma_start3A_116 = tpu.memref_slice %arg9[%add3A_51, %dma_start3A_115] : memref<25x400xi32, #tpu.memory_space<vmem>> -> memref<1x400xi32, #tpu.memory_space<vmem>>
        %dma_start3A_117 = tpu.memref_squeeze %dma_start3A_116 : memref<1x400xi32, #tpu.memory_space<vmem>> -> memref<400xi32, #tpu.memory_space<vmem>>
        %dma_start3A_118 = arith.constant 0 : i32
        %dma_start3A_119 = arith.constant 0 : i32
        %dma_start3A_120 = tpu.memref_slice %arg18[%dma_start3A_118, %dma_start3A_119] : memref<10000x32xf32, #tpu.memory_space<vmem_shared>> -> memref<10000x32xf32, #tpu.memory_space<vmem_shared>>
        tpu.enqueue_indirect_dma source(%arg15 : memref<400x32xf32, #tpu.memory_space<vmem>>) target(%dma_start3A_120 : memref<10000x32xf32, #tpu.memory_space<vmem_shared>>) offsets(%dma_start3A_117 : memref<400xi32, #tpu.memory_space<vmem>>) semaphore(%run_scoped3A_114 : memref<!tpu.dma_semaphore, #tpu.memory_space<semaphore_mem>>) {add = true}
        %dma_wait3A_121 = arith.constant 0 : i32
        %dma_wait3A_122 = tpu.memref_slice %arg9[%add3A_51, %dma_wait3A_121] : memref<25x400xi32, #tpu.memory_space<vmem>> -> memref<1x400xi32, #tpu.memory_space<vmem>>
        %dma_wait3A_123 = tpu.memref_squeeze %dma_wait3A_122 : memref<1x400xi32, #tpu.memory_space<vmem>> -> memref<400xi32, #tpu.memory_space<vmem>>
        %dma_wait3A_124 = arith.constant 0 : i32
        %dma_wait3A_125 = arith.constant 0 : i32
        %dma_wait3A_126 = tpu.memref_slice %arg18[%dma_wait3A_124, %dma_wait3A_125] : memref<10000x32xf32, #tpu.memory_space<vmem_shared>> -> memref<10000x32xf32, #tpu.memory_space<vmem_shared>>
        tpu.wait_indirect_dma semaphore(%run_scoped3A_114 : memref<!tpu.dma_semaphore, #tpu.memory_space<semaphore_mem>>) src(%arg15 : memref<400x32xf32, #tpu.memory_space<vmem>>) dst(%dma_wait3A_126 : memref<10000x32xf32, #tpu.memory_space<vmem_shared>>)
        tpu.yield
      }) : () -> ()
      %add3A_81 = arith.constant 1 : i32
      %add3A_82 = arith.addi %add3A_51, %add3A_81 : i32
      %dma_wait3A_83 = arith.constant 0 : i32
      %dma_wait3A_84 = tpu.memref_slice %arg8[%add3A_82, %dma_wait3A_83] : memref<25x400xi32, #tpu.memory_space<vmem>> -> memref<1x400xi32, #tpu.memory_space<vmem>>
      %dma_wait3A_85 = tpu.memref_squeeze %dma_wait3A_84 : memref<1x400xi32, #tpu.memory_space<vmem>> -> memref<400xi32, #tpu.memory_space<vmem>>
      %dma_wait3A_86 = arith.constant 0 : i32
      %dma_wait3A_87 = arith.constant 0 : i32
      %dma_wait3A_88 = tpu.memref_slice %arg2[%dma_wait3A_86, %dma_wait3A_87] : memref<10000x16xf32, #tpu.memory_space<hbm>> -> memref<10000x16xf32, #tpu.memory_space<hbm>>
      tpu.wait_indirect_dma semaphore(%arg21 : memref<!tpu.dma_semaphore, #tpu.memory_space<semaphore_mem>>) src(%dma_wait3A_88 : memref<10000x16xf32, #tpu.memory_space<hbm>>) dst(%arg13 : memref<400x16xf32, #tpu.memory_space<vmem>>)
      %dma_wait3A_89 = arith.constant 0 : i32
      %dma_wait3A_90 = tpu.memref_slice %arg9[%add3A_82, %dma_wait3A_89] : memref<25x400xi32, #tpu.memory_space<vmem>> -> memref<1x400xi32, #tpu.memory_space<vmem>>
      %dma_wait3A_91 = tpu.memref_squeeze %dma_wait3A_90 : memref<1x400xi32, #tpu.memory_space<vmem>> -> memref<400xi32, #tpu.memory_space<vmem>>
      %dma_wait3A_92 = arith.constant 0 : i32
      %dma_wait3A_93 = arith.constant 0 : i32
      %dma_wait3A_94 = tpu.memref_slice %arg3[%dma_wait3A_92, %dma_wait3A_93] : memref<10000x16xf32, #tpu.memory_space<hbm>> -> memref<10000x16xf32, #tpu.memory_space<hbm>>
      tpu.wait_indirect_dma semaphore(%arg22 : memref<!tpu.dma_semaphore, #tpu.memory_space<semaphore_mem>>) src(%dma_wait3A_94 : memref<10000x16xf32, #tpu.memory_space<hbm>>) dst(%arg14 : memref<400x16xf32, #tpu.memory_space<vmem>>)
      %add3A_95 = arith.constant 2 : i32
      %add3A_96 = arith.addi %add3A_51, %add3A_95 : i32
      %dma_start3A_97 = arith.constant 0 : i32
      %dma_start3A_98 = tpu.memref_slice %arg8[%add3A_96, %dma_start3A_97] : memref<25x400xi32, #tpu.memory_space<vmem>> -> memref<1x400xi32, #tpu.memory_space<vmem>>
      %dma_start3A_99 = tpu.memref_squeeze %dma_start3A_98 : memref<1x400xi32, #tpu.memory_space<vmem>> -> memref<400xi32, #tpu.memory_space<vmem>>
      %dma_start3A_100 = arith.constant 0 : i32
      %dma_start3A_101 = arith.constant 0 : i32
      %dma_start3A_102 = tpu.memref_slice %arg2[%dma_start3A_100, %dma_start3A_101] : memref<10000x16xf32, #tpu.memory_space<hbm>> -> memref<10000x16xf32, #tpu.memory_space<hbm>>
      tpu.enqueue_indirect_dma source(%dma_start3A_102 : memref<10000x16xf32, #tpu.memory_space<hbm>>) target(%arg11 : memref<400x16xf32, #tpu.memory_space<vmem>>) offsets(%dma_start3A_99 : memref<400xi32, #tpu.memory_space<vmem>>) semaphore(%arg19 : memref<!tpu.dma_semaphore, #tpu.memory_space<semaphore_mem>>)
      %dma_start3A_103 = arith.constant 0 : i32
      %dma_start3A_104 = tpu.memref_slice %arg9[%add3A_96, %dma_start3A_103] : memref<25x400xi32, #tpu.memory_space<vmem>> -> memref<1x400xi32, #tpu.memory_space<vmem>>
      %dma_start3A_105 = tpu.memref_squeeze %dma_start3A_104 : memref<1x400xi32, #tpu.memory_space<vmem>> -> memref<400xi32, #tpu.memory_space<vmem>>
      %dma_start3A_106 = arith.constant 0 : i32
      %dma_start3A_107 = arith.constant 0 : i32
      %dma_start3A_108 = tpu.memref_slice %arg3[%dma_start3A_106, %dma_start3A_107] : memref<10000x16xf32, #tpu.memory_space<hbm>> -> memref<10000x16xf32, #tpu.memory_space<hbm>>
      tpu.enqueue_indirect_dma source(%dma_start3A_108 : memref<10000x16xf32, #tpu.memory_space<hbm>>) target(%arg12 : memref<400x16xf32, #tpu.memory_space<vmem>>) offsets(%dma_start3A_105 : memref<400xi32, #tpu.memory_space<vmem>>) semaphore(%arg20 : memref<!tpu.dma_semaphore, #tpu.memory_space<semaphore_mem>>)
      %parallel_loop3A_109 = arith.constant 0 : i32
      %parallel_loop3A_110 = arith.constant 400 : i32
      %parallel_loop3A_111 = arith.constant 1 : i32
      scf.for %parallel_loop3A_114 = %parallel_loop3A_109 to %parallel_loop3A_110 step %parallel_loop3A_111  : i32 {
        %parallel_loop3A_115 = arith.index_cast %parallel_loop3A_114 : i32 to index
        %parallel_loop3A_116 = arith.constant 0 : index
        %parallel_loop3A_117 = tpu.vector_load %arg13[%parallel_loop3A_115, %parallel_loop3A_116] {strides = array<i32>} : memref<400x16xf32, #tpu.memory_space<vmem>>, vector<16xf32>,
        %parallel_loop3A_118 = arith.index_cast %parallel_loop3A_114 : i32 to index
        %parallel_loop3A_119 = arith.constant 0 : index
        %parallel_loop3A_120 = tpu.vector_load %arg14[%parallel_loop3A_118, %parallel_loop3A_119] {strides = array<i32>} : memref<400x16xf32, #tpu.memory_space<vmem>>, vector<16xf32>,
        %parallel_loop3A_121 = arith.addf %parallel_loop3A_117, %parallel_loop3A_120 : vector<16xf32>
        %parallel_loop3A_122 = arith.constant 2.000000e-01 : f32
        %parallel_loop3A_123 = vector.broadcast %parallel_loop3A_122 : f32 to vector<16xf32>
        %parallel_loop3A_124 = arith.mulf %parallel_loop3A_123, %parallel_loop3A_121 : vector<16xf32>
        %parallel_loop3A_125 = arith.maximumf %parallel_loop3A_121, %parallel_loop3A_124 : vector<16xf32>
        %parallel_loop3A_126 = arith.mulf %parallel_loop3A_125, %get3A_5 : vector<16xf32>
        %parallel_loop3A_127 = arith.constant true
        %parallel_loop3A_128 = vector.broadcast %parallel_loop3A_127 : i1 to vector<16xi1>
        %parallel_loop3A_129 = tpu.scan <sum>, %parallel_loop3A_126 masked %parallel_loop3A_128 : vector<16xf32>, vector<16xi1> -> vector<16xf32>
        %parallel_loop3A_130 = vector.extract %parallel_loop3A_129[15] : f32 from vector<16xf32>
        %parallel_loop3A_131 = vector.broadcast %parallel_loop3A_130 : f32 to vector<16xf32>
        %parallel_loop3A_132 = math.exp %parallel_loop3A_131 : vector<16xf32>
        %parallel_loop3A_133 = arith.mulf %parallel_loop3A_117, %parallel_loop3A_132 : vector<16xf32>
        %parallel_loop3A_134 = arith.index_cast %parallel_loop3A_114 : i32 to index
        %parallel_loop3A_135 = arith.constant 0 : index
        %parallel_loop3A_136 = tpu.vector_load %arg16[%parallel_loop3A_134, %parallel_loop3A_135] {strides = array<i32>} : memref<400x32xf32, #tpu.memory_space<vmem>>, vector<16xf32>,
        tpu.vector_store %arg16[%parallel_loop3A_134, %parallel_loop3A_135], %parallel_loop3A_133 {strides = array<i32>} : memref<400x32xf32, #tpu.memory_space<vmem>>, vector<16xf32>,
        %parallel_loop3A_137 = arith.index_cast %parallel_loop3A_114 : i32 to index
        %parallel_loop3A_138 = arith.constant 16 : index
        %parallel_loop3A_139 = tpu.vector_load %arg16[%parallel_loop3A_137, %parallel_loop3A_138] {strides = array<i32>} : memref<400x32xf32, #tpu.memory_space<vmem>>, vector<16xf32>,
        tpu.vector_store %arg16[%parallel_loop3A_137, %parallel_loop3A_138], %parallel_loop3A_132 {strides = array<i32>} : memref<400x32xf32, #tpu.memory_space<vmem>>, vector<16xf32>,
      } {sc.loop_unroll_factor = 8 : i64, sc.parallel_access}
      %add3A_112 = arith.constant 1 : i32
      %add3A_113 = arith.addi %add3A_51, %add3A_112 : i32
      "tpu.region"() ({
        %run_scoped3A_114 = tpu.sem_alloc : memref<!tpu.dma_semaphore, #tpu.memory_space<semaphore_mem>>
        %dma_start3A_115 = arith.constant 0 : i32
        %dma_start3A_116 = tpu.memref_slice %arg9[%add3A_113, %dma_start3A_115] : memref<25x400xi32, #tpu.memory_space<vmem>> -> memref<1x400xi32, #tpu.memory_space<vmem>>
        %dma_start3A_117 = tpu.memref_squeeze %dma_start3A_116 : memref<1x400xi32, #tpu.memory_space<vmem>> -> memref<400xi32, #tpu.memory_space<vmem>>
        %dma_start3A_118 = arith.constant 0 : i32
        %dma_start3A_119 = arith.constant 0 : i32
        %dma_start3A_120 = tpu.memref_slice %arg18[%dma_start3A_118, %dma_start3A_119] : memref<10000x32xf32, #tpu.memory_space<vmem_shared>> -> memref<10000x32xf32, #tpu.memory_space<vmem_shared>>
        tpu.enqueue_indirect_dma source(%arg16 : memref<400x32xf32, #tpu.memory_space<vmem>>) target(%dma_start3A_120 : memref<10000x32xf32, #tpu.memory_space<vmem_shared>>) offsets(%dma_start3A_117 : memref<400xi32, #tpu.memory_space<vmem>>) semaphore(%run_scoped3A_114 : memref<!tpu.dma_semaphore, #tpu.memory_space<semaphore_mem>>) {add = true}
        %dma_wait3A_121 = arith.constant 0 : i32
        %dma_wait3A_122 = tpu.memref_slice %arg9[%add3A_113, %dma_wait3A_121] : memref<25x400xi32, #tpu.memory_space<vmem>> -> memref<1x400xi32, #tpu.memory_space<vmem>>
        %dma_wait3A_123 = tpu.memref_squeeze %dma_wait3A_122 : memref<1x400xi32, #tpu.memory_space<vmem>> -> memref<400xi32, #tpu.memory_space<vmem>>
        %dma_wait3A_124 = arith.constant 0 : i32
        %dma_wait3A_125 = arith.constant 0 : i32
        %dma_wait3A_126 = tpu.memref_slice %arg18[%dma_wait3A_124, %dma_wait3A_125] : memref<10000x32xf32, #tpu.memory_space<vmem_shared>> -> memref<10000x32xf32, #tpu.memory_space<vmem_shared>>
        tpu.wait_indirect_dma semaphore(%run_scoped3A_114 : memref<!tpu.dma_semaphore, #tpu.memory_space<semaphore_mem>>) src(%arg16 : memref<400x32xf32, #tpu.memory_space<vmem>>) dst(%dma_wait3A_126 : memref<10000x32xf32, #tpu.memory_space<vmem_shared>>)
        tpu.yield
      }) : () -> ()
    }
    %scan3A_22 = arith.constant 12 : i32
    %dma_wait3A = arith.constant 24 : i32
    %dma_wait3A_23 = arith.constant 0 : i32
    %dma_wait3A_24 = tpu.memref_slice %arg8[%dma_wait3A, %dma_wait3A_23] : memref<25x400xi32, #tpu.memory_space<vmem>> -> memref<1x400xi32, #tpu.memory_space<vmem>>
    %dma_wait3A_25 = tpu.memref_squeeze %dma_wait3A_24 : memref<1x400xi32, #tpu.memory_space<vmem>> -> memref<400xi32, #tpu.memory_space<vmem>>
    %dma_wait3A_26 = arith.constant 0 : i32
    %dma_wait3A_27 = arith.constant 0 : i32
    %dma_wait3A_28 = tpu.memref_slice %arg2[%dma_wait3A_26, %dma_wait3A_27] : memref<10000x16xf32, #tpu.memory_space<hbm>> -> memref<10000x16xf32, #tpu.memory_space<hbm>>
    tpu.wait_indirect_dma semaphore(%arg19 : memref<!tpu.dma_semaphore, #tpu.memory_space<semaphore_mem>>) src(%dma_wait3A_28 : memref<10000x16xf32, #tpu.memory_space<hbm>>) dst(%arg11 : memref<400x16xf32, #tpu.memory_space<vmem>>)
    %dma_wait3A_29 = arith.constant 24 : i32
    %dma_wait3A_30 = arith.constant 0 : i32
    %dma_wait3A_31 = tpu.memref_slice %arg9[%dma_wait3A_29, %dma_wait3A_30] : memref<25x400xi32, #tpu.memory_space<vmem>> -> memref<1x400xi32, #tpu.memory_space<vmem>>
    %dma_wait3A_32 = tpu.memref_squeeze %dma_wait3A_31 : memref<1x400xi32, #tpu.memory_space<vmem>> -> memref<400xi32, #tpu.memory_space<vmem>>
    %dma_wait3A_33 = arith.constant 0 : i32
    %dma_wait3A_34 = arith.constant 0 : i32
    %dma_wait3A_35 = tpu.memref_slice %arg3[%dma_wait3A_33, %dma_wait3A_34] : memref<10000x16xf32, #tpu.memory_space<hbm>> -> memref<10000x16xf32, #tpu.memory_space<hbm>>
    tpu.wait_indirect_dma semaphore(%arg20 : memref<!tpu.dma_semaphore, #tpu.memory_space<semaphore_mem>>) src(%dma_wait3A_35 : memref<10000x16xf32, #tpu.memory_space<hbm>>) dst(%arg12 : memref<400x16xf32, #tpu.memory_space<vmem>>)
    %parallel_loop3A_36 = arith.constant 0 : i32
    %parallel_loop3A_37 = arith.constant 400 : i32
    %parallel_loop3A_38 = arith.constant 1 : i32
    scf.for %parallel_loop3A_47 = %parallel_loop3A_36 to %parallel_loop3A_37 step %parallel_loop3A_38  : i32 {
      %parallel_loop3A_48 = arith.index_cast %parallel_loop3A_47 : i32 to index
      %parallel_loop3A_49 = arith.constant 0 : index
      %parallel_loop3A_50 = tpu.vector_load %arg11[%parallel_loop3A_48, %parallel_loop3A_49] {strides = array<i32>} : memref<400x16xf32, #tpu.memory_space<vmem>>, vector<16xf32>,
      %parallel_loop3A_51 = arith.index_cast %parallel_loop3A_47 : i32 to index
      %parallel_loop3A_52 = arith.constant 0 : index
      %parallel_loop3A_53 = tpu.vector_load %arg12[%parallel_loop3A_51, %parallel_loop3A_52] {strides = array<i32>} : memref<400x16xf32, #tpu.memory_space<vmem>>, vector<16xf32>,
      %parallel_loop3A_54 = arith.addf %parallel_loop3A_50, %parallel_loop3A_53 : vector<16xf32>
      %parallel_loop3A_55 = arith.constant 2.000000e-01 : f32
      %parallel_loop3A_56 = vector.broadcast %parallel_loop3A_55 : f32 to vector<16xf32>
      %parallel_loop3A_57 = arith.mulf %parallel_loop3A_56, %parallel_loop3A_54 : vector<16xf32>
      %parallel_loop3A_58 = arith.maximumf %parallel_loop3A_54, %parallel_loop3A_57 : vector<16xf32>
      %parallel_loop3A_59 = arith.mulf %parallel_loop3A_58, %get3A_5 : vector<16xf32>
      %parallel_loop3A_60 = arith.constant true
      %parallel_loop3A_61 = vector.broadcast %parallel_loop3A_60 : i1 to vector<16xi1>
      %parallel_loop3A_62 = tpu.scan <sum>, %parallel_loop3A_59 masked %parallel_loop3A_61 : vector<16xf32>, vector<16xi1> -> vector<16xf32>
      %parallel_loop3A_63 = vector.extract %parallel_loop3A_62[15] : f32 from vector<16xf32>
      %parallel_loop3A_64 = vector.broadcast %parallel_loop3A_63 : f32 to vector<16xf32>
      %parallel_loop3A_65 = math.exp %parallel_loop3A_64 : vector<16xf32>
      %parallel_loop3A_66 = arith.mulf %parallel_loop3A_50, %parallel_loop3A_65 : vector<16xf32>
      %parallel_loop3A_67 = arith.index_cast %parallel_loop3A_47 : i32 to index
      %parallel_loop3A_68 = arith.constant 0 : index
      %parallel_loop3A_69 = tpu.vector_load %arg15[%parallel_loop3A_67, %parallel_loop3A_68] {strides = array<i32>} : memref<400x32xf32, #tpu.memory_space<vmem>>, vector<16xf32>,
      tpu.vector_store %arg15[%parallel_loop3A_67, %parallel_loop3A_68], %parallel_loop3A_66 {strides = array<i32>} : memref<400x32xf32, #tpu.memory_space<vmem>>, vector<16xf32>,
      %parallel_loop3A_70 = arith.index_cast %parallel_loop3A_47 : i32 to index
      %parallel_loop3A_71 = arith.constant 16 : index
      %parallel_loop3A_72 = tpu.vector_load %arg15[%parallel_loop3A_70, %parallel_loop3A_71] {strides = array<i32>} : memref<400x32xf32, #tpu.memory_space<vmem>>, vector<16xf32>,
      tpu.vector_store %arg15[%parallel_loop3A_70, %parallel_loop3A_71], %parallel_loop3A_65 {strides = array<i32>} : memref<400x32xf32, #tpu.memory_space<vmem>>, vector<16xf32>,
    } {sc.loop_unroll_factor = 8 : i64, sc.parallel_access}
    %run_scoped3A = arith.constant 24 : i32
    "tpu.region"() ({
      %run_scoped3A_47 = tpu.sem_alloc : memref<!tpu.dma_semaphore, #tpu.memory_space<semaphore_mem>>
      %dma_start3A_48 = arith.constant 0 : i32
      %dma_start3A_49 = tpu.memref_slice %arg9[%run_scoped3A, %dma_start3A_48] : memref<25x400xi32, #tpu.memory_space<vmem>> -> memref<1x400xi32, #tpu.memory_space<vmem>>
      %dma_start3A_50 = tpu.memref_squeeze %dma_start3A_49 : memref<1x400xi32, #tpu.memory_space<vmem>> -> memref<400xi32, #tpu.memory_space<vmem>>
      %dma_start3A_51 = arith.constant 0 : i32
      %dma_start3A_52 = arith.constant 0 : i32
      %dma_start3A_53 = tpu.memref_slice %arg18[%dma_start3A_51, %dma_start3A_52] : memref<10000x32xf32, #tpu.memory_space<vmem_shared>> -> memref<10000x32xf32, #tpu.memory_space<vmem_shared>>
      tpu.enqueue_indirect_dma source(%arg15 : memref<400x32xf32, #tpu.memory_space<vmem>>) target(%dma_start3A_53 : memref<10000x32xf32, #tpu.memory_space<vmem_shared>>) offsets(%dma_start3A_50 : memref<400xi32, #tpu.memory_space<vmem>>) semaphore(%run_scoped3A_47 : memref<!tpu.dma_semaphore, #tpu.memory_space<semaphore_mem>>) {add = true}
      %dma_wait3A_54 = arith.constant 0 : i32
      %dma_wait3A_55 = tpu.memref_slice %arg9[%run_scoped3A, %dma_wait3A_54] : memref<25x400xi32, #tpu.memory_space<vmem>> -> memref<1x400xi32, #tpu.memory_space<vmem>>
      %dma_wait3A_56 = tpu.memref_squeeze %dma_wait3A_55 : memref<1x400xi32, #tpu.memory_space<vmem>> -> memref<400xi32, #tpu.memory_space<vmem>>
      %dma_wait3A_57 = arith.constant 0 : i32
      %dma_wait3A_58 = arith.constant 0 : i32
      %dma_wait3A_59 = tpu.memref_slice %arg18[%dma_wait3A_57, %dma_wait3A_58] : memref<10000x32xf32, #tpu.memory_space<vmem_shared>> -> memref<10000x32xf32, #tpu.memory_space<vmem_shared>>
      tpu.wait_indirect_dma semaphore(%run_scoped3A_47 : memref<!tpu.dma_semaphore, #tpu.memory_space<semaphore_mem>>) src(%arg15 : memref<400x32xf32, #tpu.memory_space<vmem>>) dst(%dma_wait3A_59 : memref<10000x32xf32, #tpu.memory_space<vmem_shared>>)
      tpu.yield
    }) : () -> ()
    %barrier3A_39 = arith.constant 0 : index
    tpu.barrier barrier_id(%barrier3A_39)
    %mul3A_40 = arith.constant 625 : i32
    %mul3A_41 = arith.muli %arg1, %mul3A_40 : i32
    %mul3A_42 = arith.constant 10000 : i32
    %mul3A_43 = arith.muli %arg0, %mul3A_42 : i32
    %mul3A_44 = arith.constant 625 : i32
    %mul3A_45 = arith.muli %arg1, %mul3A_44 : i32
    %add3A_46 = arith.addi %mul3A_43, %mul3A_45 : i32
    "tpu.region"() ({
      %run_scoped3A_47 = tpu.sem_alloc : memref<!tpu.dma_semaphore, #tpu.memory_space<semaphore_mem>>
      %dma_start3A_48 = arith.constant 0 : i32
      %dma_start3A_49 = tpu.memref_slice %arg7[%add3A_46, %dma_start3A_48] : memref<20000x32xf32, #tpu.memory_space<hbm>> -> memref<625x32xf32, #tpu.memory_space<hbm>>
      %dma_start3A_50 = arith.constant 0 : i32
      %dma_start3A_51 = tpu.memref_slice %arg18[%mul3A_41, %dma_start3A_50] : memref<10000x32xf32, #tpu.memory_space<vmem_shared>> -> memref<625x32xf32, #tpu.memory_space<vmem_shared>>
      tpu.enqueue_dma source(%dma_start3A_51 : memref<625x32xf32, #tpu.memory_space<vmem_shared>>) target(%dma_start3A_49 : memref<625x32xf32, #tpu.memory_space<hbm>>) target_semaphore(%run_scoped3A_47 : memref<!tpu.dma_semaphore, #tpu.memory_space<semaphore_mem>>)
      %dma_wait3A_52 = arith.constant 0 : i32
      %dma_wait3A_53 = tpu.memref_slice %arg7[%add3A_46, %dma_wait3A_52] : memref<20000x32xf32, #tpu.memory_space<hbm>> -> memref<625x32xf32, #tpu.memory_space<hbm>>
      %dma_wait3A_54 = arith.constant 0 : i32
      %dma_wait3A_55 = tpu.memref_slice %arg18[%mul3A_41, %dma_wait3A_54] : memref<10000x32xf32, #tpu.memory_space<vmem_shared>> -> memref<625x32xf32, #tpu.memory_space<vmem_shared>>
      tpu.wait_dma2 semaphore(%run_scoped3A_47 : memref<!tpu.dma_semaphore, #tpu.memory_space<semaphore_mem>>) src(%dma_wait3A_55 : memref<625x32xf32, #tpu.memory_space<vmem_shared>>) dst(%dma_wait3A_53 : memref<625x32xf32, #tpu.memory_space<hbm>>)
      tpu.yield
    }) : () -> ()
    return
  }
}

#map = affine_map<(d0, d1) -> (0, 0)>
#map1 = affine_map<(d0, d1) -> (0, 0, 0)>
#map2 = affine_map<(d0, d1) -> (0)>
module attributes {stable_mosaic.version = 14 : i64} {
  func.func @k(%arg0: i32, %arg1: i32, %arg2: memref<10000x16xf32, #tpu.memory_space<hbm>>, %arg3: memref<10000x16xf32, #tpu.memory_space<hbm>>, %arg4: memref<32x25x400xi32, #tpu.memory_space<hbm>>, %arg5: memref<32x25x400xi32, #tpu.memory_space<hbm>>, %arg6: memref<16xf32, #tpu.memory_space<hbm>>, %arg7: memref<20000x32xf32, #tpu.memory_space<hbm>>, %arg8: memref<25x400xi32, #tpu.memory_space<vmem>>, %arg9: memref<25x400xi32, #tpu.memory_space<vmem>>, %arg10: memref<16xf32, #tpu.memory_space<vmem>>, %arg11: memref<400x16xf32, #tpu.memory_space<vmem>>, %arg12: memref<400x16xf32, #tpu.memory_space<vmem>>, %arg13: memref<400x16xf32, #tpu.memory_space<vmem>>, %arg14: memref<400x16xf32, #tpu.memory_space<vmem>>, %arg15: memref<400x32xf32, #tpu.memory_space<vmem>>, %arg16: memref<400x32xf32, #tpu.memory_space<vmem>>, %arg17: memref<625x32xf32, #tpu.memory_space<vmem>>, %arg18: memref<10000x32xf32, #tpu.memory_space<vmem_shared>>, %arg19: memref<!tpu.dma_semaphore, #tpu.memory_space<semaphore_mem>>, %arg20: memref<!tpu.dma_semaphore, #tpu.memory_space<semaphore_mem>>, %arg21: memref<!tpu.dma_semaphore, #tpu.memory_space<semaphore_mem>>, %arg22: memref<!tpu.dma_semaphore, #tpu.memory_space<semaphore_mem>>) attributes {dimension_semantics = [#tpu.dimension_semantics<core_parallel>, #tpu.dimension_semantics<subcore_parallel>], iteration_bounds = array<i64: 2, 16>, scalar_prefetch = 0 : i64, scratch_operands = 15 : i64, tpu.core_type = #tpu.core_type<sc_vector_subcore>, window_params = [{transform_indices = #map}, {transform_indices = #map}, {transform_indices = #map1}, {transform_indices = #map1}, {transform_indices = #map2}, {transform_indices = #map}]} {
    %mul3A = arith.constant 16 : i32
    %mul3A_0 = arith.muli %arg0, %mul3A : i32
    %add3A = arith.addi %mul3A_0, %arg1 : i32
    %parallel_loop3A = arith.constant 0 : i32
    %parallel_loop3A_1 = arith.constant 625 : i32
    %parallel_loop3A_2 = arith.constant 1 : i32
    scf.for %parallel_loop3A_47 = %parallel_loop3A to %parallel_loop3A_1 step %parallel_loop3A_2  : i32 {
      %parallel_loop3A_48 = arith.constant 0.000000e+00 : f32
      %parallel_loop3A_49 = vector.broadcast %parallel_loop3A_48 : f32 to vector<16xf32>
      %parallel_loop3A_50 = arith.index_cast %parallel_loop3A_47 : i32 to index
      %parallel_loop3A_51 = arith.constant 0 : index
      %parallel_loop3A_52 = tpu.vector_load %arg17[%parallel_loop3A_50, %parallel_loop3A_51] {strides = array<i32>} : memref<625x32xf32, #tpu.memory_space<vmem>>, vector<16xf32>,
      tpu.vector_store %arg17[%parallel_loop3A_50, %parallel_loop3A_51], %parallel_loop3A_49 {strides = array<i32>} : memref<625x32xf32, #tpu.memory_space<vmem>>, vector<16xf32>,
      %parallel_loop3A_53 = arith.constant 0.000000e+00 : f32
      %parallel_loop3A_54 = vector.broadcast %parallel_loop3A_53 : f32 to vector<16xf32>
      %parallel_loop3A_55 = arith.index_cast %parallel_loop3A_47 : i32 to index
      %parallel_loop3A_56 = arith.constant 16 : index
      %parallel_loop3A_57 = tpu.vector_load %arg17[%parallel_loop3A_55, %parallel_loop3A_56] {strides = array<i32>} : memref<625x32xf32, #tpu.memory_space<vmem>>, vector<16xf32>,
      tpu.vector_store %arg17[%parallel_loop3A_55, %parallel_loop3A_56], %parallel_loop3A_54 {strides = array<i32>} : memref<625x32xf32, #tpu.memory_space<vmem>>, vector<16xf32>,
    } {sc.loop_unroll_factor = 1 : i64, sc.parallel_access}
    %mul3A_3 = arith.constant 625 : i32
    %mul3A_4 = arith.muli %arg1, %mul3A_3 : i32
    "tpu.region"() ({
      %run_scoped3A_47 = tpu.sem_alloc : memref<!tpu.dma_semaphore, #tpu.memory_space<semaphore_mem>>
      %dma_start3A_48 = arith.constant 0 : i32
      %dma_start3A_49 = tpu.memref_slice %arg18[%mul3A_4, %dma_start3A_48] : memref<10000x32xf32, #tpu.memory_space<vmem_shared>> -> memref<625x32xf32, #tpu.memory_space<vmem_shared>>
      %dma_start3A_50 = arith.constant 0 : i32
      %dma_start3A_51 = tpu.memref_slice %arg18[%mul3A_4, %dma_start3A_50] : memref<10000x32xf32, #tpu.memory_space<vmem_shared>> -> memref<625x32xf32, #tpu.memory_space<vmem_shared>>
      tpu.enqueue_dma source(%arg17 : memref<625x32xf32, #tpu.memory_space<vmem>>) target(%dma_start3A_51 : memref<625x32xf32, #tpu.memory_space<vmem_shared>>) target_semaphore(%run_scoped3A_47 : memref<!tpu.dma_semaphore, #tpu.memory_space<semaphore_mem>>)
      %dma_wait3A_52 = arith.constant 0 : i32
      %dma_wait3A_53 = tpu.memref_slice %arg18[%mul3A_4, %dma_wait3A_52] : memref<10000x32xf32, #tpu.memory_space<vmem_shared>> -> memref<625x32xf32, #tpu.memory_space<vmem_shared>>
      %dma_wait3A_54 = arith.constant 0 : i32
      %dma_wait3A_55 = tpu.memref_slice %arg18[%mul3A_4, %dma_wait3A_54] : memref<10000x32xf32, #tpu.memory_space<vmem_shared>> -> memref<625x32xf32, #tpu.memory_space<vmem_shared>>
      tpu.wait_dma2 semaphore(%run_scoped3A_47 : memref<!tpu.dma_semaphore, #tpu.memory_space<semaphore_mem>>) src(%arg17 : memref<625x32xf32, #tpu.memory_space<vmem>>) dst(%dma_wait3A_55 : memref<625x32xf32, #tpu.memory_space<vmem_shared>>)
      tpu.yield
    }) : () -> ()
    "tpu.region"() ({
      %run_scoped3A_47 = tpu.sem_alloc : memref<!tpu.dma_semaphore, #tpu.memory_space<semaphore_mem>>
      %dma_start3A_48 = arith.constant 0 : i32
      %dma_start3A_49 = arith.constant 0 : i32
      %dma_start3A_50 = tpu.memref_slice %arg4[%add3A, %dma_start3A_48, %dma_start3A_49] : memref<32x25x400xi32, #tpu.memory_space<hbm>> -> memref<1x25x400xi32, #tpu.memory_space<hbm>>
      %dma_start3A_51 = tpu.memref_squeeze %dma_start3A_50 : memref<1x25x400xi32, #tpu.memory_space<hbm>> -> memref<25x400xi32, #tpu.memory_space<hbm>>
      %dma_start3A_52 = arith.constant 0 : i32
      %dma_start3A_53 = arith.constant 0 : i32
      %dma_start3A_54 = tpu.memref_slice %arg4[%add3A, %dma_start3A_52, %dma_start3A_53] : memref<32x25x400xi32, #tpu.memory_space<hbm>> -> memref<1x25x400xi32, #tpu.memory_space<hbm>>
      %dma_start3A_55 = tpu.memref_squeeze %dma_start3A_54 : memref<1x25x400xi32, #tpu.memory_space<hbm>> -> memref<25x400xi32, #tpu.memory_space<hbm>>
      tpu.enqueue_dma source(%dma_start3A_55 : memref<25x400xi32, #tpu.memory_space<hbm>>) target(%arg8 : memref<25x400xi32, #tpu.memory_space<vmem>>) target_semaphore(%run_scoped3A_47 : memref<!tpu.dma_semaphore, #tpu.memory_space<semaphore_mem>>)
      %dma_wait3A_56 = arith.constant 0 : i32
      %dma_wait3A_57 = arith.constant 0 : i32
      %dma_wait3A_58 = tpu.memref_slice %arg4[%add3A, %dma_wait3A_56, %dma_wait3A_57] : memref<32x25x400xi32, #tpu.memory_space<hbm>> -> memref<1x25x400xi32, #tpu.memory_space<hbm>>
      %dma_wait3A_59 = tpu.memref_squeeze %dma_wait3A_58 : memref<1x25x400xi32, #tpu.memory_space<hbm>> -> memref<25x400xi32, #tpu.memory_space<hbm>>
      %dma_wait3A_60 = arith.constant 0 : i32
      %dma_wait3A_61 = arith.constant 0 : i32
      %dma_wait3A_62 = tpu.memref_slice %arg4[%add3A, %dma_wait3A_60, %dma_wait3A_61] : memref<32x25x400xi32, #tpu.memory_space<hbm>> -> memref<1x25x400xi32, #tpu.memory_space<hbm>>
      %dma_wait3A_63 = tpu.memref_squeeze %dma_wait3A_62 : memref<1x25x400xi32, #tpu.memory_space<hbm>> -> memref<25x400xi32, #tpu.memory_space<hbm>>
      tpu.wait_dma2 semaphore(%run_scoped3A_47 : memref<!tpu.dma_semaphore, #tpu.memory_space<semaphore_mem>>) src(%dma_wait3A_63 : memref<25x400xi32, #tpu.memory_space<hbm>>) dst(%arg8 : memref<25x400xi32, #tpu.memory_space<vmem>>)
      tpu.yield
    }) : () -> ()
    "tpu.region"() ({
      %run_scoped3A_47 = tpu.sem_alloc : memref<!tpu.dma_semaphore, #tpu.memory_space<semaphore_mem>>
      %dma_start3A_48 = arith.constant 0 : i32
      %dma_start3A_49 = arith.constant 0 : i32
      %dma_start3A_50 = tpu.memref_slice %arg5[%add3A, %dma_start3A_48, %dma_start3A_49] : memref<32x25x400xi32, #tpu.memory_space<hbm>> -> memref<1x25x400xi32, #tpu.memory_space<hbm>>
      %dma_start3A_51 = tpu.memref_squeeze %dma_start3A_50 : memref<1x25x400xi32, #tpu.memory_space<hbm>> -> memref<25x400xi32, #tpu.memory_space<hbm>>
      %dma_start3A_52 = arith.constant 0 : i32
      %dma_start3A_53 = arith.constant 0 : i32
      %dma_start3A_54 = tpu.memref_slice %arg5[%add3A, %dma_start3A_52, %dma_start3A_53] : memref<32x25x400xi32, #tpu.memory_space<hbm>> -> memref<1x25x400xi32, #tpu.memory_space<hbm>>
      %dma_start3A_55 = tpu.memref_squeeze %dma_start3A_54 : memref<1x25x400xi32, #tpu.memory_space<hbm>> -> memref<25x400xi32, #tpu.memory_space<hbm>>
      tpu.enqueue_dma source(%dma_start3A_55 : memref<25x400xi32, #tpu.memory_space<hbm>>) target(%arg9 : memref<25x400xi32, #tpu.memory_space<vmem>>) target_semaphore(%run_scoped3A_47 : memref<!tpu.dma_semaphore, #tpu.memory_space<semaphore_mem>>)
      %dma_wait3A_56 = arith.constant 0 : i32
      %dma_wait3A_57 = arith.constant 0 : i32
      %dma_wait3A_58 = tpu.memref_slice %arg5[%add3A, %dma_wait3A_56, %dma_wait3A_57] : memref<32x25x400xi32, #tpu.memory_space<hbm>> -> memref<1x25x400xi32, #tpu.memory_space<hbm>>
      %dma_wait3A_59 = tpu.memref_squeeze %dma_wait3A_58 : memref<1x25x400xi32, #tpu.memory_space<hbm>> -> memref<25x400xi32, #tpu.memory_space<hbm>>
      %dma_wait3A_60 = arith.constant 0 : i32
      %dma_wait3A_61 = arith.constant 0 : i32
      %dma_wait3A_62 = tpu.memref_slice %arg5[%add3A, %dma_wait3A_60, %dma_wait3A_61] : memref<32x25x400xi32, #tpu.memory_space<hbm>> -> memref<1x25x400xi32, #tpu.memory_space<hbm>>
      %dma_wait3A_63 = tpu.memref_squeeze %dma_wait3A_62 : memref<1x25x400xi32, #tpu.memory_space<hbm>> -> memref<25x400xi32, #tpu.memory_space<hbm>>
      tpu.wait_dma2 semaphore(%run_scoped3A_47 : memref<!tpu.dma_semaphore, #tpu.memory_space<semaphore_mem>>) src(%dma_wait3A_63 : memref<25x400xi32, #tpu.memory_space<hbm>>) dst(%arg9 : memref<25x400xi32, #tpu.memory_space<vmem>>)
      tpu.yield
    }) : () -> ()
    "tpu.region"() ({
      %run_scoped3A_47 = tpu.sem_alloc : memref<!tpu.dma_semaphore, #tpu.memory_space<semaphore_mem>>
      tpu.enqueue_dma source(%arg6 : memref<16xf32, #tpu.memory_space<hbm>>) target(%arg10 : memref<16xf32, #tpu.memory_space<vmem>>) target_semaphore(%run_scoped3A_47 : memref<!tpu.dma_semaphore, #tpu.memory_space<semaphore_mem>>)
      tpu.wait_dma2 semaphore(%run_scoped3A_47 : memref<!tpu.dma_semaphore, #tpu.memory_space<semaphore_mem>>) src(%arg6 : memref<16xf32, #tpu.memory_space<hbm>>) dst(%arg10 : memref<16xf32, #tpu.memory_space<vmem>>)
      tpu.yield
    }) : () -> ()
    %barrier3A = arith.constant 0 : index
    tpu.barrier barrier_id(%barrier3A)
    %get3A = arith.constant 0 : index
    %get3A_5 = tpu.vector_load %arg10[%get3A] {strides = array<i32>} : memref<16xf32, #tpu.memory_space<vmem>>, vector<16xf32>,
    %dma_start3A = arith.constant 0 : i32
    %dma_start3A_6 = arith.constant 0 : i32
    %dma_start3A_7 = tpu.memref_slice %arg8[%dma_start3A, %dma_start3A_6] : memref<25x400xi32, #tpu.memory_space<vmem>> -> memref<1x400xi32, #tpu.memory_space<vmem>>
    %dma_start3A_8 = tpu.memref_squeeze %dma_start3A_7 : memref<1x400xi32, #tpu.memory_space<vmem>> -> memref<400xi32, #tpu.memory_space<vmem>>
    %dma_start3A_9 = arith.constant 0 : i32
    %dma_start3A_10 = arith.constant 0 : i32
    %dma_start3A_11 = tpu.memref_slice %arg2[%dma_start3A_9, %dma_start3A_10] : memref<10000x16xf32, #tpu.memory_space<hbm>> -> memref<10000x16xf32, #tpu.memory_space<hbm>>
    tpu.enqueue_indirect_dma source(%dma_start3A_11 : memref<10000x16xf32, #tpu.memory_space<hbm>>) target(%arg11 : memref<400x16xf32, #tpu.memory_space<vmem>>) offsets(%dma_start3A_8 : memref<400xi32, #tpu.memory_space<vmem>>) semaphore(%arg19 : memref<!tpu.dma_semaphore, #tpu.memory_space<semaphore_mem>>)
    %dma_start3A_12 = arith.constant 0 : i32
    %dma_start3A_13 = arith.constant 0 : i32
    %dma_start3A_14 = tpu.memref_slice %arg9[%dma_start3A_12, %dma_start3A_13] : memref<25x400xi32, #tpu.memory_space<vmem>> -> memref<1x400xi32, #tpu.memory_space<vmem>>
    %dma_start3A_15 = tpu.memref_squeeze %dma_start3A_14 : memref<1x400xi32, #tpu.memory_space<vmem>> -> memref<400xi32, #tpu.memory_space<vmem>>
    %dma_start3A_16 = arith.constant 0 : i32
    %dma_start3A_17 = arith.constant 0 : i32
    %dma_start3A_18 = tpu.memref_slice %arg3[%dma_start3A_16, %dma_start3A_17] : memref<10000x16xf32, #tpu.memory_space<hbm>> -> memref<10000x16xf32, #tpu.memory_space<hbm>>
    tpu.enqueue_indirect_dma source(%dma_start3A_18 : memref<10000x16xf32, #tpu.memory_space<hbm>>) target(%arg12 : memref<400x16xf32, #tpu.memory_space<vmem>>) offsets(%dma_start3A_15 : memref<400xi32, #tpu.memory_space<vmem>>) semaphore(%arg20 : memref<!tpu.dma_semaphore, #tpu.memory_space<semaphore_mem>>)
    %scan3A = arith.constant 0 : i32
    %scan3A_19 = arith.constant 12 : i32
    %scan3A_20 = arith.addi %scan3A, %scan3A_19 : i32
    %scan3A_21 = arith.constant 1 : i32
    scf.for %scan3A_47 = %scan3A to %scan3A_20 step %scan3A_21  : i32 {
      %mul3A_48 = arith.constant 2 : i32
      %mul3A_49 = arith.muli %scan3A_47, %mul3A_48 : i32
      %add3A_50 = arith.constant 0 : i32
      %add3A_51 = arith.addi %add3A_50, %mul3A_49 : i32
      %dma_wait3A_52 = arith.constant 0 : i32
      %dma_wait3A_53 = tpu.memref_slice %arg8[%add3A_51, %dma_wait3A_52] : memref<25x400xi32, #tpu.memory_space<vmem>> -> memref<1x400xi32, #tpu.memory_space<vmem>>
      %dma_wait3A_54 = tpu.memref_squeeze %dma_wait3A_53 : memref<1x400xi32, #tpu.memory_space<vmem>> -> memref<400xi32, #tpu.memory_space<vmem>>
      %dma_wait3A_55 = arith.constant 0 : i32
      %dma_wait3A_56 = arith.constant 0 : i32
      %dma_wait3A_57 = tpu.memref_slice %arg2[%dma_wait3A_55, %dma_wait3A_56] : memref<10000x16xf32, #tpu.memory_space<hbm>> -> memref<10000x16xf32, #tpu.memory_space<hbm>>
      tpu.wait_indirect_dma semaphore(%arg19 : memref<!tpu.dma_semaphore, #tpu.memory_space<semaphore_mem>>) src(%dma_wait3A_57 : memref<10000x16xf32, #tpu.memory_space<hbm>>) dst(%arg11 : memref<400x16xf32, #tpu.memory_space<vmem>>)
      %dma_wait3A_58 = arith.constant 0 : i32
      %dma_wait3A_59 = tpu.memref_slice %arg9[%add3A_51, %dma_wait3A_58] : memref<25x400xi32, #tpu.memory_space<vmem>> -> memref<1x400xi32, #tpu.memory_space<vmem>>
      %dma_wait3A_60 = tpu.memref_squeeze %dma_wait3A_59 : memref<1x400xi32, #tpu.memory_space<vmem>> -> memref<400xi32, #tpu.memory_space<vmem>>
      %dma_wait3A_61 = arith.constant 0 : i32
      %dma_wait3A_62 = arith.constant 0 : i32
      %dma_wait3A_63 = tpu.memref_slice %arg3[%dma_wait3A_61, %dma_wait3A_62] : memref<10000x16xf32, #tpu.memory_space<hbm>> -> memref<10000x16xf32, #tpu.memory_space<hbm>>
      tpu.wait_indirect_dma semaphore(%arg20 : memref<!tpu.dma_semaphore, #tpu.memory_space<semaphore_mem>>) src(%dma_wait3A_63 : memref<10000x16xf32, #tpu.memory_space<hbm>>) dst(%arg12 : memref<400x16xf32, #tpu.memory_space<vmem>>)
      %add3A_64 = arith.constant 1 : i32
      %add3A_65 = arith.addi %add3A_51, %add3A_64 : i32
      %dma_start3A_66 = arith.constant 0 : i32
      %dma_start3A_67 = tpu.memref_slice %arg8[%add3A_65, %dma_start3A_66] : memref<25x400xi32, #tpu.memory_space<vmem>> -> memref<1x400xi32, #tpu.memory_space<vmem>>
      %dma_start3A_68 = tpu.memref_squeeze %dma_start3A_67 : memref<1x400xi32, #tpu.memory_space<vmem>> -> memref<400xi32, #tpu.memory_space<vmem>>
      %dma_start3A_69 = arith.constant 0 : i32
      %dma_start3A_70 = arith.constant 0 : i32
      %dma_start3A_71 = tpu.memref_slice %arg2[%dma_start3A_69, %dma_start3A_70] : memref<10000x16xf32, #tpu.memory_space<hbm>> -> memref<10000x16xf32, #tpu.memory_space<hbm>>
      tpu.enqueue_indirect_dma source(%dma_start3A_71 : memref<10000x16xf32, #tpu.memory_space<hbm>>) target(%arg13 : memref<400x16xf32, #tpu.memory_space<vmem>>) offsets(%dma_start3A_68 : memref<400xi32, #tpu.memory_space<vmem>>) semaphore(%arg21 : memref<!tpu.dma_semaphore, #tpu.memory_space<semaphore_mem>>)
      %dma_start3A_72 = arith.constant 0 : i32
      %dma_start3A_73 = tpu.memref_slice %arg9[%add3A_65, %dma_start3A_72] : memref<25x400xi32, #tpu.memory_space<vmem>> -> memref<1x400xi32, #tpu.memory_space<vmem>>
      %dma_start3A_74 = tpu.memref_squeeze %dma_start3A_73 : memref<1x400xi32, #tpu.memory_space<vmem>> -> memref<400xi32, #tpu.memory_space<vmem>>
      %dma_start3A_75 = arith.constant 0 : i32
      %dma_start3A_76 = arith.constant 0 : i32
      %dma_start3A_77 = tpu.memref_slice %arg3[%dma_start3A_75, %dma_start3A_76] : memref<10000x16xf32, #tpu.memory_space<hbm>> -> memref<10000x16xf32, #tpu.memory_space<hbm>>
      tpu.enqueue_indirect_dma source(%dma_start3A_77 : memref<10000x16xf32, #tpu.memory_space<hbm>>) target(%arg14 : memref<400x16xf32, #tpu.memory_space<vmem>>) offsets(%dma_start3A_74 : memref<400xi32, #tpu.memory_space<vmem>>) semaphore(%arg22 : memref<!tpu.dma_semaphore, #tpu.memory_space<semaphore_mem>>)
      %parallel_loop3A_78 = arith.constant 0 : i32
      %parallel_loop3A_79 = arith.constant 400 : i32
      %parallel_loop3A_80 = arith.constant 1 : i32
      scf.for %parallel_loop3A_114 = %parallel_loop3A_78 to %parallel_loop3A_79 step %parallel_loop3A_80  : i32 {
        %parallel_loop3A_115 = arith.index_cast %parallel_loop3A_114 : i32 to index
        %parallel_loop3A_116 = arith.constant 0 : index
        %parallel_loop3A_117 = tpu.vector_load %arg11[%parallel_loop3A_115, %parallel_loop3A_116] {strides = array<i32>} : memref<400x16xf32, #tpu.memory_space<vmem>>, vector<16xf32>,
        %parallel_loop3A_118 = arith.index_cast %parallel_loop3A_114 : i32 to index
        %parallel_loop3A_119 = arith.constant 0 : index
        %parallel_loop3A_120 = tpu.vector_load %arg12[%parallel_loop3A_118, %parallel_loop3A_119] {strides = array<i32>} : memref<400x16xf32, #tpu.memory_space<vmem>>, vector<16xf32>,
        %parallel_loop3A_121 = arith.addf %parallel_loop3A_117, %parallel_loop3A_120 : vector<16xf32>
        %parallel_loop3A_122 = arith.constant 2.000000e-01 : f32
        %parallel_loop3A_123 = vector.broadcast %parallel_loop3A_122 : f32 to vector<16xf32>
        %parallel_loop3A_124 = arith.mulf %parallel_loop3A_123, %parallel_loop3A_121 : vector<16xf32>
        %parallel_loop3A_125 = arith.maximumf %parallel_loop3A_121, %parallel_loop3A_124 : vector<16xf32>
        %parallel_loop3A_126 = arith.mulf %parallel_loop3A_125, %get3A_5 : vector<16xf32>
        %parallel_loop3A_127 = arith.constant true
        %parallel_loop3A_128 = vector.broadcast %parallel_loop3A_127 : i1 to vector<16xi1>
        %parallel_loop3A_129 = tpu.scan <sum>, %parallel_loop3A_126 masked %parallel_loop3A_128 : vector<16xf32>, vector<16xi1> -> vector<16xf32>
        %parallel_loop3A_130 = vector.extract %parallel_loop3A_129[15] : f32 from vector<16xf32>
        %parallel_loop3A_131 = vector.broadcast %parallel_loop3A_130 : f32 to vector<16xf32>
        %parallel_loop3A_132 = math.exp %parallel_loop3A_131 : vector<16xf32>
        %parallel_loop3A_133 = arith.mulf %parallel_loop3A_117, %parallel_loop3A_132 : vector<16xf32>
        %parallel_loop3A_134 = arith.index_cast %parallel_loop3A_114 : i32 to index
        %parallel_loop3A_135 = arith.constant 0 : index
        %parallel_loop3A_136 = tpu.vector_load %arg15[%parallel_loop3A_134, %parallel_loop3A_135] {strides = array<i32>} : memref<400x32xf32, #tpu.memory_space<vmem>>, vector<16xf32>,
        tpu.vector_store %arg15[%parallel_loop3A_134, %parallel_loop3A_135], %parallel_loop3A_133 {strides = array<i32>} : memref<400x32xf32, #tpu.memory_space<vmem>>, vector<16xf32>,
        %parallel_loop3A_137 = arith.index_cast %parallel_loop3A_114 : i32 to index
        %parallel_loop3A_138 = arith.constant 16 : index
        %parallel_loop3A_139 = tpu.vector_load %arg15[%parallel_loop3A_137, %parallel_loop3A_138] {strides = array<i32>} : memref<400x32xf32, #tpu.memory_space<vmem>>, vector<16xf32>,
        tpu.vector_store %arg15[%parallel_loop3A_137, %parallel_loop3A_138], %parallel_loop3A_132 {strides = array<i32>} : memref<400x32xf32, #tpu.memory_space<vmem>>, vector<16xf32>,
      } {sc.loop_unroll_factor = 8 : i64, sc.parallel_access}
      "tpu.region"() ({
        %run_scoped3A_114 = tpu.sem_alloc : memref<!tpu.dma_semaphore, #tpu.memory_space<semaphore_mem>>
        %dma_start3A_115 = arith.constant 0 : i32
        %dma_start3A_116 = tpu.memref_slice %arg9[%add3A_51, %dma_start3A_115] : memref<25x400xi32, #tpu.memory_space<vmem>> -> memref<1x400xi32, #tpu.memory_space<vmem>>
        %dma_start3A_117 = tpu.memref_squeeze %dma_start3A_116 : memref<1x400xi32, #tpu.memory_space<vmem>> -> memref<400xi32, #tpu.memory_space<vmem>>
        %dma_start3A_118 = arith.constant 0 : i32
        %dma_start3A_119 = arith.constant 0 : i32
        %dma_start3A_120 = tpu.memref_slice %arg18[%dma_start3A_118, %dma_start3A_119] : memref<10000x32xf32, #tpu.memory_space<vmem_shared>> -> memref<10000x32xf32, #tpu.memory_space<vmem_shared>>
        tpu.enqueue_indirect_dma source(%arg15 : memref<400x32xf32, #tpu.memory_space<vmem>>) target(%dma_start3A_120 : memref<10000x32xf32, #tpu.memory_space<vmem_shared>>) offsets(%dma_start3A_117 : memref<400xi32, #tpu.memory_space<vmem>>) semaphore(%run_scoped3A_114 : memref<!tpu.dma_semaphore, #tpu.memory_space<semaphore_mem>>) {add = true}
        %dma_wait3A_121 = arith.constant 0 : i32
        %dma_wait3A_122 = tpu.memref_slice %arg9[%add3A_51, %dma_wait3A_121] : memref<25x400xi32, #tpu.memory_space<vmem>> -> memref<1x400xi32, #tpu.memory_space<vmem>>
        %dma_wait3A_123 = tpu.memref_squeeze %dma_wait3A_122 : memref<1x400xi32, #tpu.memory_space<vmem>> -> memref<400xi32, #tpu.memory_space<vmem>>
        %dma_wait3A_124 = arith.constant 0 : i32
        %dma_wait3A_125 = arith.constant 0 : i32
        %dma_wait3A_126 = tpu.memref_slice %arg18[%dma_wait3A_124, %dma_wait3A_125] : memref<10000x32xf32, #tpu.memory_space<vmem_shared>> -> memref<10000x32xf32, #tpu.memory_space<vmem_shared>>
        tpu.wait_indirect_dma semaphore(%run_scoped3A_114 : memref<!tpu.dma_semaphore, #tpu.memory_space<semaphore_mem>>) src(%arg15 : memref<400x32xf32, #tpu.memory_space<vmem>>) dst(%dma_wait3A_126 : memref<10000x32xf32, #tpu.memory_space<vmem_shared>>)
        tpu.yield
      }) : () -> ()
      %add3A_81 = arith.constant 1 : i32
      %add3A_82 = arith.addi %add3A_51, %add3A_81 : i32
      %dma_wait3A_83 = arith.constant 0 : i32
      %dma_wait3A_84 = tpu.memref_slice %arg8[%add3A_82, %dma_wait3A_83] : memref<25x400xi32, #tpu.memory_space<vmem>> -> memref<1x400xi32, #tpu.memory_space<vmem>>
      %dma_wait3A_85 = tpu.memref_squeeze %dma_wait3A_84 : memref<1x400xi32, #tpu.memory_space<vmem>> -> memref<400xi32, #tpu.memory_space<vmem>>
      %dma_wait3A_86 = arith.constant 0 : i32
      %dma_wait3A_87 = arith.constant 0 : i32
      %dma_wait3A_88 = tpu.memref_slice %arg2[%dma_wait3A_86, %dma_wait3A_87] : memref<10000x16xf32, #tpu.memory_space<hbm>> -> memref<10000x16xf32, #tpu.memory_space<hbm>>
      tpu.wait_indirect_dma semaphore(%arg21 : memref<!tpu.dma_semaphore, #tpu.memory_space<semaphore_mem>>) src(%dma_wait3A_88 : memref<10000x16xf32, #tpu.memory_space<hbm>>) dst(%arg13 : memref<400x16xf32, #tpu.memory_space<vmem>>)
      %dma_wait3A_89 = arith.constant 0 : i32
      %dma_wait3A_90 = tpu.memref_slice %arg9[%add3A_82, %dma_wait3A_89] : memref<25x400xi32, #tpu.memory_space<vmem>> -> memref<1x400xi32, #tpu.memory_space<vmem>>
      %dma_wait3A_91 = tpu.memref_squeeze %dma_wait3A_90 : memref<1x400xi32, #tpu.memory_space<vmem>> -> memref<400xi32, #tpu.memory_space<vmem>>
      %dma_wait3A_92 = arith.constant 0 : i32
      %dma_wait3A_93 = arith.constant 0 : i32
      %dma_wait3A_94 = tpu.memref_slice %arg3[%dma_wait3A_92, %dma_wait3A_93] : memref<10000x16xf32, #tpu.memory_space<hbm>> -> memref<10000x16xf32, #tpu.memory_space<hbm>>
      tpu.wait_indirect_dma semaphore(%arg22 : memref<!tpu.dma_semaphore, #tpu.memory_space<semaphore_mem>>) src(%dma_wait3A_94 : memref<10000x16xf32, #tpu.memory_space<hbm>>) dst(%arg14 : memref<400x16xf32, #tpu.memory_space<vmem>>)
      %add3A_95 = arith.constant 2 : i32
      %add3A_96 = arith.addi %add3A_51, %add3A_95 : i32
      %dma_start3A_97 = arith.constant 0 : i32
      %dma_start3A_98 = tpu.memref_slice %arg8[%add3A_96, %dma_start3A_97] : memref<25x400xi32, #tpu.memory_space<vmem>> -> memref<1x400xi32, #tpu.memory_space<vmem>>
      %dma_start3A_99 = tpu.memref_squeeze %dma_start3A_98 : memref<1x400xi32, #tpu.memory_space<vmem>> -> memref<400xi32, #tpu.memory_space<vmem>>
      %dma_start3A_100 = arith.constant 0 : i32
      %dma_start3A_101 = arith.constant 0 : i32
      %dma_start3A_102 = tpu.memref_slice %arg2[%dma_start3A_100, %dma_start3A_101] : memref<10000x16xf32, #tpu.memory_space<hbm>> -> memref<10000x16xf32, #tpu.memory_space<hbm>>
      tpu.enqueue_indirect_dma source(%dma_start3A_102 : memref<10000x16xf32, #tpu.memory_space<hbm>>) target(%arg11 : memref<400x16xf32, #tpu.memory_space<vmem>>) offsets(%dma_start3A_99 : memref<400xi32, #tpu.memory_space<vmem>>) semaphore(%arg19 : memref<!tpu.dma_semaphore, #tpu.memory_space<semaphore_mem>>)
      %dma_start3A_103 = arith.constant 0 : i32
      %dma_start3A_104 = tpu.memref_slice %arg9[%add3A_96, %dma_start3A_103] : memref<25x400xi32, #tpu.memory_space<vmem>> -> memref<1x400xi32, #tpu.memory_space<vmem>>
      %dma_start3A_105 = tpu.memref_squeeze %dma_start3A_104 : memref<1x400xi32, #tpu.memory_space<vmem>> -> memref<400xi32, #tpu.memory_space<vmem>>
      %dma_start3A_106 = arith.constant 0 : i32
      %dma_start3A_107 = arith.constant 0 : i32
      %dma_start3A_108 = tpu.memref_slice %arg3[%dma_start3A_106, %dma_start3A_107] : memref<10000x16xf32, #tpu.memory_space<hbm>> -> memref<10000x16xf32, #tpu.memory_space<hbm>>
      tpu.enqueue_indirect_dma source(%dma_start3A_108 : memref<10000x16xf32, #tpu.memory_space<hbm>>) target(%arg12 : memref<400x16xf32, #tpu.memory_space<vmem>>) offsets(%dma_start3A_105 : memref<400xi32, #tpu.memory_space<vmem>>) semaphore(%arg20 : memref<!tpu.dma_semaphore, #tpu.memory_space<semaphore_mem>>)
      %parallel_loop3A_109 = arith.constant 0 : i32
      %parallel_loop3A_110 = arith.constant 400 : i32
      %parallel_loop3A_111 = arith.constant 1 : i32
      scf.for %parallel_loop3A_114 = %parallel_loop3A_109 to %parallel_loop3A_110 step %parallel_loop3A_111  : i32 {
        %parallel_loop3A_115 = arith.index_cast %parallel_loop3A_114 : i32 to index
        %parallel_loop3A_116 = arith.constant 0 : index
        %parallel_loop3A_117 = tpu.vector_load %arg13[%parallel_loop3A_115, %parallel_loop3A_116] {strides = array<i32>} : memref<400x16xf32, #tpu.memory_space<vmem>>, vector<16xf32>,
        %parallel_loop3A_118 = arith.index_cast %parallel_loop3A_114 : i32 to index
        %parallel_loop3A_119 = arith.constant 0 : index
        %parallel_loop3A_120 = tpu.vector_load %arg14[%parallel_loop3A_118, %parallel_loop3A_119] {strides = array<i32>} : memref<400x16xf32, #tpu.memory_space<vmem>>, vector<16xf32>,
        %parallel_loop3A_121 = arith.addf %parallel_loop3A_117, %parallel_loop3A_120 : vector<16xf32>
        %parallel_loop3A_122 = arith.constant 2.000000e-01 : f32
        %parallel_loop3A_123 = vector.broadcast %parallel_loop3A_122 : f32 to vector<16xf32>
        %parallel_loop3A_124 = arith.mulf %parallel_loop3A_123, %parallel_loop3A_121 : vector<16xf32>
        %parallel_loop3A_125 = arith.maximumf %parallel_loop3A_121, %parallel_loop3A_124 : vector<16xf32>
        %parallel_loop3A_126 = arith.mulf %parallel_loop3A_125, %get3A_5 : vector<16xf32>
        %parallel_loop3A_127 = arith.constant true
        %parallel_loop3A_128 = vector.broadcast %parallel_loop3A_127 : i1 to vector<16xi1>
        %parallel_loop3A_129 = tpu.scan <sum>, %parallel_loop3A_126 masked %parallel_loop3A_128 : vector<16xf32>, vector<16xi1> -> vector<16xf32>
        %parallel_loop3A_130 = vector.extract %parallel_loop3A_129[15] : f32 from vector<16xf32>
        %parallel_loop3A_131 = vector.broadcast %parallel_loop3A_130 : f32 to vector<16xf32>
        %parallel_loop3A_132 = math.exp %parallel_loop3A_131 : vector<16xf32>
        %parallel_loop3A_133 = arith.mulf %parallel_loop3A_117, %parallel_loop3A_132 : vector<16xf32>
        %parallel_loop3A_134 = arith.index_cast %parallel_loop3A_114 : i32 to index
        %parallel_loop3A_135 = arith.constant 0 : index
        %parallel_loop3A_136 = tpu.vector_load %arg16[%parallel_loop3A_134, %parallel_loop3A_135] {strides = array<i32>} : memref<400x32xf32, #tpu.memory_space<vmem>>, vector<16xf32>,
        tpu.vector_store %arg16[%parallel_loop3A_134, %parallel_loop3A_135], %parallel_loop3A_133 {strides = array<i32>} : memref<400x32xf32, #tpu.memory_space<vmem>>, vector<16xf32>,
        %parallel_loop3A_137 = arith.index_cast %parallel_loop3A_114 : i32 to index
        %parallel_loop3A_138 = arith.constant 16 : index
        %parallel_loop3A_139 = tpu.vector_load %arg16[%parallel_loop3A_137, %parallel_loop3A_138] {strides = array<i32>} : memref<400x32xf32, #tpu.memory_space<vmem>>, vector<16xf32>,
        tpu.vector_store %arg16[%parallel_loop3A_137, %parallel_loop3A_138], %parallel_loop3A_132 {strides = array<i32>} : memref<400x32xf32, #tpu.memory_space<vmem>>, vector<16xf32>,
      } {sc.loop_unroll_factor = 8 : i64, sc.parallel_access}
      %add3A_112 = arith.constant 1 : i32
      %add3A_113 = arith.addi %add3A_51, %add3A_112 : i32
      "tpu.region"() ({
        %run_scoped3A_114 = tpu.sem_alloc : memref<!tpu.dma_semaphore, #tpu.memory_space<semaphore_mem>>
        %dma_start3A_115 = arith.constant 0 : i32
        %dma_start3A_116 = tpu.memref_slice %arg9[%add3A_113, %dma_start3A_115] : memref<25x400xi32, #tpu.memory_space<vmem>> -> memref<1x400xi32, #tpu.memory_space<vmem>>
        %dma_start3A_117 = tpu.memref_squeeze %dma_start3A_116 : memref<1x400xi32, #tpu.memory_space<vmem>> -> memref<400xi32, #tpu.memory_space<vmem>>
        %dma_start3A_118 = arith.constant 0 : i32
        %dma_start3A_119 = arith.constant 0 : i32
        %dma_start3A_120 = tpu.memref_slice %arg18[%dma_start3A_118, %dma_start3A_119] : memref<10000x32xf32, #tpu.memory_space<vmem_shared>> -> memref<10000x32xf32, #tpu.memory_space<vmem_shared>>
        tpu.enqueue_indirect_dma source(%arg16 : memref<400x32xf32, #tpu.memory_space<vmem>>) target(%dma_start3A_120 : memref<10000x32xf32, #tpu.memory_space<vmem_shared>>) offsets(%dma_start3A_117 : memref<400xi32, #tpu.memory_space<vmem>>) semaphore(%run_scoped3A_114 : memref<!tpu.dma_semaphore, #tpu.memory_space<semaphore_mem>>) {add = true}
        %dma_wait3A_121 = arith.constant 0 : i32
        %dma_wait3A_122 = tpu.memref_slice %arg9[%add3A_113, %dma_wait3A_121] : memref<25x400xi32, #tpu.memory_space<vmem>> -> memref<1x400xi32, #tpu.memory_space<vmem>>
        %dma_wait3A_123 = tpu.memref_squeeze %dma_wait3A_122 : memref<1x400xi32, #tpu.memory_space<vmem>> -> memref<400xi32, #tpu.memory_space<vmem>>
        %dma_wait3A_124 = arith.constant 0 : i32
        %dma_wait3A_125 = arith.constant 0 : i32
        %dma_wait3A_126 = tpu.memref_slice %arg18[%dma_wait3A_124, %dma_wait3A_125] : memref<10000x32xf32, #tpu.memory_space<vmem_shared>> -> memref<10000x32xf32, #tpu.memory_space<vmem_shared>>
        tpu.wait_indirect_dma semaphore(%run_scoped3A_114 : memref<!tpu.dma_semaphore, #tpu.memory_space<semaphore_mem>>) src(%arg16 : memref<400x32xf32, #tpu.memory_space<vmem>>) dst(%dma_wait3A_126 : memref<10000x32xf32, #tpu.memory_space<vmem_shared>>)
        tpu.yield
      }) : () -> ()
    }
    %scan3A_22 = arith.constant 12 : i32
    %dma_wait3A = arith.constant 24 : i32
    %dma_wait3A_23 = arith.constant 0 : i32
    %dma_wait3A_24 = tpu.memref_slice %arg8[%dma_wait3A, %dma_wait3A_23] : memref<25x400xi32, #tpu.memory_space<vmem>> -> memref<1x400xi32, #tpu.memory_space<vmem>>
    %dma_wait3A_25 = tpu.memref_squeeze %dma_wait3A_24 : memref<1x400xi32, #tpu.memory_space<vmem>> -> memref<400xi32, #tpu.memory_space<vmem>>
    %dma_wait3A_26 = arith.constant 0 : i32
    %dma_wait3A_27 = arith.constant 0 : i32
    %dma_wait3A_28 = tpu.memref_slice %arg2[%dma_wait3A_26, %dma_wait3A_27] : memref<10000x16xf32, #tpu.memory_space<hbm>> -> memref<10000x16xf32, #tpu.memory_space<hbm>>
    tpu.wait_indirect_dma semaphore(%arg19 : memref<!tpu.dma_semaphore, #tpu.memory_space<semaphore_mem>>) src(%dma_wait3A_28 : memref<10000x16xf32, #tpu.memory_space<hbm>>) dst(%arg11 : memref<400x16xf32, #tpu.memory_space<vmem>>)
    %dma_wait3A_29 = arith.constant 24 : i32
    %dma_wait3A_30 = arith.constant 0 : i32
    %dma_wait3A_31 = tpu.memref_slice %arg9[%dma_wait3A_29, %dma_wait3A_30] : memref<25x400xi32, #tpu.memory_space<vmem>> -> memref<1x400xi32, #tpu.memory_space<vmem>>
    %dma_wait3A_32 = tpu.memref_squeeze %dma_wait3A_31 : memref<1x400xi32, #tpu.memory_space<vmem>> -> memref<400xi32, #tpu.memory_space<vmem>>
    %dma_wait3A_33 = arith.constant 0 : i32
    %dma_wait3A_34 = arith.constant 0 : i32
    %dma_wait3A_35 = tpu.memref_slice %arg3[%dma_wait3A_33, %dma_wait3A_34] : memref<10000x16xf32, #tpu.memory_space<hbm>> -> memref<10000x16xf32, #tpu.memory_space<hbm>>
    tpu.wait_indirect_dma semaphore(%arg20 : memref<!tpu.dma_semaphore, #tpu.memory_space<semaphore_mem>>) src(%dma_wait3A_35 : memref<10000x16xf32, #tpu.memory_space<hbm>>) dst(%arg12 : memref<400x16xf32, #tpu.memory_space<vmem>>)
    %parallel_loop3A_36 = arith.constant 0 : i32
    %parallel_loop3A_37 = arith.constant 400 : i32
    %parallel_loop3A_38 = arith.constant 1 : i32
    scf.for %parallel_loop3A_47 = %parallel_loop3A_36 to %parallel_loop3A_37 step %parallel_loop3A_38  : i32 {
      %parallel_loop3A_48 = arith.index_cast %parallel_loop3A_47 : i32 to index
      %parallel_loop3A_49 = arith.constant 0 : index
      %parallel_loop3A_50 = tpu.vector_load %arg11[%parallel_loop3A_48, %parallel_loop3A_49] {strides = array<i32>} : memref<400x16xf32, #tpu.memory_space<vmem>>, vector<16xf32>,
      %parallel_loop3A_51 = arith.index_cast %parallel_loop3A_47 : i32 to index
      %parallel_loop3A_52 = arith.constant 0 : index
      %parallel_loop3A_53 = tpu.vector_load %arg12[%parallel_loop3A_51, %parallel_loop3A_52] {strides = array<i32>} : memref<400x16xf32, #tpu.memory_space<vmem>>, vector<16xf32>,
      %parallel_loop3A_54 = arith.addf %parallel_loop3A_50, %parallel_loop3A_53 : vector<16xf32>
      %parallel_loop3A_55 = arith.constant 2.000000e-01 : f32
      %parallel_loop3A_56 = vector.broadcast %parallel_loop3A_55 : f32 to vector<16xf32>
      %parallel_loop3A_57 = arith.mulf %parallel_loop3A_56, %parallel_loop3A_54 : vector<16xf32>
      %parallel_loop3A_58 = arith.maximumf %parallel_loop3A_54, %parallel_loop3A_57 : vector<16xf32>
      %parallel_loop3A_59 = arith.mulf %parallel_loop3A_58, %get3A_5 : vector<16xf32>
      %parallel_loop3A_60 = arith.constant true
      %parallel_loop3A_61 = vector.broadcast %parallel_loop3A_60 : i1 to vector<16xi1>
      %parallel_loop3A_62 = tpu.scan <sum>, %parallel_loop3A_59 masked %parallel_loop3A_61 : vector<16xf32>, vector<16xi1> -> vector<16xf32>
      %parallel_loop3A_63 = vector.extract %parallel_loop3A_62[15] : f32 from vector<16xf32>
      %parallel_loop3A_64 = vector.broadcast %parallel_loop3A_63 : f32 to vector<16xf32>
      %parallel_loop3A_65 = math.exp %parallel_loop3A_64 : vector<16xf32>
      %parallel_loop3A_66 = arith.mulf %parallel_loop3A_50, %parallel_loop3A_65 : vector<16xf32>
      %parallel_loop3A_67 = arith.index_cast %parallel_loop3A_47 : i32 to index
      %parallel_loop3A_68 = arith.constant 0 : index
      %parallel_loop3A_69 = tpu.vector_load %arg15[%parallel_loop3A_67, %parallel_loop3A_68] {strides = array<i32>} : memref<400x32xf32, #tpu.memory_space<vmem>>, vector<16xf32>,
      tpu.vector_store %arg15[%parallel_loop3A_67, %parallel_loop3A_68], %parallel_loop3A_66 {strides = array<i32>} : memref<400x32xf32, #tpu.memory_space<vmem>>, vector<16xf32>,
      %parallel_loop3A_70 = arith.index_cast %parallel_loop3A_47 : i32 to index
      %parallel_loop3A_71 = arith.constant 16 : index
      %parallel_loop3A_72 = tpu.vector_load %arg15[%parallel_loop3A_70, %parallel_loop3A_71] {strides = array<i32>} : memref<400x32xf32, #tpu.memory_space<vmem>>, vector<16xf32>,
      tpu.vector_store %arg15[%parallel_loop3A_70, %parallel_loop3A_71], %parallel_loop3A_65 {strides = array<i32>} : memref<400x32xf32, #tpu.memory_space<vmem>>, vector<16xf32>,
    } {sc.loop_unroll_factor = 8 : i64, sc.parallel_access}
    %run_scoped3A = arith.constant 24 : i32
    "tpu.region"() ({
      %run_scoped3A_47 = tpu.sem_alloc : memref<!tpu.dma_semaphore, #tpu.memory_space<semaphore_mem>>
      %dma_start3A_48 = arith.constant 0 : i32
      %dma_start3A_49 = tpu.memref_slice %arg9[%run_scoped3A, %dma_start3A_48] : memref<25x400xi32, #tpu.memory_space<vmem>> -> memref<1x400xi32, #tpu.memory_space<vmem>>
      %dma_start3A_50 = tpu.memref_squeeze %dma_start3A_49 : memref<1x400xi32, #tpu.memory_space<vmem>> -> memref<400xi32, #tpu.memory_space<vmem>>
      %dma_start3A_51 = arith.constant 0 : i32
      %dma_start3A_52 = arith.constant 0 : i32
      %dma_start3A_53 = tpu.memref_slice %arg18[%dma_start3A_51, %dma_start3A_52] : memref<10000x32xf32, #tpu.memory_space<vmem_shared>> -> memref<10000x32xf32, #tpu.memory_space<vmem_shared>>
      tpu.enqueue_indirect_dma source(%arg15 : memref<400x32xf32, #tpu.memory_space<vmem>>) target(%dma_start3A_53 : memref<10000x32xf32, #tpu.memory_space<vmem_shared>>) offsets(%dma_start3A_50 : memref<400xi32, #tpu.memory_space<vmem>>) semaphore(%run_scoped3A_47 : memref<!tpu.dma_semaphore, #tpu.memory_space<semaphore_mem>>) {add = true}
      %dma_wait3A_54 = arith.constant 0 : i32
      %dma_wait3A_55 = tpu.memref_slice %arg9[%run_scoped3A, %dma_wait3A_54] : memref<25x400xi32, #tpu.memory_space<vmem>> -> memref<1x400xi32, #tpu.memory_space<vmem>>
      %dma_wait3A_56 = tpu.memref_squeeze %dma_wait3A_55 : memref<1x400xi32, #tpu.memory_space<vmem>> -> memref<400xi32, #tpu.memory_space<vmem>>
      %dma_wait3A_57 = arith.constant 0 : i32
      %dma_wait3A_58 = arith.constant 0 : i32
      %dma_wait3A_59 = tpu.memref_slice %arg18[%dma_wait3A_57, %dma_wait3A_58] : memref<10000x32xf32, #tpu.memory_space<vmem_shared>> -> memref<10000x32xf32, #tpu.memory_space<vmem_shared>>
      tpu.wait_indirect_dma semaphore(%run_scoped3A_47 : memref<!tpu.dma_semaphore, #tpu.memory_space<semaphore_mem>>) src(%arg15 : memref<400x32xf32, #tpu.memory_space<vmem>>) dst(%dma_wait3A_59 : memref<10000x32xf32, #tpu.memory_space<vmem_shared>>)
      tpu.yield
    }) : () -> ()
    %barrier3A_39 = arith.constant 0 : index
    tpu.barrier barrier_id(%barrier3A_39)
    %mul3A_40 = arith.constant 625 : i32
    %mul3A_41 = arith.muli %arg1, %mul3A_40 : i32
    %mul3A_42 = arith.constant 10000 : i32
    %mul3A_43 = arith.muli %arg0, %mul3A_42 : i32
    %mul3A_44 = arith.constant 625 : i32
    %mul3A_45 = arith.muli %arg1, %mul3A_44 : i32
    %add3A_46 = arith.addi %mul3A_43, %mul3A_45 : i32
    "tpu.region"() ({
      %run_scoped3A_47 = tpu.sem_alloc : memref<!tpu.dma_semaphore, #tpu.memory_space<semaphore_mem>>
      %dma_start3A_48 = arith.constant 0 : i32
      %dma_start3A_49 = tpu.memref_slice %arg7[%add3A_46, %dma_start3A_48] : memref<20000x32xf32, #tpu.memory_space<hbm>> -> memref<625x32xf32, #tpu.memory_space<hbm>>
      %dma_start3A_50 = arith.constant 0 : i32
      %dma_start3A_51 = tpu.memref_slice %arg18[%mul3A_41, %dma_start3A_50] : memref<10000x32xf32, #tpu.memory_space<vmem_shared>> -> memref<625x32xf32, #tpu.memory_space<vmem_shared>>
      tpu.enqueue_dma source(%dma_start3A_51 : memref<625x32xf32, #tpu.memory_space<vmem_shared>>) target(%dma_start3A_49 : memref<625x32xf32, #tpu.memory_space<hbm>>) target_semaphore(%run_scoped3A_47 : memref<!tpu.dma_semaphore, #tpu.memory_space<semaphore_mem>>)
      %dma_wait3A_52 = arith.constant 0 : i32
      %dma_wait3A_53 = tpu.memref_slice %arg7[%add3A_46, %dma_wait3A_52] : memref<20000x32xf32, #tpu.memory_space<hbm>> -> memref<625x32xf32, #tpu.memory_space<hbm>>
      %dma_wait3A_54 = arith.constant 0 : i32
      %dma_wait3A_55 = tpu.memref_slice %arg18[%mul3A_41, %dma_wait3A_54] : memref<10000x32xf32, #tpu.memory_space<vmem_shared>> -> memref<625x32xf32, #tpu.memory_space<vmem_shared>>
      tpu.wait_dma2 semaphore(%run_scoped3A_47 : memref<!tpu.dma_semaphore, #tpu.memory_space<semaphore_mem>>) src(%dma_wait3A_55 : memref<625x32xf32, #tpu.memory_space<vmem_shared>>) dst(%dma_wait3A_53 : memref<625x32xf32, #tpu.memory_space<hbm>>)
      tpu.yield
    }) : () -> ()
    return
  }
}

module attributes {stable_mosaic.version = 14 : i64} {
  func.func @_proj_kernel(%arg0: i32, %arg1: memref<2000x128xf32, #tpu.memory_space<vmem>>, %arg2: memref<128x16xf32, #tpu.memory_space<vmem>>, %arg3: memref<1x16xf32, #tpu.memory_space<vmem>>, %arg4: memref<128x16xf32, #tpu.memory_space<vmem>>, %arg5: memref<1x16xf32, #tpu.memory_space<vmem>>, %arg6: memref<2000x16xf32, #tpu.memory_space<vmem>>, %arg7: memref<2000x16xf32, #tpu.memory_space<vmem>>) attributes {dimension_semantics = [#tpu.dimension_semantics<arbitrary>], iteration_bounds = array<i64: 5>, scalar_prefetch = 0 : i64, scratch_operands = 0 : i64, tpu.core_type = #tpu.core_type<tc>, window_params = [{transform_indices = @transform_0, window_bounds = array<i64: 2000, 128>}, {pipeline_mode = #tpu.pipeline_mode<synchronous>, transform_indices = @transform_1, window_bounds = array<i64: 128, 16>}, {pipeline_mode = #tpu.pipeline_mode<synchronous>, transform_indices = @transform_2, window_bounds = array<i64: 1, 16>}, {pipeline_mode = #tpu.pipeline_mode<synchronous>, transform_indices = @transform_3, window_bounds = array<i64: 128, 16>}, {pipeline_mode = #tpu.pipeline_mode<synchronous>, transform_indices = @transform_4, window_bounds = array<i64: 1, 16>}, {transform_indices = @transform_5, window_bounds = array<i64: 2000, 16>}, {transform_indices = @transform_6, window_bounds = array<i64: 2000, 16>}]} {
    %get3A = arith.constant 0 : index
    %get3A_0 = arith.constant 0 : index
    %get3A_1 = vector.load %arg1[%get3A, %get3A_0] : memref<2000x128xf32, #tpu.memory_space<vmem>>, vector<2000x128xf32>
    %get3A_2 = arith.constant 0 : index
    %get3A_3 = arith.constant 0 : index
    %get3A_4 = vector.load %arg2[%get3A_2, %get3A_3] : memref<128x16xf32, #tpu.memory_space<vmem>>, vector<128x16xf32>
    %dot_general3A = arith.constant dense<0.000000e+00> : vector<2000x16xf32>
    %dot_general3A_5 = tpu.matmul %get3A_1, %get3A_4, %dot_general3A {dimension_numbers = #tpu.dot_dimension_numbers<[1], [0], [0], [1], [0, 0, 1, 1], [], []>, transpose_lhs_hint = false} : vector<2000x128xf32>, vector<128x16xf32>, vector<2000x16xf32> -> vector<2000x16xf32>
    %get3A_6 = arith.constant 0 : index
    %get3A_7 = arith.constant 0 : index
    %get3A_8 = vector.load %arg3[%get3A_6, %get3A_7] : memref<1x16xf32, #tpu.memory_space<vmem>>, vector<1x16xf32>
    %add3A = vector.broadcast %get3A_8 : vector<1x16xf32> to vector<2000x16xf32>
    %add3A_9 = arith.addf %dot_general3A_5, %add3A : vector<2000x16xf32>
    %swap3A = arith.constant 0 : index
    %swap3A_10 = arith.constant 0 : index
    %swap3A_11 = vector.load %arg6[%swap3A, %swap3A_10] : memref<2000x16xf32, #tpu.memory_space<vmem>>, vector<2000x16xf32>
    tpu.vector_store %arg6[%swap3A, %swap3A_10], %add3A_9 {strides = array<i32>} : memref<2000x16xf32, #tpu.memory_space<vmem>>, vector<2000x16xf32>,
    %get3A_12 = arith.constant 0 : index
    %get3A_13 = arith.constant 0 : index
    %get3A_14 = vector.load %arg4[%get3A_12, %get3A_13] : memref<128x16xf32, #tpu.memory_space<vmem>>, vector<128x16xf32>
    %dot_general3A_15 = arith.constant dense<0.000000e+00> : vector<2000x16xf32>
    %dot_general3A_16 = tpu.matmul %get3A_1, %get3A_14, %dot_general3A_15 {dimension_numbers = #tpu.dot_dimension_numbers<[1], [0], [0], [1], [0, 0, 1, 1], [], []>, transpose_lhs_hint = false} : vector<2000x128xf32>, vector<128x16xf32>, vector<2000x16xf32> -> vector<2000x16xf32>
    %get3A_17 = arith.constant 0 : index
    %get3A_18 = arith.constant 0 : index
    %get3A_19 = vector.load %arg5[%get3A_17, %get3A_18] : memref<1x16xf32, #tpu.memory_space<vmem>>, vector<1x16xf32>
    %add3A_20 = vector.broadcast %get3A_19 : vector<1x16xf32> to vector<2000x16xf32>
    %add3A_21 = arith.addf %dot_general3A_16, %add3A_20 : vector<2000x16xf32>
    %swap3A_22 = arith.constant 0 : index
    %swap3A_23 = arith.constant 0 : index
    %swap3A_24 = vector.load %arg7[%swap3A_22, %swap3A_23] : memref<2000x16xf32, #tpu.memory_space<vmem>>, vector<2000x16xf32>
    tpu.vector_store %arg7[%swap3A_22, %swap3A_23], %add3A_21 {strides = array<i32>} : memref<2000x16xf32, #tpu.memory_space<vmem>>, vector<2000x16xf32>,
    return
  }
  func.func @transform_0(%arg0: i32) -> (i32, i32) {
    %c0_i32 = arith.constant 0 : i32
    %c0_i32_0 = arith.constant 0 : i32
    return %arg0, %c0_i32 : i32, i32
  }
  func.func @transform_1(%arg0: i32) -> (i32, i32) {
    %c0_i32 = arith.constant 0 : i32
    %c0_i32_0 = arith.constant 0 : i32
    %c0_i32_1 = arith.constant 0 : i32
    return %c0_i32, %c0_i32_0 : i32, i32
  }
  func.func @transform_2(%arg0: i32) -> (i32, i32) {
    %c0_i32 = arith.constant 0 : i32
    %c0_i32_0 = arith.constant 0 : i32
    %c0_i32_1 = arith.constant 0 : i32
    return %c0_i32, %c0_i32_0 : i32, i32
  }
  func.func @transform_3(%arg0: i32) -> (i32, i32) {
    %c0_i32 = arith.constant 0 : i32
    %c0_i32_0 = arith.constant 0 : i32
    %c0_i32_1 = arith.constant 0 : i32
    return %c0_i32, %c0_i32_0 : i32, i32
  }
  func.func @transform_4(%arg0: i32) -> (i32, i32) {
    %c0_i32 = arith.constant 0 : i32
    %c0_i32_0 = arith.constant 0 : i32
    %c0_i32_1 = arith.constant 0 : i32
    return %c0_i32, %c0_i32_0 : i32, i32
  }
  func.func @transform_5(%arg0: i32) -> (i32, i32) {
    %c0_i32 = arith.constant 0 : i32
    %c0_i32_0 = arith.constant 0 : i32
    return %arg0, %c0_i32 : i32, i32
  }
  func.func @transform_6(%arg0: i32) -> (i32, i32) {
    %c0_i32 = arith.constant 0 : i32
    %c0_i32_0 = arith.constant 0 : i32
    return %arg0, %c0_i32 : i32, i32
  }
}

module attributes {stable_mosaic.version = 14 : i64} {
  func.func @_norm_proj_kernel(%arg0: i32, %arg1: memref<2000x32xf32, #tpu.memory_space<vmem>>, %arg2: memref<2000x32xf32, #tpu.memory_space<vmem>>, %arg3: memref<2000x16xf32, #tpu.memory_space<vmem>>, %arg4: memref<2000x16xf32, #tpu.memory_space<vmem>>, %arg5: memref<1x16xf32, #tpu.memory_space<vmem>>, %arg6: memref<1x16xf32, #tpu.memory_space<vmem>>, %arg7: memref<16x16xf32, #tpu.memory_space<vmem>>, %arg8: memref<1x16xf32, #tpu.memory_space<vmem>>, %arg9: memref<16x16xf32, #tpu.memory_space<vmem>>, %arg10: memref<1x16xf32, #tpu.memory_space<vmem>>, %arg11: memref<2000x16xf32, #tpu.memory_space<vmem>>, %arg12: memref<2000x16xf32, #tpu.memory_space<vmem>>) attributes {dimension_semantics = [#tpu.dimension_semantics<arbitrary>], iteration_bounds = array<i64: 5>, scalar_prefetch = 0 : i64, scratch_operands = 0 : i64, tpu.core_type = #tpu.core_type<tc>, window_params = [{transform_indices = @transform_0, window_bounds = array<i64: 2000, 32>}, {transform_indices = @transform_1, window_bounds = array<i64: 2000, 32>}, {transform_indices = @transform_2, window_bounds = array<i64: 2000, 16>}, {transform_indices = @transform_3, window_bounds = array<i64: 2000, 16>}, {pipeline_mode = #tpu.pipeline_mode<synchronous>, transform_indices = @transform_4, window_bounds = array<i64: 1, 16>}, {pipeline_mode = #tpu.pipeline_mode<synchronous>, transform_indices = @transform_5, window_bounds = array<i64: 1, 16>}, {pipeline_mode = #tpu.pipeline_mode<synchronous>, transform_indices = @transform_6, window_bounds = array<i64: 16, 16>}, {pipeline_mode = #tpu.pipeline_mode<synchronous>, transform_indices = @transform_7, window_bounds = array<i64: 1, 16>}, {pipeline_mode = #tpu.pipeline_mode<synchronous>, transform_indices = @transform_8, window_bounds = array<i64: 16, 16>}, {pipeline_mode = #tpu.pipeline_mode<synchronous>, transform_indices = @transform_9, window_bounds = array<i64: 1, 16>}, {transform_indices = @transform_10, window_bounds = array<i64: 2000, 16>}, {transform_indices = @transform_11, window_bounds = array<i64: 2000, 16>}]} {
    %get3A = arith.constant 0 : index
    %get3A_0 = arith.constant 0 : index
    %get3A_1 = vector.load %arg1[%get3A, %get3A_0] : memref<2000x32xf32, #tpu.memory_space<vmem>>, vector<2000x32xf32>
    %get3A_2 = arith.constant 0 : index
    %get3A_3 = arith.constant 0 : index
    %get3A_4 = vector.load %arg2[%get3A_2, %get3A_3] : memref<2000x32xf32, #tpu.memory_space<vmem>>, vector<2000x32xf32>
    %get3A_5 = arith.constant 0 : index
    %get3A_6 = arith.constant 0 : index
    %get3A_7 = vector.load %arg3[%get3A_5, %get3A_6] : memref<2000x16xf32, #tpu.memory_space<vmem>>, vector<2000x16xf32>
    %get3A_8 = arith.constant 0 : index
    %get3A_9 = arith.constant 0 : index
    %get3A_10 = vector.load %arg4[%get3A_8, %get3A_9] : memref<2000x16xf32, #tpu.memory_space<vmem>>, vector<2000x16xf32>
    %get3A_11 = arith.constant 0 : index
    %get3A_12 = arith.constant 0 : index
    %get3A_13 = vector.load %arg5[%get3A_11, %get3A_12] : memref<1x16xf32, #tpu.memory_space<vmem>>, vector<1x16xf32>
    %slice3A = vector.extract_strided_slice %get3A_1 {offsets = [0, 0], sizes = [2000, 16], strides = [1, 1]} : vector<2000x32xf32> to vector<2000x16xf32>
    %slice3A_14 = vector.extract_strided_slice %get3A_4 {offsets = [0, 0], sizes = [2000, 16], strides = [1, 1]} : vector<2000x32xf32> to vector<2000x16xf32>
    %add3A = arith.addf %slice3A, %slice3A_14 : vector<2000x16xf32>
    %slice3A_15 = vector.extract_strided_slice %get3A_1 {offsets = [0, 16], sizes = [2000, 1], strides = [1, 1]} : vector<2000x32xf32> to vector<2000x1xf32>
    %slice3A_16 = vector.extract_strided_slice %get3A_4 {offsets = [0, 16], sizes = [2000, 1], strides = [1, 1]} : vector<2000x32xf32> to vector<2000x1xf32>
    %add3A_17 = arith.addf %slice3A_15, %slice3A_16 : vector<2000x1xf32>
    %add3A_18 = arith.addf %get3A_7, %get3A_10 : vector<2000x16xf32>
    %mul3A = arith.constant 2.000000e-01 : f32
    %mul3A_19 = vector.broadcast %mul3A : f32 to vector<2000x16xf32>
    %mul3A_20 = arith.mulf %mul3A_19, %add3A_18 : vector<2000x16xf32>
    %max3A = arith.maximumf %add3A_18, %mul3A_20 : vector<2000x16xf32>
    %mul3A_21 = vector.broadcast %get3A_13 : vector<1x16xf32> to vector<2000x16xf32>
    %mul3A_22 = arith.mulf %max3A, %mul3A_21 : vector<2000x16xf32>
    %reduce_sum3A = arith.constant dense<0.000000e+00> : vector<2000xf32>
    %reduce_sum3A_23 = vector.multi_reduction <add>, %mul3A_22, %reduce_sum3A [1] : vector<2000x16xf32> to vector<2000xf32>
    %broadcast_in_dim3A = vector.shape_cast %reduce_sum3A_23 : vector<2000xf32> to vector<2000x1xf32>
    %exp3A = math.exp %broadcast_in_dim3A : vector<2000x1xf32>
    %mul3A_24 = vector.broadcast %exp3A : vector<2000x1xf32> to vector<2000x16xf32>
    %mul3A_25 = arith.mulf %mul3A_24, %get3A_7 : vector<2000x16xf32>
    %add3A_26 = arith.addf %add3A, %mul3A_25 : vector<2000x16xf32>
    %add3A_27 = arith.addf %add3A_17, %exp3A : vector<2000x1xf32>
    %add3A_28 = arith.constant 1.000000e-16 : f32
    %add3A_29 = vector.broadcast %add3A_28 : f32 to vector<2000x1xf32>
    %add3A_30 = arith.addf %add3A_27, %add3A_29 : vector<2000x1xf32>
    %div3A = vector.broadcast %add3A_30 : vector<2000x1xf32> to vector<2000x16xf32>
    %div3A_31 = arith.divf %add3A_26, %div3A : vector<2000x16xf32>
    %get3A_32 = arith.constant 0 : index
    %get3A_33 = arith.constant 0 : index
    %get3A_34 = vector.load %arg6[%get3A_32, %get3A_33] : memref<1x16xf32, #tpu.memory_space<vmem>>, vector<1x16xf32>
    %add3A_35 = vector.broadcast %get3A_34 : vector<1x16xf32> to vector<2000x16xf32>
    %add3A_36 = arith.addf %div3A_31, %add3A_35 : vector<2000x16xf32>
    %max3A_37 = arith.constant 0.000000e+00 : f32
    %max3A_38 = vector.broadcast %max3A_37 : f32 to vector<2000x16xf32>
    %max3A_39 = arith.maximumf %add3A_36, %max3A_38 : vector<2000x16xf32>
    %get3A_40 = arith.constant 0 : index
    %get3A_41 = arith.constant 0 : index
    %get3A_42 = vector.load %arg7[%get3A_40, %get3A_41] : memref<16x16xf32, #tpu.memory_space<vmem>>, vector<16x16xf32>
    %dot_general3A = arith.constant dense<0.000000e+00> : vector<2000x16xf32>
    %dot_general3A_43 = tpu.matmul %max3A_39, %get3A_42, %dot_general3A {dimension_numbers = #tpu.dot_dimension_numbers<[1], [0], [0], [1], [0, 0, 1, 1], [], []>, transpose_lhs_hint = false} : vector<2000x16xf32>, vector<16x16xf32>, vector<2000x16xf32> -> vector<2000x16xf32>
    %get3A_44 = arith.constant 0 : index
    %get3A_45 = arith.constant 0 : index
    %get3A_46 = vector.load %arg8[%get3A_44, %get3A_45] : memref<1x16xf32, #tpu.memory_space<vmem>>, vector<1x16xf32>
    %add3A_47 = vector.broadcast %get3A_46 : vector<1x16xf32> to vector<2000x16xf32>
    %add3A_48 = arith.addf %dot_general3A_43, %add3A_47 : vector<2000x16xf32>
    %swap3A = arith.constant 0 : index
    %swap3A_49 = arith.constant 0 : index
    %swap3A_50 = vector.load %arg11[%swap3A, %swap3A_49] : memref<2000x16xf32, #tpu.memory_space<vmem>>, vector<2000x16xf32>
    tpu.vector_store %arg11[%swap3A, %swap3A_49], %add3A_48 {strides = array<i32>} : memref<2000x16xf32, #tpu.memory_space<vmem>>, vector<2000x16xf32>,
    %get3A_51 = arith.constant 0 : index
    %get3A_52 = arith.constant 0 : index
    %get3A_53 = vector.load %arg9[%get3A_51, %get3A_52] : memref<16x16xf32, #tpu.memory_space<vmem>>, vector<16x16xf32>
    %dot_general3A_54 = arith.constant dense<0.000000e+00> : vector<2000x16xf32>
    %dot_general3A_55 = tpu.matmul %max3A_39, %get3A_53, %dot_general3A_54 {dimension_numbers = #tpu.dot_dimension_numbers<[1], [0], [0], [1], [0, 0, 1, 1], [], []>, transpose_lhs_hint = false} : vector<2000x16xf32>, vector<16x16xf32>, vector<2000x16xf32> -> vector<2000x16xf32>
    %get3A_56 = arith.constant 0 : index
    %get3A_57 = arith.constant 0 : index
    %get3A_58 = vector.load %arg10[%get3A_56, %get3A_57] : memref<1x16xf32, #tpu.memory_space<vmem>>, vector<1x16xf32>
    %add3A_59 = vector.broadcast %get3A_58 : vector<1x16xf32> to vector<2000x16xf32>
    %add3A_60 = arith.addf %dot_general3A_55, %add3A_59 : vector<2000x16xf32>
    %swap3A_61 = arith.constant 0 : index
    %swap3A_62 = arith.constant 0 : index
    %swap3A_63 = vector.load %arg12[%swap3A_61, %swap3A_62] : memref<2000x16xf32, #tpu.memory_space<vmem>>, vector<2000x16xf32>
    tpu.vector_store %arg12[%swap3A_61, %swap3A_62], %add3A_60 {strides = array<i32>} : memref<2000x16xf32, #tpu.memory_space<vmem>>, vector<2000x16xf32>,
    return
  }
  func.func @transform_0(%arg0: i32) -> (i32, i32) {
    %c0_i32 = arith.constant 0 : i32
    %c0_i32_0 = arith.constant 0 : i32
    return %arg0, %c0_i32 : i32, i32
  }
  func.func @transform_1(%arg0: i32) -> (i32, i32) {
    %add3A = arith.constant 5 : i32
    %add3A_0 = arith.addi %arg0, %add3A : i32
    %c0_i32 = arith.constant 0 : i32
    %c0_i32_1 = arith.constant 0 : i32
    return %add3A_0, %c0_i32 : i32, i32
  }
  func.func @transform_2(%arg0: i32) -> (i32, i32) {
    %c0_i32 = arith.constant 0 : i32
    %c0_i32_0 = arith.constant 0 : i32
    return %arg0, %c0_i32 : i32, i32
  }
  func.func @transform_3(%arg0: i32) -> (i32, i32) {
    %c0_i32 = arith.constant 0 : i32
    %c0_i32_0 = arith.constant 0 : i32
    return %arg0, %c0_i32 : i32, i32
  }
  func.func @transform_4(%arg0: i32) -> (i32, i32) {
    %c0_i32 = arith.constant 0 : i32
    %c0_i32_0 = arith.constant 0 : i32
    %c0_i32_1 = arith.constant 0 : i32
    return %c0_i32, %c0_i32_0 : i32, i32
  }
  func.func @transform_5(%arg0: i32) -> (i32, i32) {
    %c0_i32 = arith.constant 0 : i32
    %c0_i32_0 = arith.constant 0 : i32
    %c0_i32_1 = arith.constant 0 : i32
    return %c0_i32, %c0_i32_0 : i32, i32
  }
  func.func @transform_6(%arg0: i32) -> (i32, i32) {
    %c0_i32 = arith.constant 0 : i32
    %c0_i32_0 = arith.constant 0 : i32
    %c0_i32_1 = arith.constant 0 : i32
    return %c0_i32, %c0_i32_0 : i32, i32
  }
  func.func @transform_7(%arg0: i32) -> (i32, i32) {
    %c0_i32 = arith.constant 0 : i32
    %c0_i32_0 = arith.constant 0 : i32
    %c0_i32_1 = arith.constant 0 : i32
    return %c0_i32, %c0_i32_0 : i32, i32
  }
  func.func @transform_8(%arg0: i32) -> (i32, i32) {
    %c0_i32 = arith.constant 0 : i32
    %c0_i32_0 = arith.constant 0 : i32
    %c0_i32_1 = arith.constant 0 : i32
    return %c0_i32, %c0_i32_0 : i32, i32
  }
  func.func @transform_9(%arg0: i32) -> (i32, i32) {
    %c0_i32 = arith.constant 0 : i32
    %c0_i32_0 = arith.constant 0 : i32
    %c0_i32_1 = arith.constant 0 : i32
    return %c0_i32, %c0_i32_0 : i32, i32
  }
  func.func @transform_10(%arg0: i32) -> (i32, i32) {
    %c0_i32 = arith.constant 0 : i32
    %c0_i32_0 = arith.constant 0 : i32
    return %arg0, %c0_i32 : i32, i32
  }
  func.func @transform_11(%arg0: i32) -> (i32, i32) {
    %c0_i32 = arith.constant 0 : i32
    %c0_i32_0 = arith.constant 0 : i32
    return %arg0, %c0_i32 : i32, i32
  }
}

module attributes {stable_mosaic.version = 14 : i64} {
  func.func @_norm_pool_kernel(%arg0: i32, %arg1: memref<2000x32xf32, #tpu.memory_space<vmem>>, %arg2: memref<2000x32xf32, #tpu.memory_space<vmem>>, %arg3: memref<2000x16xf32, #tpu.memory_space<vmem>>, %arg4: memref<2000x16xf32, #tpu.memory_space<vmem>>, %arg5: memref<1x16xf32, #tpu.memory_space<vmem>>, %arg6: memref<1x16xf32, #tpu.memory_space<vmem>>, %arg7: memref<1x1x2000xi32, #tpu.memory_space<vmem>>, %arg8: memref<16x1xf32, #tpu.memory_space<vmem>>, %arg9: memref<1x1xf32, #tpu.memory_space<vmem>>, %arg10: memref<64x16xf32, #tpu.memory_space<vmem>>, %arg11: memref<64x1xf32, #tpu.memory_space<vmem>>, %arg12: memref<64x1xf32, #tpu.memory_space<vmem>>) attributes {dimension_semantics = [#tpu.dimension_semantics<arbitrary>], iteration_bounds = array<i64: 5>, scalar_prefetch = 0 : i64, scratch_operands = 0 : i64, tpu.core_type = #tpu.core_type<tc>, window_params = [{transform_indices = @transform_0, window_bounds = array<i64: 2000, 32>}, {transform_indices = @transform_1, window_bounds = array<i64: 2000, 32>}, {transform_indices = @transform_2, window_bounds = array<i64: 2000, 16>}, {transform_indices = @transform_3, window_bounds = array<i64: 2000, 16>}, {pipeline_mode = #tpu.pipeline_mode<synchronous>, transform_indices = @transform_4, window_bounds = array<i64: 1, 16>}, {pipeline_mode = #tpu.pipeline_mode<synchronous>, transform_indices = @transform_5, window_bounds = array<i64: 1, 16>}, {transform_indices = @transform_6, window_bounds = array<i64: 1, 1, 2000>}, {pipeline_mode = #tpu.pipeline_mode<synchronous>, transform_indices = @transform_7, window_bounds = array<i64: 16, 1>}, {pipeline_mode = #tpu.pipeline_mode<synchronous>, transform_indices = @transform_8, window_bounds = array<i64: 1, 1>}, {pipeline_mode = #tpu.pipeline_mode<synchronous>, transform_indices = @transform_9, window_bounds = array<i64: 64, 16>}, {pipeline_mode = #tpu.pipeline_mode<synchronous>, transform_indices = @transform_10, window_bounds = array<i64: 64, 1>}, {pipeline_mode = #tpu.pipeline_mode<synchronous>, transform_indices = @transform_11, window_bounds = array<i64: 64, 1>}]} {
    %get3A = arith.constant 0 : index
    %get3A_0 = arith.constant 0 : index
    %get3A_1 = vector.load %arg1[%get3A, %get3A_0] : memref<2000x32xf32, #tpu.memory_space<vmem>>, vector<2000x32xf32>
    %get3A_2 = arith.constant 0 : index
    %get3A_3 = arith.constant 0 : index
    %get3A_4 = vector.load %arg2[%get3A_2, %get3A_3] : memref<2000x32xf32, #tpu.memory_space<vmem>>, vector<2000x32xf32>
    %get3A_5 = arith.constant 0 : index
    %get3A_6 = arith.constant 0 : index
    %get3A_7 = vector.load %arg3[%get3A_5, %get3A_6] : memref<2000x16xf32, #tpu.memory_space<vmem>>, vector<2000x16xf32>
    %get3A_8 = arith.constant 0 : index
    %get3A_9 = arith.constant 0 : index
    %get3A_10 = vector.load %arg4[%get3A_8, %get3A_9] : memref<2000x16xf32, #tpu.memory_space<vmem>>, vector<2000x16xf32>
    %get3A_11 = arith.constant 0 : index
    %get3A_12 = arith.constant 0 : index
    %get3A_13 = vector.load %arg5[%get3A_11, %get3A_12] : memref<1x16xf32, #tpu.memory_space<vmem>>, vector<1x16xf32>
    %slice3A = vector.extract_strided_slice %get3A_1 {offsets = [0, 0], sizes = [2000, 16], strides = [1, 1]} : vector<2000x32xf32> to vector<2000x16xf32>
    %slice3A_14 = vector.extract_strided_slice %get3A_4 {offsets = [0, 0], sizes = [2000, 16], strides = [1, 1]} : vector<2000x32xf32> to vector<2000x16xf32>
    %add3A = arith.addf %slice3A, %slice3A_14 : vector<2000x16xf32>
    %slice3A_15 = vector.extract_strided_slice %get3A_1 {offsets = [0, 16], sizes = [2000, 1], strides = [1, 1]} : vector<2000x32xf32> to vector<2000x1xf32>
    %slice3A_16 = vector.extract_strided_slice %get3A_4 {offsets = [0, 16], sizes = [2000, 1], strides = [1, 1]} : vector<2000x32xf32> to vector<2000x1xf32>
    %add3A_17 = arith.addf %slice3A_15, %slice3A_16 : vector<2000x1xf32>
    %add3A_18 = arith.addf %get3A_7, %get3A_10 : vector<2000x16xf32>
    %mul3A = arith.constant 2.000000e-01 : f32
    %mul3A_19 = vector.broadcast %mul3A : f32 to vector<2000x16xf32>
    %mul3A_20 = arith.mulf %mul3A_19, %add3A_18 : vector<2000x16xf32>
    %max3A = arith.maximumf %add3A_18, %mul3A_20 : vector<2000x16xf32>
    %mul3A_21 = vector.broadcast %get3A_13 : vector<1x16xf32> to vector<2000x16xf32>
    %mul3A_22 = arith.mulf %max3A, %mul3A_21 : vector<2000x16xf32>
    %reduce_sum3A = arith.constant dense<0.000000e+00> : vector<2000xf32>
    %reduce_sum3A_23 = vector.multi_reduction <add>, %mul3A_22, %reduce_sum3A [1] : vector<2000x16xf32> to vector<2000xf32>
    %broadcast_in_dim3A = vector.shape_cast %reduce_sum3A_23 : vector<2000xf32> to vector<2000x1xf32>
    %exp3A = math.exp %broadcast_in_dim3A : vector<2000x1xf32>
    %mul3A_24 = vector.broadcast %exp3A : vector<2000x1xf32> to vector<2000x16xf32>
    %mul3A_25 = arith.mulf %mul3A_24, %get3A_7 : vector<2000x16xf32>
    %add3A_26 = arith.addf %add3A, %mul3A_25 : vector<2000x16xf32>
    %add3A_27 = arith.addf %add3A_17, %exp3A : vector<2000x1xf32>
    %add3A_28 = arith.constant 1.000000e-16 : f32
    %add3A_29 = vector.broadcast %add3A_28 : f32 to vector<2000x1xf32>
    %add3A_30 = arith.addf %add3A_27, %add3A_29 : vector<2000x1xf32>
    %div3A = vector.broadcast %add3A_30 : vector<2000x1xf32> to vector<2000x16xf32>
    %div3A_31 = arith.divf %add3A_26, %div3A : vector<2000x16xf32>
    %get3A_32 = arith.constant 0 : index
    %get3A_33 = arith.constant 0 : index
    %get3A_34 = vector.load %arg6[%get3A_32, %get3A_33] : memref<1x16xf32, #tpu.memory_space<vmem>>, vector<1x16xf32>
    %add3A_35 = vector.broadcast %get3A_34 : vector<1x16xf32> to vector<2000x16xf32>
    %add3A_36 = arith.addf %div3A_31, %add3A_35 : vector<2000x16xf32>
    %max3A_37 = arith.constant 0.000000e+00 : f32
    %max3A_38 = vector.broadcast %max3A_37 : f32 to vector<2000x16xf32>
    %max3A_39 = arith.maximumf %add3A_36, %max3A_38 : vector<2000x16xf32>
    %get3A_40 = arith.constant 0 : index
    %get3A_41 = arith.constant 0 : index
    %get3A_42 = arith.constant 0 : index
    %get3A_43 = vector.load %arg7[%get3A_40, %get3A_41, %get3A_42] : memref<1x1x2000xi32, #tpu.memory_space<vmem>>, vector<1x1x2000xi32>
    %reshape3A = vector.shape_cast %get3A_43 : vector<1x1x2000xi32> to vector<2000x1xi32>
    %iota3A = tpu.iota {dimensions = array<i32: 1>} : vector<2000x64xi32>
    %eq3A = vector.broadcast %reshape3A : vector<2000x1xi32> to vector<2000x64xi32>
    %eq3A_44 = arith.cmpi eq, %eq3A, %iota3A : vector<2000x64xi32>
    %convert_element_type3A = arith.extui %eq3A_44 : vector<2000x64xi1> to vector<2000x64xi32>
    %convert_element_type3A_45 = arith.sitofp %convert_element_type3A : vector<2000x64xi32> to vector<2000x64xf32>
    %dot_general3A = arith.constant dense<0.000000e+00> : vector<64x16xf32>
    %dot_general3A_46 = tpu.matmul %convert_element_type3A_45, %max3A_39, %dot_general3A {dimension_numbers = #tpu.dot_dimension_numbers<[0], [0], [1], [1], [0, 1, 1, 1], [], []>, transpose_lhs_hint = false} : vector<2000x64xf32>, vector<2000x16xf32>, vector<64x16xf32> -> vector<64x16xf32>
    %broadcast_in_dim3A_47 = arith.constant 1.000000e+00 : f32
    %broadcast_in_dim3A_48 = vector.broadcast %broadcast_in_dim3A_47 : f32 to vector<2000x1xf32>
    %dot_general3A_49 = arith.constant dense<0.000000e+00> : vector<64x1xf32>
    %dot_general3A_50 = tpu.matmul %convert_element_type3A_45, %broadcast_in_dim3A_48, %dot_general3A_49 {dimension_numbers = #tpu.dot_dimension_numbers<[0], [0], [1], [1], [0, 1, 1, 1], [], []>, transpose_lhs_hint = false} : vector<2000x64xf32>, vector<2000x1xf32>, vector<64x1xf32> -> vector<64x1xf32>
    %eq3A_51 = arith.constant 0 : i32
    %eq3A_52 = arith.cmpi eq, %arg0, %eq3A_51 : i32
    %convert_element_type3A_53 = arith.extui %eq3A_52 : i1 to i32
    %cond3A = arith.constant 0 : i32
    %cond3A_54 = arith.cmpi ne, %convert_element_type3A_53, %cond3A : i32
    scf.if %cond3A_54 {
      %broadcast_in_dim3A_73 = arith.constant 0.000000e+00 : f32
      %broadcast_in_dim3A_74 = vector.broadcast %broadcast_in_dim3A_73 : f32 to vector<64x16xf32>
      %swap3A_75 = arith.constant 0 : index
      %swap3A_76 = arith.constant 0 : index
      %swap3A_77 = vector.load %arg10[%swap3A_75, %swap3A_76] : memref<64x16xf32, #tpu.memory_space<vmem>>, vector<64x16xf32>
      tpu.vector_store %arg10[%swap3A_75, %swap3A_76], %broadcast_in_dim3A_74 {strides = array<i32>} : memref<64x16xf32, #tpu.memory_space<vmem>>, vector<64x16xf32>,
      %broadcast_in_dim3A_78 = arith.constant 0.000000e+00 : f32
      %broadcast_in_dim3A_79 = vector.broadcast %broadcast_in_dim3A_78 : f32 to vector<64x1xf32>
      %swap3A_80 = arith.constant 0 : index
      %swap3A_81 = arith.constant 0 : index
      %swap3A_82 = vector.load %arg11[%swap3A_80, %swap3A_81] : memref<64x1xf32, #tpu.memory_space<vmem>>, vector<64x1xf32>
      tpu.vector_store %arg11[%swap3A_80, %swap3A_81], %broadcast_in_dim3A_79 {strides = array<i32>} : memref<64x1xf32, #tpu.memory_space<vmem>>, vector<64x1xf32>,
      %broadcast_in_dim3A_83 = arith.constant 0.000000e+00 : f32
      %broadcast_in_dim3A_84 = vector.broadcast %broadcast_in_dim3A_83 : f32 to vector<64x1xf32>
      %swap3A_85 = arith.constant 0 : index
      %swap3A_86 = arith.constant 0 : index
      %swap3A_87 = vector.load %arg12[%swap3A_85, %swap3A_86] : memref<64x1xf32, #tpu.memory_space<vmem>>, vector<64x1xf32>
      tpu.vector_store %arg12[%swap3A_85, %swap3A_86], %broadcast_in_dim3A_84 {strides = array<i32>} : memref<64x1xf32, #tpu.memory_space<vmem>>, vector<64x1xf32>,
    } else {
    }
    %get3A_55 = arith.constant 0 : index
    %get3A_56 = arith.constant 0 : index
    %get3A_57 = vector.load %arg10[%get3A_55, %get3A_56] : memref<64x16xf32, #tpu.memory_space<vmem>>, vector<64x16xf32>
    %add3A_58 = arith.addf %get3A_57, %dot_general3A_46 : vector<64x16xf32>
    %swap3A = arith.constant 0 : index
    %swap3A_59 = arith.constant 0 : index
    %swap3A_60 = vector.load %arg10[%swap3A, %swap3A_59] : memref<64x16xf32, #tpu.memory_space<vmem>>, vector<64x16xf32>
    tpu.vector_store %arg10[%swap3A, %swap3A_59], %add3A_58 {strides = array<i32>} : memref<64x16xf32, #tpu.memory_space<vmem>>, vector<64x16xf32>,
    %get3A_61 = arith.constant 0 : index
    %get3A_62 = arith.constant 0 : index
    %get3A_63 = vector.load %arg11[%get3A_61, %get3A_62] : memref<64x1xf32, #tpu.memory_space<vmem>>, vector<64x1xf32>
    %add3A_64 = arith.addf %get3A_63, %dot_general3A_50 : vector<64x1xf32>
    %swap3A_65 = arith.constant 0 : index
    %swap3A_66 = arith.constant 0 : index
    %swap3A_67 = vector.load %arg11[%swap3A_65, %swap3A_66] : memref<64x1xf32, #tpu.memory_space<vmem>>, vector<64x1xf32>
    tpu.vector_store %arg11[%swap3A_65, %swap3A_66], %add3A_64 {strides = array<i32>} : memref<64x1xf32, #tpu.memory_space<vmem>>, vector<64x1xf32>,
    %eq3A_68 = arith.constant 4 : i32
    %eq3A_69 = arith.cmpi eq, %arg0, %eq3A_68 : i32
    %convert_element_type3A_70 = arith.extui %eq3A_69 : i1 to i32
    %cond3A_71 = arith.constant 0 : i32
    %cond3A_72 = arith.cmpi ne, %convert_element_type3A_70, %cond3A_71 : i32
    scf.if %cond3A_72 {
      %get3A_73 = arith.constant 0 : index
      %get3A_74 = arith.constant 0 : index
      %get3A_75 = vector.load %arg10[%get3A_73, %get3A_74] : memref<64x16xf32, #tpu.memory_space<vmem>>, vector<64x16xf32>
      %get3A_76 = arith.constant 0 : index
      %get3A_77 = arith.constant 0 : index
      %get3A_78 = vector.load %arg11[%get3A_76, %get3A_77] : memref<64x1xf32, #tpu.memory_space<vmem>>, vector<64x1xf32>
      %max3A_79 = arith.constant 1.000000e+00 : f32
      %max3A_80 = vector.broadcast %max3A_79 : f32 to vector<64x1xf32>
      %max3A_81 = arith.maximumf %get3A_78, %max3A_80 : vector<64x1xf32>
      %div3A_82 = vector.broadcast %max3A_81 : vector<64x1xf32> to vector<64x16xf32>
      %div3A_83 = arith.divf %get3A_75, %div3A_82 : vector<64x16xf32>
      %get3A_84 = arith.constant 0 : index
      %get3A_85 = arith.constant 0 : index
      %get3A_86 = vector.load %arg8[%get3A_84, %get3A_85] : memref<16x1xf32, #tpu.memory_space<vmem>>, vector<16x1xf32>
      %dot_general3A_87 = arith.constant dense<0.000000e+00> : vector<64x1xf32>
      %dot_general3A_88 = tpu.matmul %div3A_83, %get3A_86, %dot_general3A_87 {dimension_numbers = #tpu.dot_dimension_numbers<[1], [0], [0], [1], [0, 0, 1, 1], [], []>, transpose_lhs_hint = false} : vector<64x16xf32>, vector<16x1xf32>, vector<64x1xf32> -> vector<64x1xf32>
      %get3A_89 = arith.constant 0 : index
      %get3A_90 = arith.constant 0 : index
      %get3A_91 = vector.load %arg9[%get3A_89, %get3A_90] : memref<1x1xf32, #tpu.memory_space<vmem>>, vector<1x1xf32>
      %add3A_92 = vector.broadcast %get3A_91 : vector<1x1xf32> to vector<64x1xf32>
      %add3A_93 = arith.addf %dot_general3A_88, %add3A_92 : vector<64x1xf32>
      %swap3A_94 = arith.constant 0 : index
      %swap3A_95 = arith.constant 0 : index
      %swap3A_96 = vector.load %arg12[%swap3A_94, %swap3A_95] : memref<64x1xf32, #tpu.memory_space<vmem>>, vector<64x1xf32>
      tpu.vector_store %arg12[%swap3A_94, %swap3A_95], %add3A_93 {strides = array<i32>} : memref<64x1xf32, #tpu.memory_space<vmem>>, vector<64x1xf32>,
    } else {
    }
    return
  }
  func.func @transform_0(%arg0: i32) -> (i32, i32) {
    %c0_i32 = arith.constant 0 : i32
    %c0_i32_0 = arith.constant 0 : i32
    return %arg0, %c0_i32 : i32, i32
  }
  func.func @transform_1(%arg0: i32) -> (i32, i32) {
    %add3A = arith.constant 5 : i32
    %add3A_0 = arith.addi %arg0, %add3A : i32
    %c0_i32 = arith.constant 0 : i32
    %c0_i32_1 = arith.constant 0 : i32
    return %add3A_0, %c0_i32 : i32, i32
  }
  func.func @transform_2(%arg0: i32) -> (i32, i32) {
    %c0_i32 = arith.constant 0 : i32
    %c0_i32_0 = arith.constant 0 : i32
    return %arg0, %c0_i32 : i32, i32
  }
  func.func @transform_3(%arg0: i32) -> (i32, i32) {
    %c0_i32 = arith.constant 0 : i32
    %c0_i32_0 = arith.constant 0 : i32
    return %arg0, %c0_i32 : i32, i32
  }
  func.func @transform_4(%arg0: i32) -> (i32, i32) {
    %c0_i32 = arith.constant 0 : i32
    %c0_i32_0 = arith.constant 0 : i32
    %c0_i32_1 = arith.constant 0 : i32
    return %c0_i32, %c0_i32_0 : i32, i32
  }
  func.func @transform_5(%arg0: i32) -> (i32, i32) {
    %c0_i32 = arith.constant 0 : i32
    %c0_i32_0 = arith.constant 0 : i32
    %c0_i32_1 = arith.constant 0 : i32
    return %c0_i32, %c0_i32_0 : i32, i32
  }
  func.func @transform_6(%arg0: i32) -> (i32, i32, i32) {
    %c0_i32 = arith.constant 0 : i32
    %c0_i32_0 = arith.constant 0 : i32
    %c0_i32_1 = arith.constant 0 : i32
    return %arg0, %c0_i32, %c0_i32_0 : i32, i32, i32
  }
  func.func @transform_7(%arg0: i32) -> (i32, i32) {
    %c0_i32 = arith.constant 0 : i32
    %c0_i32_0 = arith.constant 0 : i32
    %c0_i32_1 = arith.constant 0 : i32
    return %c0_i32, %c0_i32_0 : i32, i32
  }
  func.func @transform_8(%arg0: i32) -> (i32, i32) {
    %c0_i32 = arith.constant 0 : i32
    %c0_i32_0 = arith.constant 0 : i32
    %c0_i32_1 = arith.constant 0 : i32
    return %c0_i32, %c0_i32_0 : i32, i32
  }
  func.func @transform_9(%arg0: i32) -> (i32, i32) {
    %c0_i32 = arith.constant 0 : i32
    %c0_i32_0 = arith.constant 0 : i32
    %c0_i32_1 = arith.constant 0 : i32
    return %c0_i32, %c0_i32_0 : i32, i32
  }
  func.func @transform_10(%arg0: i32) -> (i32, i32) {
    %c0_i32 = arith.constant 0 : i32
    %c0_i32_0 = arith.constant 0 : i32
    %c0_i32_1 = arith.constant 0 : i32
    return %c0_i32, %c0_i32_0 : i32, i32
  }
  func.func @transform_11(%arg0: i32) -> (i32, i32) {
    %c0_i32 = arith.constant 0 : i32
    %c0_i32_0 = arith.constant 0 : i32
    %c0_i32_1 = arith.constant 0 : i32
    return %c0_i32, %c0_i32_0 : i32, i32
  }
}

</mosaic_0001>

<sc_bundles>
// kernel: kernel.10.cloned.1.call-start
scs
__scs_entry_jumppad:
0x0: {  	(pc) =	sbr.rel $0x88, $3  }
0x1: {  	(tag) =	ssettag $0x0;
	lr =	simm.s32 $0x1  }
0x2: {  	[smem:$0x3F90] =	sst lr;
	_ =	strace $0xD0000000  }
0x3: {  	_ = 	snop  }
0x4: {  	_ = 	snop  }
0x5: {  	_ = 	snop  }
0x6: {  	_ = 	snop  }
0x7: {  	_ = 	snop  }
__scs_overlays_trampoline_lowered:
0x8: {  	[smem:$0x3F9F] =	sst s0  }
0x9: {  	[smem:$0x3FA0] =	sst s1  }
0xa: {  	[smem:$0x3FA1] =	sst s2  }
0xb: {  	[smem:$0x3FA2] =	sst s3  }
0xc: {  	[smem:$0x3FA3] =	sst s4  }
0xd: {  	[smem:$0x3FA4] =	sst s5  }
0xe: {  	[smem:$0x3FA5] =	sst s6  }
0xf: {  	[smem:$0x3FA6] =	sst s7  }
0x10: {  	[smem:$0x3FA7] =	sst s8  }
0x11: {  	[smem:$0x3FA8] =	sst s9;
	s0 =	simm.s32 @!p0 $0x0  }
0x12: {  	s1 =	sld [smem:$0x3F8E];
	s0 =	simm.s32 @p0 $0x1  }
0x13: {  	[smem:$0x3FA9] =	sst s0;
	s0 =	simm.s32 @!p1 $0x0  }
0x14: {  	s2 =	sld [smem:$0x3F8D];
	s0 =	simm.s32 @p1 $0x1  }
0x15: {  	[smem:$0x3FAA] =	sst s0;
	s0 =	simm.s32 @!p2 $0x0  }
0x16: {  	s3 =	sld [smem:$0x3FDB];
	s0 =	simm.s32 @p2 $0x1  }
0x17: {  	s4 =	simm.s32 $0x1BF5;
	[smem:$0x3FAC] =	sst s0  }
0x18: {  	s0 =	sld [smem:$0x3F8F];
	_ =	swait.ge [sflag:s4], $0x0  }
0x19: {  	s7 =	sld [smem:$0x3F90]  }
0x1a: {  	s8 =	sadd.s32 $0xFFFFE003, lr  }
0x1b: {  	s9 =	sadd.s32 $0xFFFFFEF7, lr;
	s5 =	simm.s32 $0xFFFFFFFF;
	p2 =	slt.u32 s8, $0xFFFFF086  }
0x1c: {  	p1 =	slt.u32 s9, $0xF7A;
	s5 =	simm.s32 @!p2 $0x0  }
0x1d: {  	s5 =	simm.s32 @p1 $0x1;
	p0 =	seq.s32 s7, s2  }
0x1e: {  	s7 =	smul.u32 @!p0 $0xF7A, s2;
	p2 =	seq.s32 @!p0 s5, $0x0  }
0x1f: {  	s9 =	smul.u32 $0xF7A, s1;
	s8 =	simm.s32 @!p0 $0x1BF5;
	p2 =	por !p2, p0  }
0x20: {  	[sflag:s8] =	ssyncset.s32 @!p0 $0xFFFFF086;
	s6 =	sadd.s32 @!p0 s3, s7;
	s7 =	simm.s32 @!p0 $0x108  }
0x21: {  	s3 =	sadd.s32 s3, s9;
	s6 =	sadd.s32 @!p0 $0x88, s6;
	s7 =	simm.s32 @p2 $0x1082  }
0x22: {  	[simem:s7], [sflag:s8] =	dma.local @!p0 [hbm:s6], $0xF7A  }
0x23: {  	s9 =	sor.u32 $0xD0000000, s2;
	s6 =	simm.s32 $0x108;
	_ =	swait.ge @!p0 [sflag:s8], $0x0  }
0x24: {  	s3 =	sadd.s32 $0x88, s3;
	s6 =	simm.s32 @!p1 $0x1082;
	[sflag:s4] =	ssyncset.s32 $0xFFFFF086  }
0x25: {  	[simem:s6], [sflag:s4] =	dma.local [hbm:s3], $0xF7A  }
0x26: {  	[smem:$0x3F90] =	sst s1;
	(tag) =	ssettag s2;
	_ =	strace s9  }
0x27: {  	s1 =	sld [smem:$0x3FA0]  }
0x28: {  	s2 =	sld [smem:$0x3FA1]  }
0x29: {  	s4 =	sld [smem:$0x3FA3]  }
0x2a: {  	p0 =	seq.s32 s5, $0x0;
	s5 =	sld [smem:$0x3FA4]  }
0x2b: {  	s6 =	sld [smem:$0x3FA5]  }
0x2c: {  	s7 =	sld [smem:$0x3FA6]  }
0x2d: {  	s3 =	simm.s32 $0x108;
	s8 =	sld [smem:$0x3FA7]  }
0x2e: {  	s3 =	simm.s32 @!p0 $0x1082;
	s9 =	sld [smem:$0x3FA8]  }
0x2f: {  	lr =	sadd.s32 s0, s3;
	s0 =	sld [smem:$0x3F9F]  }
0x30: {  	s3 =	sld [smem:$0x3FA2]  }
0x31: {  	[smem:$0x3FAB] =	sst s10  }
0x32: {  	s10 =	sld [smem:$0x3FA9];
	_ =	sdelay $0x3  }
0x33: {  	p0 =	seq.s32 s10, $0x1;
	s10 =	sld [smem:$0x3FAB];
	_ =	sdelay $0x3  }
0x34: {  	[smem:$0x3FAB] =	sst s10  }
0x35: {  	s10 =	sld [smem:$0x3FAA];
	_ =	sdelay $0x3  }
0x36: {  	p1 =	seq.s32 s10, $0x1;
	s10 =	sld [smem:$0x3FAB];
	_ =	sdelay $0x3  }
0x37: {  	[smem:$0x3FAB] =	sst s10  }
0x38: {  	s10 =	sld [smem:$0x3FAC]  }
0x39: {  	_ = 	snop;
	(pc) =	sbr.ind lr, $3  }
0x3a: {  	_ = 	snop  }
0x3b: {  	_ = 	snop  }
0x3c: {  	p2 =	seq.s32 s10, $0x1;
	s10 =	sld [smem:$0x3FAB]  }
0x3d: {  	_ =	shalt  }
0x3e: {  	_ =	shalt  }
0x3f: {  	_ =	shalt  }
0x40: {  	_ =	shalt  }
0x41: {  	_ =	shalt  }
0x42: {  	_ =	shalt  }
0x43: {  	_ =	shalt  }
0x44: {  	_ =	shalt  }
0x45: {  	_ =	shalt  }
0x46: {  	_ =	shalt  }
0x47: {  	_ =	shalt  }
0x48: {  	_ =	shalt  }
0x49: {  	_ =	shalt  }
0x4a: {  	_ =	shalt  }
0x4b: {  	_ =	shalt  }
0x4c: {  	_ =	shalt  }
0x4d: {  	_ =	shalt  }
0x4e: {  	_ =	shalt  }
0x4f: {  	_ =	shalt  }
0x50: {  	_ =	shalt  }
0x51: {  	_ =	shalt  }
0x52: {  	_ =	shalt  }
0x53: {  	_ =	shalt  }
0x54: {  	_ =	shalt  }
0x55: {  	_ =	shalt  }
0x56: {  	_ =	shalt  }
0x57: {  	_ =	shalt  }
0x58: {  	_ =	shalt  }
0x59: {  	_ =	shalt  }
0x5a: {  	_ =	shalt  }
0x5b: {  	_ =	shalt  }
0x5c: {  	_ =	shalt  }
0x5d: {  	_ =	shalt  }
0x5e: {  	_ =	shalt  }
0x5f: {  	_ =	shalt  }
0x60: {  	_ =	shalt  }
0x61: {  	_ =	shalt  }
0x62: {  	_ =	shalt  }
0x63: {  	_ =	shalt  }
0x64: {  	_ =	shalt  }
0x65: {  	_ =	shalt  }
0x66: {  	_ =	shalt  }
0x67: {  	_ =	shalt  }
0x68: {  	_ =	shalt  }
0x69: {  	_ =	shalt  }
0x6a: {  	_ =	shalt  }
0x6b: {  	_ =	shalt  }
0x6c: {  	_ =	shalt  }
0x6d: {  	_ =	shalt  }
0x6e: {  	_ =	shalt  }
0x6f: {  	_ =	shalt  }
0x70: {  	_ =	shalt  }
0x71: {  	_ =	shalt  }
0x72: {  	_ =	shalt  }
0x73: {  	_ =	shalt  }
0x74: {  	_ =	shalt  }
0x75: {  	_ =	shalt  }
0x76: {  	_ =	shalt  }
0x77: {  	_ =	shalt  }
0x78: {  	_ =	shalt  }
0x79: {  	_ =	shalt  }
0x7a: {  	_ =	shalt  }
0x7b: {  	_ =	shalt  }
0x7c: {  	_ =	shalt  }
0x7d: {  	_ =	shalt  }
0x7e: {  	_ =	shalt  }
0x7f: {  	_ =	shalt  }
0x80: {  	_ =	shalt  }
0x81: {  	_ =	shalt  }
0x82: {  	_ =	shalt  }
0x83: {  	_ =	shalt  }
0x84: {  	_ =	shalt  }
0x85: {  	_ =	shalt  }
0x86: {  	_ =	shalt  }
0x87: {  	_ =	shalt  }
.Lfunc_end0:
.L_simem_size_0:
called_computation.1_lowered:
.L_overlay_start_0:
0x88: {  	s2 =	sld [smem:$0x3FD9]  }
0x89: {  	s3 =	sld [smem:$0x3FFE];
	_ =	sdelay $0x1  }
0x8a: {  	s1 =	srdreg.scid  }
0x8b: {  	s0 =	sand.u32 $0x1, s1  }
0x8c: {  	s17 =	sshll.u32 s0, $0xA;
	s2 =	sadd.s32 s3, s2  }
0x8d: {  	s2 =	sadd.s32 s2, s17  }
0x8e: {  	[smem:$0x3FB7] =	sst s2  }
0x8f: {  	_ = 	snop  }
0x90: {  	s2 =	sld [smem:$0x3FD0];
	(tm) =	ssettm $0x1  }
0x91: {  	s18 =	sld [smem:$0x3FFB];
	_ =	sdelay $0x3  }
0x92: {  	_ =	strace s18  }
0x93: {  	s3 =	sld [smem:$0x3FFC];
	_ =	sdelay $0x3  }
0x94: {  	_ =	strace s3  }
0x95: {  	s3 =	sld [smem:$0x3FFD];
	_ =	sdelay $0x3  }
0x96: {  	_ =	strace s3  }
0x97: {  	_ =	strace $0x8FFFFFFF  }
0x98: {  	s19 =	sld [smem:$0x3FDB];
	_ =	sdelay $0x1  }
0x99: {  	s4 =	simm.s32 $_scs_section_size  }
0x9a: {  	s5 =	simm.s32 $_size__tile_overlayer_lowered;
	s6 =	simm.s32 $_tile_overlayer_lowered  }
0x9b: {  	s22 =	simm.s32 $0x1BFF;
	s21 =	sshll.u32 s6, $0x1;
	s3 =	sadd.s32 s4, s19  }
0x9c: {  	s7 =	simm.s32 $0x0;
	s20 =	sshll.u32 s5, $0x1;
	s5 =	sadd.s32 s21, s3  }
0x9d: {  	[timem:s7], [sflag:s22] =	dma.local [hbm:s5], s20  }
0x9e: {  	_ =	swait.ge [sflag:s22], s20  }
0x9f: {  	s4 =	ssub.s32 $0x0, s20;
	[sflag:s22] =	ssyncset.done $0x0  }
0xa0: {  	[sflag:s22] =	ssyncadd.s32 s4;
	_ =	sdelay $0x1  }
0xa1: {  	s23 =	simm.s32 $0x1B8B  }
0xa2: {  	_ =	swait.ge [sflag:s23], $0x1  }
0xa3: {  	[sflag:s23] =	ssyncset.done $0x0  }
0xa4: {  	s25 =	simm.s32 $0x1B8E;
	s24 =	sld [smem:$0x3FFE];
	[sflag:s23] =	ssyncadd.s32 $0xFFFFFFFF  }
0xa5: {  	s26 =	simm.s32 $execute0_lowered;
	[smem:$0x3FD2] =	sst s25  }
0xa6: {  	s5 =	sshll.u32 s26, $0x1;
	_ =	strace $0x80000049;
	[dreg:$0x1] =	wrdreg $0xFFFFFFFF  }
0xa7: {  	s28 =	simm.s32 $_size_execute0_lowered;
	s3 =	sadd.s32 s3, s5;
	[dreg:$0x0] =	wrdreg $0x0  }
0xa8: {  	s5 =	sshll.u32 s28, $0x1;
	[dreg:$0x2] =	wrdreg s3  }
0xa9: {  	[dreg:$0x3] =	wrdreg s5  }
0xaa: {  	[dreg:$0x4] =	wrdreg $0xC0  }
0xab: {  	_ =	task [dreg:s7], $0x5FFFF  }
0xac: {  	[dreg:$0x1] =	wrdreg $0xFFFFFFFF  }
0xad: {  	[dreg:$0x0] =	wrdreg $0x60  }
0xae: {  	[dreg:$0x2] =	wrdreg s24  }
0xaf: {  	[dreg:$0x3] =	wrdreg s2  }
0xb0: {  	[dreg:$0x4] =	wrdreg $0x164500  }
0xb1: {  	[dreg:$0x5] =	wrdreg $0x9  }
0xb2: {  	_ =	task.clear_ibuf [dreg:s7], $0x6FFFF;
	_ =	strace $0x90000049  }
0xb3: {  	s29 =	simm.s32 $0x9;
	_ =	strace $0x8000004B  }
0xb4: {  	_ =	swait.ge [sflag:s29], $0x1  }
0xb5: {  	[sflag:s29] =	ssyncadd.s32 $0xFFFFFFFF  }
0xb6: {  	_ =	strace $0x9000004B  }
0xb7: {  	_ =	sfence  }
0xb8: {  	s30 =	sld [smem:$0x0];
	_ =	sdelay $0x2  }
0xb9: {  	s31 =	sshll.u32 s1, $0xD;
	s1 =	sshrl.u32 s1, $0x2  }
0xba: {  	s3 =	sand.u32 $0x4000, s31;
	s1 =	sadd.s32 s1, s30  }
0xbb: {  	s0 =	sor.u32 s3, s0;
	s1 =	sshll.u32 s1, $0x11  }
0xbc: {  	s0 =	sor.u32 s1, s0  }
0xbd: {  	s0 =	sadd.s32 $0x8F2B, s0  }
0xbe: {  	[sflag:s0] =	ssyncadd.remote.s32 $0x1  }
0xbf: {  	_ =	sfence.sel $0xFFFF  }
0xc0: {  	[dreg:$0x0] =	wrdreg $0xFFFFFFFF;
	(pc) =	sbr.abs _section_cstart, $3  }
0xc1: {  	[dreg:$0x1] =	wrdreg $0xFFFFFFFF  }
0xc2: {  	_ =	task.clear_ibuf [dreg:s7], $0x2FFFF;
	_ =	strace $0x9FFFFFFF  }
0xc3: {  	(tm) =	ssettm $0x7FFFFFFF  }
tec
execute0_lowered:
.L_overlay_start_1:
0x0: {  	(tag) =	ssettag $0x1  }
0x1: {  	s0 =	srdreg.scid;
	s1 =	rddreg [dreg:$0x0]  }
0x2: {  	s3 =	rddreg [dreg:$0x2];
	s13 =	simm.s32 $0x5;
	s14 =	simm.s32 $0x2710  }
0x3: {  	s16 =	simm.s32 $0x190;
	s17 =	simm.s32 $0x4E30;
	s18 =	simm.s32 $0x6730  }
0x4: {  	s19 =	simm.s32 $0x1;
	s20 =	simm.s32 $0x2;
	s21 =	simm.s32 $0x8030  }
0x5: {  	s22 =	simm.s32 $0x9930;
	s23 =	simm.s32 $0xB230;
	s24 =	simm.s32 $0x3  }
0x6: {  	s25 =	simm.s32 $0x4;
	s2 =	sand.u32 $0x1, s0;
	s0 =	stileid.u32  }
0x7: {  	s26 =	simm.s32 $0xE430;
	s6 =	sadd.s32 $0x3A00, s1;
	s8 =	smul.u32 $0x9C4, s0  }
0x8: {  	s4 =	sshll.u32 s2, $0x4;
	s9 =	smul.u32 $0x9C40, s2;
	s2 =	ssub.s32 $0x2, s2  }
0x9: {  	s10 =	smul.u32 $0x13880, s0;
	s5 =	sor.u32 s0, s4;
	s4 =	simm.s32 $0x0  }
0xa: {  	s30 =	sshrl.u32 s2, $0x1;
	s7 =	smul.u32 $0x4E2, s5;
	[smem:$0x7FF] =	sst s4  }
0xb: {  	s5 =	sadd.s32 $0x8A00, s1;
	s29 =	sadd.s32 s8, s9;
	s2 =	ssub.s32 s2, s30  }
0xc: {  	s31 =	sshrl.u32 s10, $0x2;
	_ =	strace $0x8000004A;
	s11 =	sadd.s32 s7, s1  }
0xd: {  	s1 =	sadd.s32 s29, s1;
	s7 =	sadd.s32 s31, s3;
	s8 =	sadd.s32 $0x17800, s11  }
0xe: {  	v0 =	vimm.f32 $0.0e+00;
	s9 =	sadd.s32 $0xDA00, s11;
	s10 =	sadd.s32 $0x6FA00, s1;
	s11 =	smax.u32 s2, $0x1  }
.LBB2_1:
0xf: {  	s1 =	simm.s32 $0x80;
	s2 =	simm.s32 $0x0  }
.LBB2_2:
0x10: {  	p0 =	sne.s32 s1, $0x13800;
	[tilespmem:s2+$0x11630] =	vst v0;
	s12 =	smov.u32 s1;
	s1 =	sadd.s32 $0x80, s1  }
.Ltmp0:
0x11: {  	[tilespmem:s2+$0x11640] =	vst v0;
	(pc) =	sbr.rel @p0 .LBB2_2-.Ltmp0, $2  }
0x12: {  	_ =	sdelay $0x2  }
0x13: {  	s2 =	sshra.s32 s12, $0x2  }
0x14: {  	[tilespmem:s2+$0x11630] =	vst v0  }
0x15: {  	[tilespmem:s2+$0x11640] =	vst v0;
	s1 =	simm.s32 $0x11630  }
0x16: {  	[spmem:s7] =	stream.linear.scatter [tilespmem:s1], [sflag:$0x5], $0x4E20, $0x38;
	[tilespmem:$0x1B270] =	vst v63  }
0x17: {  	_ =	swait.ge [sflag:s13], $0x4E20  }
0x18: {  	[sflag:s13] =	ssyncset.done $0x0  }
0x19: {  	s29 =	simm.s32 $0x0;
	[sflag:s13] =	ssyncadd.s32 $0xFFFFB1E0  }
0x1a: {  	[tilespmem:s29], [sflag:$0x5] =	stream.linear.gather [hbm4b:s8+s29], $0x2710, $0x38;
	[tilespmem:$0x1B270] =	vst v63  }
0x1b: {  	_ =	swait.ge [sflag:s13], $0x2710  }
0x1c: {  	[sflag:s13] =	ssyncset.done $0x0  }
0x1d: {  	[sflag:s13] =	ssyncadd.s32 $0xFFFFD8F0  }
0x1e: {  	[tilespmem:s14], [sflag:$0x5] =	stream.linear.gather [hbm4b:s9+s29], $0x2710, $0x38;
	[tilespmem:$0x1B270] =	vst v63  }
0x1f: {  	_ =	swait.ge [sflag:s13], $0x2710  }
0x20: {  	[sflag:s13] =	ssyncset.done $0x0  }
0x21: {  	[sflag:s13] =	ssyncadd.s32 $0xFFFFD8F0  }
0x22: {  	s31 =	simm.s32 $0x4E20;
	s30 =	rddreg [dreg:$0x1]  }
0x23: {  	[tilespmem:s31], [sflag:$0x5] =	stream.linear.gather [hbm4b:s30+s29], $0x10, $0x38;
	[tilespmem:$0x1B270] =	vst v63  }
0x24: {  	_ =	swait.ge [sflag:s13], $0x10  }
0x25: {  	[sflag:s13] =	ssyncset.done $0x0  }
0x26: {  	[sflag:s13] =	ssyncadd.s32 $0xFFFFFFF0  }
0x27: {  	[bflag:$0x0] =	sbarrier.arrive $0xFFFF  }
0x28: {  	v1 =	vld [tilespmem:$0x4E20];
	[tilespmem:s17], [sflag:$0x1] =	stream.indirect.gather [hbm4b:s5+s16], $0x10, s29, s16, $0xb8  }
0x29: {  	_ = 	snop  }
0x2a: {  	[tilespmem:s18], [sflag:$0x2] =	stream.indirect.gather [hbm4b:s6+s16], $0x10, s14, s16, $0xb8;
	[tilespmem:$0x1B270] =	vst v63  }
.LBB2_4:
0x2b: {  	_ =	swait.ge [sflag:s19], $0x1900  }
0x2c: {  	[sflag:s19] =	ssyncset.done $0x0  }
0x2d: {  	[sflag:s19] =	ssyncadd.s32 $0xFFFFE700  }
0x2e: {  	s31 =	smul.u32 $0x320, s29;
	_ =	swait.ge [sflag:s20], $0x1900  }
0x2f: {  	[sflag:s20] =	ssyncset.done $0x0  }
0x30: {  	s1 =	sadd.s32 $0x190, s31;
	[sflag:s20] =	ssyncadd.s32 $0xFFFFE700  }
0x31: {  	[tilespmem:s21], [sflag:$0x3] =	stream.indirect.gather [hbm4b:s5+s16], $0x10, s1, s16, $0xb8;
	[tilespmem:$0x1B270] =	vst v63  }
0x32: {  	s12 =	simm.s32 $0x4E70;
	s30 =	sadd.s32 $0x28A0, s31  }
0x33: {  	[tilespmem:s22], [sflag:$0x4] =	stream.indirect.gather [hbm4b:s6+s16], $0x10, s30, s16, $0xb8;
	[tilespmem:$0x1B270] =	vst v63  }
0x34: {  	s2 =	simm.s32 $0x6770;
	v13 =	vld [tilespmem:s12+$0x30]  }
0x35: {  	v2 =	vld [tilespmem:s2+$0x30];
	_ =	sdelay $0x2  }
0x36: {  	v11 =	vld [tilespmem:s12+$0xFFFFFFD0]  }
0x37: {  	v3 =	vld [tilespmem:s2+$0xFFFFFFD0]  }
0x38: {  	v12 =	vld [tilespmem:s12+$0xFFFFFFE0];
	v4 =	vadd.f32 v2, v13  }
0x39: {  	v5 =	vld [tilespmem:s2+$0xFFFFFFE0]  }
0x3a: {  	v6 =	vmul.f32 $2.000000030e-01, v4  }
0x3b: {  	v2 =	vld [tilespmem:s12+$0xFFFFFFF0]  }
0x3c: {  	v4 =	vmax.f32 v4, v6;
	v6 =	vld [tilespmem:s2+$0xFFFFFFF0]  }
0x3d: {  	v9 =	vld [tilespmem:s2+$0x0];
	v8 =	vadd.f32 v3, v11;
	v7 =	vmul.f32 v4, v1  }
0x3e: {  	v10 =	vld [tilespmem:s2+$0xFFFFFFC0];
	v5 =	vadd.f32 v5, v12  }
0x3f: {  	v4 =	vld [tilespmem:s12+$0x0];
	(xrf2) =	vadd.scan.msk.f32 $0xffff, v7;
	v7 =	vmul.f32 $2.000000030e-01, v8  }
0x40: {  	v17 =	vld [tilespmem:s12+$0xFFFFFFC0];
	v14 =	vmul.f32 $2.000000030e-01, v5  }
0x41: {  	v3 =	vld [tilespmem:s12+$0x10];
	v7 =	vmax.f32 v8, v7;
	v6 =	vadd.f32 v6, v2  }
0x42: {  	v5 =	vmax.f32 v5, v14;
	v8 =	vld [tilespmem:s2+$0x10];
	v15 =	vmul.f32 v7, v1  }
0x43: {  	v5 =	vmul.f32 v5, v1;
	v14 =	vmul.f32 $2.000000030e-01, v6  }
0x44: {  	v9 =	vadd.f32 v9, v4;
	(xrf2) =	vadd.scan.msk.f32 $0xffff, v15  }
0x45: {  	v7 =	vld [tilespmem:s12+$0x20];
	(xrf2) =	vadd.scan.msk.f32 $0xffff, v5;
	v5 =	vmax.f32 v6, v14;
	v6 =	vadd.f32 v10, v17  }
0x46: {  	v15 =	vld [tilespmem:s2+$0x20];
	v16 =	vmul.f32 $2.000000030e-01, v9  }
0x47: {  	s15 =	simm.s32 $0x4EF0;
	v8 =	vadd.f32 v8, v3;
	v10 =	vmul.f32 $2.000000030e-01, v6  }
0x48: {  	v18 =	vld [tilespmem:s15+$0x30];
	s12 =	simm.s32 $0x67F0;
	v5 =	vmul.f32 v5, v1;
	v9 =	vmax.f32 v9, v16  }
0x49: {  	v16 =	vld [tilespmem:s12+$0x30];
	v9 =	vmul.f32 v9, v1;
	v19 =	vmul.f32 $2.000000030e-01, v8;
	v14, _, _ =	vpop (xrf2);
	v6 =	vmax.f32 v6, v10  }
0x4a: {  	(xrf2) =	vadd.scan.msk.f32 $0xffff, v5;
	v5 =	vmul.f32 $1.442695020e+00, v14;
	v6 =	vmul.f32 v6, v1  }
0x4b: {  	v21 =	vld [tilespmem:s15+$0xFFFFFFD0];
	v14 =	vadd.f32 v15, v7  }
0x4c: {  	(xrf2) =	vadd.scan.msk.f32 $0xffff, v9;
	v8 =	vmax.f32 v8, v19;
	v9 =	vld [tilespmem:s12+$0xFFFFFFD0];
	v5 =	vbroadcast v5, $0xF  }
0x4d: {  	v8 =	vmul.f32 v8, v1;
	v15 =	vmul.f32 $2.000000030e-01, v14  }
0x4e: {  	v10 =	vld [tilespmem:s15+$0xFFFFFFE0];
	(xrf2) =	vadd.scan.msk.f32 $0xffff, v6;
	(erf) = vpow2.f32 v5;
	v5 =	vadd.f32 v16, v18;
	v6, _, _ =	vpop (xrf2)  }
0x4f: {  	(xrf2) =	vadd.scan.msk.f32 $0xffff, v8;
	v8 =	vld [tilespmem:s12+$0xFFFFFFE0];
	v14 =	vmax.f32 v14, v15;
	v15 =	vmul.f32 $1.442695020e+00, v6;
	v6, _, _ =	vpop (xrf2)  }
0x50: {  	v22 =	vld [tilespmem:s12+$0xFFFFFFF0];
	v19 =	vmul.f32 $2.000000030e-01, v5;
	v20 =	vmul.f32 $1.442695020e+00, v6  }
0x51: {  	v14 =	vmul.f32 v14, v1;
	v23 =	vadd.f32 v9, v21;
	v6 =	vld [tilespmem:s15+$0xFFFFFFF0]  }
0x52: {  	v15 =	vbroadcast v15, $0xF;
	v9 =	vmax.f32 v5, v19;
	v19 =	vbroadcast v20, $0xF  }
0x53: {  	v29 =	vld [tilespmem:s12+$0x20];
	(xrf2) =	vadd.scan.msk.f32 $0xffff, v14;
	v20 =	vmul.f32 $2.000000030e-01, v23  }
0x54: {  	v5 =	vld [tilespmem:s15+$0x0];
	v24 =	vadd.f32 v8, v10;
	v14 =	vmul.f32 v9, v1;
	(erf) = vpow2.f32 v15  }
0x55: {  	v15 =	vld [tilespmem:s12+$0x0];
	(erf) = vpow2.f32 v19;
	v20 =	vmax.f32 v23, v20;
	v9, _, _ =	vpop (xrf2)  }
0x56: {  	v16 =	vld [tilespmem:s12+$0xFFFFFFC0];
	v23 =	vmul.f32 $2.000000030e-01, v24;
	(xrf2) =	vadd.scan.msk.f32 $0xffff, v14;
	v22 =	vadd.f32 v22, v6;
	v20 =	vmul.f32 v20, v1;
	v19, _, _ =	vpop (xrf2)  }
0x57: {  	v8 =	vmul.f32 $1.442695020e+00, v9;
	v9 =	vld [tilespmem:s15+$0x10];
	v14 =	vmul.f32 $1.442695020e+00, v19;
	v26 =	vpop (erf)  }
0x58: {  	v23 =	vmax.f32 v24, v23;
	v19 =	vld [tilespmem:s12+$0x10];
	v24 =	vmul.f32 $2.000000030e-01, v22;
	v28 =	vmul.f32 v26, v13;
	v13, _, _ =	vpop (xrf2)  }
0x59: {  	v23 =	vmul.f32 v23, v1;
	v25 =	vbroadcast v8, $0xF;
	v8 =	vld [tilespmem:s15+$0x20];
	v30, _, _ =	vpop (xrf2);
	(xrf2) =	vadd.scan.msk.f32 $0xffff, v20  }
0x5a: {  	v15 =	vadd.f32 v15, v5;
	v27 =	vbroadcast v14, $0xF;
	v14 =	vld [tilespmem:s15+$0xFFFFFFC0]  }
0x5b: {  	v13 =	vmul.f32 $1.442695020e+00, v13;
	v22 =	vmax.f32 v22, v24;
	(xrf2) =	vadd.scan.msk.f32 $0xffff, v23  }
0x5c: {  	v24 =	vmul.f32 $2.000000030e-01, v15;
	v22 =	vmul.f32 v22, v1  }
0x5d: {  	v20 =	vmul.f32 $1.442695020e+00, v30;
	v13 =	vbroadcast v13, $0xF;
	v23, _, _ =	vpop (xrf2);
	v19 =	vadd.f32 v19, v9  }
0x5e: {  	v15 =	vmax.f32 v15, v24;
	v23 =	vmul.f32 $1.442695020e+00, v23;
	(xrf2) =	vadd.scan.msk.f32 $0xffff, v22;
	v29 =	vadd.f32 v29, v8  }
0x5f: {  	v15 =	vmul.f32 v15, v1;
	v24 =	vmul.f32 $2.000000030e-01, v19;
	v16 =	vadd.f32 v16, v14  }
0x60: {  	s12 =	simm.s32 $0x6870;
	(erf) = vpow2.f32 v13;
	v22 =	vmul.f32 $2.000000030e-01, v29;
	v30, _, _ =	vpop (xrf2)  }
0x61: {  	v33 =	vld [tilespmem:s12+$0xFFFFFFD0];
	s15 =	simm.s32 $0x4F70;
	v31 =	vpop (erf);
	v19 =	vmax.f32 v19, v24;
	v24 =	vmul.f32 $2.000000030e-01, v16;
	v30 =	vmul.f32 $1.442695020e+00, v30  }
0x62: {  	v32 =	vmul.f32 v31, v11;
	v13 =	vld [tilespmem:s15+$0x30];
	(erf) = vpow2.f32 v25;
	v25 =	vpop (erf);
	v22 =	vmax.f32 v29, v22  }
0x63: {  	s1 =	simm.s32 $0xB2B0;
	(xrf2) =	vadd.scan.msk.f32 $0xffff, v15;
	v34 =	vmul.f32 v25, v12;
	v11 =	vmax.f32 v16, v24;
	v15 =	vbroadcast v30, $0xF;
	v24 =	vld [tilespmem:s12+$0x30];
	v16, _, _ =	vpop (xrf2)  }
0x64: {  	[tilespmem:s1+$0x70] =	vst v26;
	v26 =	vld [tilespmem:s12+$0x0];
	v11 =	vmul.f32 v11, v1;
	v16 =	vmul.f32 $1.442695020e+00, v16  }
0x65: {  	v12 =	vld [tilespmem:s15+$0xFFFFFFF0];
	(erf) = vpow2.f32 v15;
	v15 =	vmul.f32 v22, v1;
	v22, _, _ =	vpop (xrf2)  }
0x66: {  	v20 =	vbroadcast v20, $0xF;
	[tilespmem:s1+$0xFFFFFFD0] =	vst v25;
	v25 =	vld [tilespmem:s12+$0xFFFFFFF0];
	v22 =	vmul.f32 $1.442695020e+00, v22  }
0x67: {  	v19 =	vmul.f32 v19, v1;
	(xrf2) =	vadd.scan.msk.f32 $0xffff, v11;
	v11 =	vld [tilespmem:s15+$0xFFFFFFD0];
	v30 =	vbroadcast v16, $0xF  }
0x68: {  	(erf) = vpow2.f32 v27;
	v16 =	vld [tilespmem:s15+$0xFFFFFFE0];
	v27, _, _ =	vpop (xrf2);
	v24 =	vadd.f32 v24, v13;
	v22 =	vbroadcast v22, $0xF  }
0x69: {  	(xrf2) =	vadd.scan.msk.f32 $0xffff, v19;
	v19 =	vld [tilespmem:s12+$0xFFFFFFE0];
	v27 =	vmul.f32 $1.442695020e+00, v27;
	(erf) = vpow2.f32 v30  }
0x6a: {  	[tilespmem:s1+$0x60] =	vst v28;
	v28 =	vpop (erf);
	(xrf2) =	vadd.scan.msk.f32 $0xffff, v15;
	v15 =	vld [tilespmem:s15+$0x0];
	(erf) = vpow2.f32 v20;
	v20 =	vmul.f32 $2.000000030e-01, v24  }
0x6b: {  	[tilespmem:s1+$0xFFFFFFB0] =	vst v31;
	v23 =	vbroadcast v23, $0xF;
	v31 =	vmul.f32 v28, v17  }
0x6c: {  	v55 =	vld [tilespmem:s12+$0x10];
	(erf) = vpow2.f32 v22;
	v30 =	vadd.f32 v33, v11;
	v24 =	vmax.f32 v24, v20  }
0x6d: {  	v25 =	vadd.f32 v25, v12;
	v17 =	vld [tilespmem:s15+$0x10];
	v22 =	vbroadcast v27, $0xF;
	v27, _, _ =	vpop (xrf2);
	v24 =	vmul.f32 v24, v1  }
0x6e: {  	[tilespmem:s1+$0xFFFFFFA0] =	vst v32;
	v54 =	vadd.f32 v19, v16;
	v27 =	vmul.f32 $1.442695020e+00, v27;
	v53 =	vmul.f32 $2.000000030e-01, v30  }
0x6f: {  	v29 =	vld [tilespmem:s12+$0xFFFFFFC0];
	v57 =	vmul.f32 $2.000000030e-01, v25;
	(erf) = vpow2.f32 v23;
	v26 =	vadd.f32 v26, v15;
	v20 =	vpop (erf);
	(xrf2) =	vadd.scan.msk.f32 $0xffff, v24  }
0x70: {  	[tilespmem:s1+$0xFFFFFFC0] =	vst v34;
	v19 =	vld [tilespmem:s15+$0x20];
	v56 =	vmul.f32 $2.000000030e-01, v54;
	v35 =	vpop (erf);
	v23 =	vbroadcast v27, $0xF;
	v30 =	vmax.f32 v30, v53  }
0x71: {  	s2 =	simm.s32 $0xB3B0;
	[tilespmem:s1+$0xFFFFFF90] =	vst v28;
	v27 =	vmul.f32 v35, v18;
	v18, _, _ =	vpop (xrf2);
	v28 =	vmul.f32 v30, v1;
	v30 =	vld [tilespmem:s12+$0x20]  }
0x72: {  	[tilespmem:s1+$0xFFFFFF80] =	vst v31;
	v34 =	vadd.f32 v55, v17;
	v59 =	vmul.f32 $2.000000030e-01, v26;
	v36 =	vmul.f32 $1.442695020e+00, v18;
	v18 =	vld [tilespmem:s15+$0xFFFFFFC0]  }
0x73: {  	v31 =	vmax.f32 v54, v56;
	v58, _, _ =	vpop (xrf2);
	[tilespmem:s2+$0x60] =	vst v27;
	v27 =	vmax.f32 v25, v57;
	(xrf2) =	vadd.scan.msk.f32 $0xffff, v28  }
0x74: {  	[tilespmem:s1+$0xFFFFFFF0] =	vst v20;
	v24 =	vpop (erf);
	v31 =	vmul.f32 v31, v1  }
0x75: {  	[tilespmem:s2+$0x70] =	vst v35;
	v26 =	vmax.f32 v26, v59;
	v33 =	vmul.f32 $1.442695020e+00, v58;
	v37 =	vpop (erf);
	v28 =	vmul.f32 $2.000000030e-01, v34  }
0x76: {  	v39 =	vmul.f32 v26, v1;
	v38 =	vmul.f32 v27, v1;
	v27, _, _ =	vpop (xrf2);
	v60 =	vadd.f32 v30, v19;
	(xrf2) =	vadd.scan.msk.f32 $0xffff, v31  }
0x77: {  	[tilespmem:s1+$0x10] =	vst v24;
	v36 =	vbroadcast v36, $0xF;
	v63 =	vmul.f32 v37, v21;
	v29 =	vadd.f32 v29, v18  }
0x78: {  	[tilespmem:s2+$0xFFFFFFB0] =	vst v37;
	v25 =	vpop (erf);
	v34 =	vmax.f32 v34, v28;
	v28 =	vbroadcast v33, $0xF;
	v40 =	vmul.f32 $2.000000030e-01, v60  }
0x79: {  	[tilespmem:s1+$0x30] =	vst v25;
	v31 =	vmul.f32 v34, v1;
	v61 =	vmul.f32 $2.000000030e-01, v29;
	v62, _, _ =	vpop (xrf2);
	(xrf2) =	vadd.scan.msk.f32 $0xffff, v38  }
0x7a: {  	v30 =	vpop (erf);
	[tilespmem:s2+$0xFFFFFFA0] =	vst v63;
	(erf) = vpow2.f32 v36;
	v26 =	vmul.f32 $1.442695020e+00, v27;
	v32 =	vmax.f32 v60, v40  }
0x7b: {  	[tilespmem:s2+$0xFFFFFFD0] =	vst v30;
	v27 =	vpop (erf);
	v21 =	vmax.f32 v29, v61;
	v29 =	vmul.f32 v32, v1;
	v32 =	vmul.f32 $1.442695020e+00, v62  }
0x7c: {  	s28 =	simm.s32 $0x4FF0;
	s15 =	simm.s32 $0x10;
	[tilespmem:s1+$0x50] =	vst v27;
	v26 =	vbroadcast v26, $0xF;
	(xrf2) =	vadd.scan.msk.f32 $0xffff, v39;
	v21 =	vmul.f32 v21, v1  }
.LBB2_5:
0x7d: {  	v33 =	vld [tilespmem:s28+$0x30];
	v32 =	vbroadcast v32, $0xF;
	s12 =	sadd.s32 $0x80, s12;
	v34, _, _ =	vpop (xrf2);
	v30 =	vmul.f32 v30, v10;
	v10 =	vmov v16  }
0x7e: {  	s15 =	sadd.s32 $0x8, s15;
	v35 =	vld [tilespmem:s12+$0x30];
	v36 =	vmul.f32 $1.442695020e+00, v34;
	(erf) = vpow2.f32 v22  }
0x7f: {  	v20 =	vmul.f32 v20, v2;
	v2 =	vmovc v6;
	p0 =	slt.u32 s15, $0x188;
	v34 =	vld [tilespmem:s12+$0xFFFFFFC0];
	(xrf2) =	vadd.scan.msk.f32 $0xffff, v21;
	(erf) = vpow2.f32 v32;
	[tilespmem:s2+$0xFFFFFFC0] =	vst v30  }
0x80: {  	v24 =	vmul.f32 v24, v4;
	v6 =	vmov v12;
	v21 =	vld [tilespmem:s28+$0xFFFFFFD0];
	v22 =	vbroadcast v36, $0xF;
	v16, _, _ =	vpop (xrf2)  }
0x81: {  	v4 =	vmovc v5;
	v5 =	vmov v15;
	v30 =	vld [tilespmem:s12+$0xFFFFFFD0];
	v12 =	vmul.f32 $1.442695020e+00, v16;
	(erf) = vpow2.f32 v23;
	[tilespmem:s1+$0xFFFFFFE0] =	vst v20  }
0x82: {  	v15 =	vmul.f32 v25, v3;
	v3 =	vmovc v9;
	v16 =	vld [tilespmem:s28+$0xFFFFFFE0];
	(erf) = vpow2.f32 v22;
	(xrf2) =	vadd.scan.msk.f32 $0xffff, v31;
	[tilespmem:s1+$0x0] =	vst v24  }
0x83: {  	v24 =	vmul.f32 v27, v7;
	v23 =	vld [tilespmem:s12+$0xFFFFFFE0];
	v20 =	vadd.f32 v35, v33;
	v22 =	vbroadcast v12, $0xF;
	v9, _, _ =	vpop (xrf2)  }
0x84: {  	v7 =	vmovc v8;
	v8 =	vmovc v19;
	v12 =	vld [tilespmem:s28+$0xFFFFFFF0];
	v31 =	vmul.f32 $1.442695020e+00, v9;
	(erf) = vpow2.f32 v28;
	[tilespmem:s1+$0x20] =	vst v15;
	v9 =	vmov v17  }
0x85: {  	v19 =	vld [tilespmem:s12+$0xFFFFFFF0];
	v17 =	vmul.f32 $2.000000030e-01, v20;
	(erf) = vpow2.f32 v22;
	(xrf2) =	vadd.scan.msk.f32 $0xffff, v29;
	v27 =	vpop (erf);
	[tilespmem:s1+$0x40] =	vst v24;
	s1 =	smov.u32 s2  }
0x86: {  	v24 =	vadd.f32 v30, v21;
	v15 =	vld [tilespmem:s28+$0x0];
	v22 =	vbroadcast v31, $0xF;
	v25, _, _ =	vpop (xrf2);
	v14 =	vmul.f32 v27, v14;
	[tilespmem:s2+$0xFFFFFF90] =	vst v27  }
0x87: {  	v27 =	vld [tilespmem:s12+$0x0];
	v28 =	vmax.f32 v20, v17;
	v32 =	vmul.f32 $1.442695020e+00, v25;
	v20 =	vpop (erf);
	(erf) = vpow2.f32 v26  }
0x88: {  	v26 =	vmul.f32 $2.000000030e-01, v24;
	v29 =	vadd.f32 v23, v16;
	v17 =	vld [tilespmem:s28+$0x10];
	v28 =	vmul.f32 v28, v1;
	v31 =	vpop (erf);
	[tilespmem:s2+$0xFFFFFF80] =	vst v14  }
0x89: {  	v30 =	vld [tilespmem:s12+$0x10];
	v23 =	vbroadcast v32, $0xF;
	v37 =	vmul.f32 v31, v13;
	v25, _, _ =	vpop (xrf2);
	[tilespmem:s2+$0xFFFFFFF0] =	vst v20;
	v13 =	vmov v33  }
0x8a: {  	s2 =	sadd.s32 $0x100, s2;
	v26 =	vmax.f32 v24, v26;
	v38 =	vmul.f32 $2.000000030e-01, v29;
	v33 =	vadd.f32 v19, v12;
	v19 =	vld [tilespmem:s28+$0x20];
	(xrf2) =	vadd.scan.msk.f32 $0xffff, v28;
	v24 =	vpop (erf)  }
0x8b: {  	v35 =	vmul.f32 $1.442695020e+00, v25;
	v14 =	vmov v18;
	v26 =	vmul.f32 v26, v1;
	v28 =	vld [tilespmem:s12+$0x20];
	[tilespmem:s2+$0x60] =	vst v37;
	v36 =	vpop (erf)  }
0x8c: {  	v18 =	vld [tilespmem:s28+$0xFFFFFFC0];
	v38 =	vmax.f32 v29, v38;
	v29 =	vmul.f32 $2.000000030e-01, v33;
	v27 =	vadd.f32 v27, v15;
	[tilespmem:s2+$0xFFFFFFB0] =	vst v36;
	v32, _, _ =	vpop (xrf2)  }
0x8d: {  	v37 =	vmul.f32 v38, v1;
	(xrf2) =	vadd.scan.msk.f32 $0xffff, v26;
	v26 =	vmul.f32 $1.442695020e+00, v32;
	[tilespmem:s1+$0x10] =	vst v24;
	v25 =	vpop (erf)  }
0x8e: {  	v29 =	vmax.f32 v33, v29;
	v32 =	vmul.f32 $2.000000030e-01, v27;
	v33 =	vadd.f32 v30, v17;
	v30 =	vpop (erf);
	[tilespmem:s1+$0x30] =	vst v25  }
0x8f: {  	v35 =	vbroadcast v35, $0xF;
	v29 =	vmul.f32 v29, v1;
	[tilespmem:s2+$0xFFFFFFD0] =	vst v30;
	v38, _, _ =	vpop (xrf2)  }
0x90: {  	v32 =	vmax.f32 v27, v32;
	v39 =	vmul.f32 $2.000000030e-01, v33;
	v40 =	vadd.f32 v28, v19;
	(xrf2) =	vadd.scan.msk.f32 $0xffff, v37;
	v27 =	vpop (erf)  }
0x91: {  	v34 =	vadd.f32 v34, v18;
	v37 =	vmul.f32 v32, v1;
	v32 =	vmul.f32 $1.442695020e+00, v38;
	[tilespmem:s1+$0x50] =	vst v27  }
.Ltmp1:
0x92: {  	v28 =	vbroadcast v26, $0xF;
	v41 =	vmax.f32 v33, v39;
	v38 =	vmul.f32 $2.000000030e-01, v40;
	[tilespmem:s2+$0x70] =	vst v31;
	(pc) =	sbr.rel @p0 .LBB2_5-.Ltmp1, $4  }
0x93: {  	v39 =	vmul.f32 $2.000000030e-01, v34;
	v31 =	vmul.f32 v41, v1;
	(xrf2) =	vadd.scan.msk.f32 $0xffff, v29  }
0x94: {  	v36 =	vmul.f32 v36, v11;
	v26 =	vbroadcast v32, $0xF;
	v29 =	vmax.f32 v40, v38;
	v33, _, _ =	vpop (xrf2)  }
0x95: {  	v11 =	vmovc v21;
	v34 =	vmax.f32 v34, v39;
	v29 =	vmul.f32 v29, v1;
	v32 =	vmul.f32 $1.442695020e+00, v33  }
0x96: {  	s28 =	sadd.s32 $0x80, s28;
	v21 =	vmul.f32 v34, v1;
	(xrf2) =	vadd.scan.msk.f32 $0xffff, v37;
	[tilespmem:s2+$0xFFFFFFA0] =	vst v36;
	(erf) = vpow2.f32 v35  }
0x97: {  	_ = 	snop  }
0x98: {  	v32 =	vbroadcast v32, $0xF;
	v33, _, _ =	vpop (xrf2);
	(erf) = vpow2.f32 v22;
	(xrf2) =	vadd.scan.msk.f32 $0xffff, v21  }
0x99: {  	v10 =	vmul.f32 v30, v10;
	v33 =	vmul.f32 $1.442695020e+00, v33  }
0x9a: {  	v2 =	vmul.f32 v20, v2;
	(erf) = vpow2.f32 v32  }
0x9b: {  	v4 =	vmul.f32 v24, v4;
	v21 =	vbroadcast v33, $0xF  }
0x9c: {  	[tilespmem:s1+$0xFFFFFFE0] =	vst v2;
	v2 =	vmul.f32 v25, v3;
	v22, _, _ =	vpop (xrf2);
	(erf) = vpow2.f32 v23  }
0x9d: {  	v22 =	vmul.f32 $1.442695020e+00, v22;
	(erf) = vpow2.f32 v21  }
0x9e: {  	(xrf2) =	vadd.scan.msk.f32 $0xffff, v31;
	[tilespmem:s2+$0xFFFFFFC0] =	vst v10;
	v20, _, _ =	vpop (xrf2);
	(erf) = vpow2.f32 v28  }
0x9f: {  	[tilespmem:s1+$0x0] =	vst v4;
	v4 =	vmul.f32 v27, v7;
	(xrf2) =	vadd.scan.msk.f32 $0xffff, v29;
	v10 =	vbroadcast v22, $0xF;
	v3 =	vpop (erf)  }
0xa0: {  	[tilespmem:s1+$0x20] =	vst v2;
	v7, _, _ =	vpop (xrf2)  }
0xa1: {  	[tilespmem:s1+$0x40] =	vst v4;
	v2 =	vpop (erf)  }
0xa2: {  	(erf) = vpow2.f32 v10;
	v4 =	vmul.f32 v3, v14;
	[tilespmem:s2+$0xFFFFFF90] =	vst v3;
	v3, _, _ =	vpop (xrf2)  }
0xa3: {  	(erf) = vpow2.f32 v26;
	[tilespmem:s2+$0xFFFFFFF0] =	vst v2;
	v10 =	vpop (erf);
	v3 =	vmul.f32 $1.442695020e+00, v3  }
0xa4: {  	s15 =	sadd.s32 $0x100, s2;
	v2 =	vmul.f32 v2, v6;
	[tilespmem:s2+$0xFFFFFF80] =	vst v4;
	v4 =	vmul.f32 v10, v13  }
0xa5: {  	v14 =	vmul.f32 $1.442695020e+00, v20;
	v13 =	vpop (erf);
	[tilespmem:s15+$0x70] =	vst v10;
	v3 =	vbroadcast v3, $0xF  }
0xa6: {  	v7 =	vmul.f32 $1.442695020e+00, v7;
	[tilespmem:s2+$0xFFFFFFE0] =	vst v2;
	v20 =	vpop (erf)  }
0xa7: {  	v14 =	vbroadcast v14, $0xF;
	[tilespmem:s2+$0x10] =	vst v13;
	v21 =	vpop (erf);
	(erf) = vpow2.f32 v3  }
0xa8: {  	[tilespmem:s15+$0x60] =	vst v4;
	v11 =	vmul.f32 v20, v11;
	v4, _, _ =	vpop (xrf2)  }
0xa9: {  	[tilespmem:s15+$0xFFFFFFB0] =	vst v20;
	v4 =	vmul.f32 $1.442695020e+00, v4;
	v22, _, _ =	vpop (xrf2);
	(erf) = vpow2.f32 v14  }
0xaa: {  	v3 =	vbroadcast v7, $0xF;
	[tilespmem:s2+$0x30] =	vst v21;
	v22 =	vmul.f32 $1.442695020e+00, v22  }
0xab: {  	v2 =	vmul.f32 v21, v9;
	v7 =	vpop (erf);
	[tilespmem:s15+$0xFFFFFFA0] =	vst v11;
	v4 =	vbroadcast v4, $0xF  }
0xac: {  	[tilespmem:s15+$0xFFFFFFD0] =	vst v7;
	(erf) = vpow2.f32 v3;
	v20 =	vbroadcast v22, $0xF  }
0xad: {  	v23 =	vpop (erf);
	v3 =	vmul.f32 v13, v5;
	[tilespmem:s2+$0x20] =	vst v2;
	(erf) = vpow2.f32 v4  }
0xae: {  	v7 =	vmul.f32 v7, v16;
	[tilespmem:s2+$0x50] =	vst v23;
	(erf) = vpow2.f32 v20  }
0xaf: {  	[tilespmem:s2+$0x0] =	vst v3;
	v3 =	vmul.f32 v23, v8  }
0xb0: {  	[tilespmem:s15+$0xFFFFFFC0] =	vst v7;
	v2 =	vpop (erf)  }
0xb1: {  	[tilespmem:s2+$0x40] =	vst v3;
	v3 =	vmul.f32 v2, v18  }
0xb2: {  	[tilespmem:s15+$0xFFFFFF90] =	vst v2;
	v2 =	vpop (erf)  }
0xb3: {  	[tilespmem:s15+$0xFFFFFFF0] =	vst v2;
	v2 =	vmul.f32 v2, v12  }
0xb4: {  	[tilespmem:s15+$0xFFFFFF80] =	vst v3  }
0xb5: {  	[tilespmem:s15+$0xFFFFFFE0] =	vst v2;
	v3 =	vpop (erf)  }
0xb6: {  	[tilespmem:s15+$0x10] =	vst v3;
	v4 =	vpop (erf)  }
0xb7: {  	v3 =	vmul.f32 v3, v15;
	[tilespmem:s15+$0x30] =	vst v4;
	v5 =	vpop (erf)  }
0xb8: {  	s12 =	smul.u32 $0xC80, s29;
	v2 =	vmul.f32 v4, v17;
	[tilespmem:s15+$0x50] =	vst v5  }
0xb9: {  	[tilespmem:s15+$0x0] =	vst v3;
	v3 =	vmul.f32 v5, v19  }
0xba: {  	s2 =	sshra.s32 s12, $0x2;
	[tilespmem:s15+$0x20] =	vst v2  }
0xbb: {  	[tilespmem:s15+$0x40] =	vst v3;
	s15 =	sadd.s32 $0x2710, s2  }
0xbc: {  	[spmem:s3] =	stream.indirect.scatter.add.f32 [tilespmem:s23], [sflag:$0x5], $0x20, s15, s16, $0xb8;
	[tilespmem:$0x1B270] =	vst v63  }
0xbd: {  	_ =	swait.ge [sflag:s13], $0x3200  }
0xbe: {  	[sflag:s13] =	ssyncset.done $0x0  }
0xbf: {  	[sflag:s13] =	ssyncadd.s32 $0xFFFFCE00  }
0xc0: {  	_ =	swait.ge [sflag:s24], $0x1900  }
0xc1: {  	[sflag:s24] =	ssyncset.done $0x0  }
0xc2: {  	[sflag:s24] =	ssyncadd.s32 $0xFFFFE700  }
0xc3: {  	_ =	swait.ge [sflag:s25], $0x1900  }
0xc4: {  	[sflag:s25] =	ssyncset.done $0x0  }
0xc5: {  	s2 =	sadd.s32 $0x320, s31;
	[sflag:s25] =	ssyncadd.s32 $0xFFFFE700  }
0xc6: {  	[tilespmem:s17], [sflag:$0x1] =	stream.indirect.gather [hbm4b:s5+s16], $0x10, s2, s16, $0xb8;
	[tilespmem:$0x1B270] =	vst v63  }
0xc7: {  	s12 =	sadd.s32 $0x2A30, s31;
	s15 =	simm.s32 $0x8070  }
0xc8: {  	[tilespmem:s18], [sflag:$0x2] =	stream.indirect.gather [hbm4b:s6+s16], $0x10, s12, s16, $0xb8;
	[tilespmem:$0x1B270] =	vst v63  }
0xc9: {  	s31 =	simm.s32 $0x9970;
	v13 =	vld [tilespmem:s15+$0x30]  }
0xca: {  	v2 =	vld [tilespmem:s31+$0x30];
	_ =	sdelay $0x2  }
0xcb: {  	v11 =	vld [tilespmem:s15+$0xFFFFFFD0]  }
0xcc: {  	v3 =	vld [tilespmem:s31+$0xFFFFFFD0]  }
0xcd: {  	v12 =	vld [tilespmem:s15+$0xFFFFFFE0];
	v4 =	vadd.f32 v2, v13  }
0xce: {  	v5 =	vld [tilespmem:s31+$0xFFFFFFE0]  }
0xcf: {  	v6 =	vmul.f32 $2.000000030e-01, v4  }
0xd0: {  	v2 =	vld [tilespmem:s15+$0xFFFFFFF0]  }
0xd1: {  	v4 =	vmax.f32 v4, v6;
	v6 =	vld [tilespmem:s31+$0xFFFFFFF0]  }
0xd2: {  	v9 =	vld [tilespmem:s31+$0x0];
	v8 =	vadd.f32 v3, v11;
	v7 =	vmul.f32 v4, v1  }
0xd3: {  	v10 =	vld [tilespmem:s31+$0xFFFFFFC0];
	v5 =	vadd.f32 v5, v12  }
0xd4: {  	v4 =	vld [tilespmem:s15+$0x0];
	(xrf2) =	vadd.scan.msk.f32 $0xffff, v7;
	v7 =	vmul.f32 $2.000000030e-01, v8  }
0xd5: {  	v17 =	vld [tilespmem:s15+$0xFFFFFFC0];
	v14 =	vmul.f32 $2.000000030e-01, v5  }
0xd6: {  	v3 =	vld [tilespmem:s15+$0x10];
	v7 =	vmax.f32 v8, v7;
	v6 =	vadd.f32 v6, v2  }
0xd7: {  	v5 =	vmax.f32 v5, v14;
	v8 =	vld [tilespmem:s31+$0x10];
	v15 =	vmul.f32 v7, v1  }
0xd8: {  	v5 =	vmul.f32 v5, v1;
	v14 =	vmul.f32 $2.000000030e-01, v6  }
0xd9: {  	v9 =	vadd.f32 v9, v4;
	(xrf2) =	vadd.scan.msk.f32 $0xffff, v15  }
0xda: {  	v7 =	vld [tilespmem:s15+$0x20];
	(xrf2) =	vadd.scan.msk.f32 $0xffff, v5;
	v5 =	vmax.f32 v6, v14;
	v6 =	vadd.f32 v10, v17  }
0xdb: {  	v15 =	vld [tilespmem:s31+$0x20];
	v16 =	vmul.f32 $2.000000030e-01, v9  }
0xdc: {  	s12 =	simm.s32 $0x80F0;
	v8 =	vadd.f32 v8, v3;
	v10 =	vmul.f32 $2.000000030e-01, v6  }
0xdd: {  	v18 =	vld [tilespmem:s12+$0x30];
	s15 =	simm.s32 $0x99F0;
	v5 =	vmul.f32 v5, v1;
	v9 =	vmax.f32 v9, v16  }
0xde: {  	v16 =	vld [tilespmem:s15+$0x30];
	v9 =	vmul.f32 v9, v1;
	v19 =	vmul.f32 $2.000000030e-01, v8;
	v14, _, _ =	vpop (xrf2);
	v6 =	vmax.f32 v6, v10  }
0xdf: {  	(xrf2) =	vadd.scan.msk.f32 $0xffff, v5;
	v5 =	vmul.f32 $1.442695020e+00, v14;
	v6 =	vmul.f32 v6, v1  }
0xe0: {  	v21 =	vld [tilespmem:s12+$0xFFFFFFD0];
	v14 =	vadd.f32 v15, v7  }
0xe1: {  	(xrf2) =	vadd.scan.msk.f32 $0xffff, v9;
	v9 =	vld [tilespmem:s15+$0xFFFFFFD0];
	v8 =	vmax.f32 v8, v19;
	v5 =	vbroadcast v5, $0xF  }
0xe2: {  	v8 =	vmul.f32 v8, v1;
	v15 =	vmul.f32 $2.000000030e-01, v14  }
0xe3: {  	v10 =	vld [tilespmem:s12+$0xFFFFFFE0];
	(xrf2) =	vadd.scan.msk.f32 $0xffff, v6;
	(erf) = vpow2.f32 v5;
	v5 =	vadd.f32 v16, v18;
	v6, _, _ =	vpop (xrf2)  }
0xe4: {  	(xrf2) =	vadd.scan.msk.f32 $0xffff, v8;
	v8 =	vld [tilespmem:s15+$0xFFFFFFE0];
	v14 =	vmax.f32 v14, v15;
	v15 =	vmul.f32 $1.442695020e+00, v6;
	v6, _, _ =	vpop (xrf2)  }
0xe5: {  	v22 =	vld [tilespmem:s15+$0xFFFFFFF0];
	v19 =	vmul.f32 $2.000000030e-01, v5;
	v20 =	vmul.f32 $1.442695020e+00, v6  }
0xe6: {  	v23 =	vadd.f32 v9, v21;
	v14 =	vmul.f32 v14, v1;
	v6 =	vld [tilespmem:s12+$0xFFFFFFF0]  }
0xe7: {  	v15 =	vbroadcast v15, $0xF;
	v9 =	vmax.f32 v5, v19;
	v19 =	vbroadcast v20, $0xF  }
0xe8: {  	v29 =	vld [tilespmem:s15+$0x20];
	v20 =	vmul.f32 $2.000000030e-01, v23  }
0xe9: {  	(xrf2) =	vadd.scan.msk.f32 $0xffff, v14;
	v5 =	vld [tilespmem:s12+$0x0];
	v14 =	vmul.f32 v9, v1;
	(erf) = vpow2.f32 v15;
	v24 =	vadd.f32 v8, v10  }
0xea: {  	v15 =	vld [tilespmem:s15+$0x0];
	(erf) = vpow2.f32 v19;
	v20 =	vmax.f32 v23, v20;
	v9, _, _ =	vpop (xrf2)  }
0xeb: {  	v16 =	vld [tilespmem:s15+$0xFFFFFFC0];
	(xrf2) =	vadd.scan.msk.f32 $0xffff, v14;
	v23 =	vmul.f32 $2.000000030e-01, v24;
	v22 =	vadd.f32 v22, v6;
	v20 =	vmul.f32 v20, v1;
	v19, _, _ =	vpop (xrf2)  }
0xec: {  	v8 =	vmul.f32 $1.442695020e+00, v9;
	v9 =	vld [tilespmem:s12+$0x10];
	v14 =	vmul.f32 $1.442695020e+00, v19;
	v26 =	vpop (erf)  }
0xed: {  	v19 =	vld [tilespmem:s15+$0x10];
	v23 =	vmax.f32 v24, v23;
	v24 =	vmul.f32 $2.000000030e-01, v22;
	v28 =	vmul.f32 v26, v13;
	v13, _, _ =	vpop (xrf2)  }
0xee: {  	v25 =	vbroadcast v8, $0xF;
	v8 =	vld [tilespmem:s12+$0x20];
	v23 =	vmul.f32 v23, v1;
	v30, _, _ =	vpop (xrf2);
	(xrf2) =	vadd.scan.msk.f32 $0xffff, v20  }
0xef: {  	v15 =	vadd.f32 v15, v5;
	v27 =	vbroadcast v14, $0xF;
	v14 =	vld [tilespmem:s12+$0xFFFFFFC0]  }
0xf0: {  	v13 =	vmul.f32 $1.442695020e+00, v13;
	v22 =	vmax.f32 v22, v24;
	v20 =	vmul.f32 $1.442695020e+00, v30;
	(xrf2) =	vadd.scan.msk.f32 $0xffff, v23  }
0xf1: {  	v24 =	vmul.f32 $2.000000030e-01, v15;
	v22 =	vmul.f32 v22, v1  }
0xf2: {  	v13 =	vbroadcast v13, $0xF;
	v19 =	vadd.f32 v19, v9  }
0xf3: {  	v23, _, _ =	vpop (xrf2);
	v15 =	vmax.f32 v15, v24;
	(xrf2) =	vadd.scan.msk.f32 $0xffff, v22;
	v20 =	vbroadcast v20, $0xF;
	v29 =	vadd.f32 v29, v8  }
0xf4: {  	v31 =	vpop (erf);
	v15 =	vmul.f32 v15, v1;
	v24 =	vmul.f32 $2.000000030e-01, v19;
	v16 =	vadd.f32 v16, v14  }
0xf5: {  	s12 =	simm.s32 $0x9A70;
	(erf) = vpow2.f32 v13;
	v22 =	vmul.f32 $2.000000030e-01, v29;
	v30, _, _ =	vpop (xrf2)  }
0xf6: {  	s31 =	simm.s32 $0x8170;
	v52 =	vld [tilespmem:s12+$0xFFFFFFD0];
	v19 =	vmax.f32 v19, v24;
	v24 =	vmul.f32 $2.000000030e-01, v16;
	v30 =	vmul.f32 $1.442695020e+00, v30  }
0xf7: {  	v51 =	vmul.f32 v31, v11;
	v13 =	vld [tilespmem:s31+$0x30];
	(erf) = vpow2.f32 v25;
	v25 =	vpop (erf);
	v22 =	vmax.f32 v29, v22  }
0xf8: {  	s1 =	simm.s32 $0xE4B0;
	(xrf2) =	vadd.scan.msk.f32 $0xffff, v15;
	v34 =	vmul.f32 v25, v12;
	v11 =	vmax.f32 v16, v24;
	v15 =	vbroadcast v30, $0xF;
	v24 =	vld [tilespmem:s12+$0x30];
	v16, _, _ =	vpop (xrf2)  }
0xf9: {  	[tilespmem:s1+$0x70] =	vst v26;
	v26 =	vld [tilespmem:s12+$0x0];
	v11 =	vmul.f32 v11, v1;
	v16 =	vmul.f32 $1.442695020e+00, v16  }
0xfa: {  	v12 =	vld [tilespmem:s31+$0xFFFFFFF0];
	(erf) = vpow2.f32 v15;
	v15 =	vmul.f32 v22, v1;
	v22, _, _ =	vpop (xrf2)  }
0xfb: {  	v23 =	vmul.f32 $1.442695020e+00, v23;
	[tilespmem:s1+$0xFFFFFFD0] =	vst v25;
	v25 =	vld [tilespmem:s12+$0xFFFFFFF0];
	v22 =	vmul.f32 $1.442695020e+00, v22  }
0xfc: {  	v19 =	vmul.f32 v19, v1;
	(xrf2) =	vadd.scan.msk.f32 $0xffff, v11;
	v11 =	vld [tilespmem:s31+$0xFFFFFFD0];
	v30 =	vbroadcast v16, $0xF  }
0xfd: {  	(erf) = vpow2.f32 v27;
	v16 =	vld [tilespmem:s31+$0xFFFFFFE0];
	v27, _, _ =	vpop (xrf2);
	v24 =	vadd.f32 v24, v13;
	v22 =	vbroadcast v22, $0xF  }
0xfe: {  	(xrf2) =	vadd.scan.msk.f32 $0xffff, v19;
	v19 =	vld [tilespmem:s12+$0xFFFFFFE0];
	v27 =	vmul.f32 $1.442695020e+00, v27;
	(erf) = vpow2.f32 v30  }
0xff: {  	[tilespmem:s1+$0x60] =	vst v28;
	v28 =	vpop (erf);
	(xrf2) =	vadd.scan.msk.f32 $0xffff, v15;
	v15 =	vld [tilespmem:s31+$0x0];
	(erf) = vpow2.f32 v20;
	v20 =	vmul.f32 $2.000000030e-01, v24  }
0x100: {  	[tilespmem:s1+$0xFFFFFFB0] =	vst v31;
	v23 =	vbroadcast v23, $0xF;
	v31 =	vmul.f32 v28, v17  }
0x101: {  	v55 =	vld [tilespmem:s12+$0x10];
	(erf) = vpow2.f32 v22;
	v30 =	vadd.f32 v52, v11;
	v24 =	vmax.f32 v24, v20  }
0x102: {  	v25 =	vadd.f32 v25, v12;
	v17 =	vld [tilespmem:s31+$0x10];
	v22 =	vbroadcast v27, $0xF;
	v27, _, _ =	vpop (xrf2);
	v24 =	vmul.f32 v24, v1  }
0x103: {  	[tilespmem:s1+$0xFFFFFFA0] =	vst v51;
	v54 =	vadd.f32 v19, v16;
	v27 =	vmul.f32 $1.442695020e+00, v27;
	v53 =	vmul.f32 $2.000000030e-01, v30  }
0x104: {  	v29 =	vld [tilespmem:s12+$0xFFFFFFC0];
	v57 =	vmul.f32 $2.000000030e-01, v25;
	(erf) = vpow2.f32 v23;
	v26 =	vadd.f32 v26, v15;
	v20 =	vpop (erf);
	(xrf2) =	vadd.scan.msk.f32 $0xffff, v24  }
0x105: {  	[tilespmem:s1+$0xFFFFFFC0] =	vst v34;
	v19 =	vld [tilespmem:s31+$0x20];
	v56 =	vmul.f32 $2.000000030e-01, v54;
	v35 =	vpop (erf);
	v23 =	vbroadcast v27, $0xF;
	v30 =	vmax.f32 v30, v53  }
0x106: {  	s2 =	simm.s32 $0xE5B0;
	[tilespmem:s1+$0xFFFFFF90] =	vst v28;
	v27 =	vmul.f32 v35, v18;
	v18, _, _ =	vpop (xrf2);
	v28 =	vmul.f32 v30, v1;
	v30 =	vld [tilespmem:s12+$0x20]  }
0x107: {  	[tilespmem:s1+$0xFFFFFF80] =	vst v31;
	v34 =	vadd.f32 v55, v17;
	v59 =	vmul.f32 $2.000000030e-01, v26;
	v36 =	vmul.f32 $1.442695020e+00, v18;
	v18 =	vld [tilespmem:s31+$0xFFFFFFC0]  }
0x108: {  	v31 =	vmax.f32 v54, v56;
	v58, _, _ =	vpop (xrf2);
	[tilespmem:s2+$0x60] =	vst v27;
	v27 =	vmax.f32 v25, v57;
	(xrf2) =	vadd.scan.msk.f32 $0xffff, v28  }
0x109: {  	[tilespmem:s1+$0xFFFFFFF0] =	vst v20;
	v24 =	vpop (erf);
	v31 =	vmul.f32 v31, v1  }
0x10a: {  	[tilespmem:s2+$0x70] =	vst v35;
	v26 =	vmax.f32 v26, v59;
	v33 =	vmul.f32 $1.442695020e+00, v58;
	v37 =	vpop (erf);
	v28 =	vmul.f32 $2.000000030e-01, v34  }
0x10b: {  	v39 =	vmul.f32 v26, v1;
	v38 =	vmul.f32 v27, v1;
	v27, _, _ =	vpop (xrf2);
	v60 =	vadd.f32 v30, v19;
	(xrf2) =	vadd.scan.msk.f32 $0xffff, v31  }
0x10c: {  	[tilespmem:s1+$0x10] =	vst v24;
	v36 =	vbroadcast v36, $0xF;
	v63 =	vmul.f32 v37, v21;
	v29 =	vadd.f32 v29, v18  }
0x10d: {  	[tilespmem:s2+$0xFFFFFFB0] =	vst v37;
	v25 =	vpop (erf);
	v34 =	vmax.f32 v34, v28;
	v28 =	vbroadcast v33, $0xF;
	v40 =	vmul.f32 $2.000000030e-01, v60  }
0x10e: {  	[tilespmem:s1+$0x30] =	vst v25;
	v31 =	vmul.f32 v34, v1;
	v61 =	vmul.f32 $2.000000030e-01, v29;
	v62, _, _ =	vpop (xrf2);
	(xrf2) =	vadd.scan.msk.f32 $0xffff, v38  }
0x10f: {  	v30 =	vpop (erf);
	[tilespmem:s2+$0xFFFFFFA0] =	vst v63;
	(erf) = vpow2.f32 v36;
	v26 =	vmul.f32 $1.442695020e+00, v27;
	v32 =	vmax.f32 v60, v40  }
0x110: {  	[tilespmem:s2+$0xFFFFFFD0] =	vst v30;
	v27 =	vpop (erf);
	v21 =	vmax.f32 v29, v61;
	v29 =	vmul.f32 v32, v1;
	v32 =	vmul.f32 $1.442695020e+00, v62  }
0x111: {  	s28 =	simm.s32 $0x81F0;
	s15 =	simm.s32 $0x10;
	[tilespmem:s1+$0x50] =	vst v27;
	v26 =	vbroadcast v26, $0xF;
	(xrf2) =	vadd.scan.msk.f32 $0xffff, v39;
	v21 =	vmul.f32 v21, v1  }
.LBB2_7:
0x112: {  	v33 =	vld [tilespmem:s28+$0x30];
	v32 =	vbroadcast v32, $0xF;
	s12 =	sadd.s32 $0x80, s12;
	v34, _, _ =	vpop (xrf2);
	v30 =	vmul.f32 v30, v10;
	v10 =	vmov v16  }
0x113: {  	s15 =	sadd.s32 $0x8, s15;
	v35 =	vld [tilespmem:s12+$0x30];
	v36 =	vmul.f32 $1.442695020e+00, v34;
	(erf) = vpow2.f32 v22  }
0x114: {  	v20 =	vmul.f32 v20, v2;
	v2 =	vmovc v6;
	p0 =	slt.u32 s15, $0x188;
	v34 =	vld [tilespmem:s12+$0xFFFFFFC0];
	(xrf2) =	vadd.scan.msk.f32 $0xffff, v21;
	(erf) = vpow2.f32 v32;
	[tilespmem:s2+$0xFFFFFFC0] =	vst v30  }
0x115: {  	v24 =	vmul.f32 v24, v4;
	v6 =	vmov v12;
	v21 =	vld [tilespmem:s28+$0xFFFFFFD0];
	v22 =	vbroadcast v36, $0xF;
	v16, _, _ =	vpop (xrf2)  }
0x116: {  	v4 =	vmovc v5;
	v5 =	vmov v15;
	v30 =	vld [tilespmem:s12+$0xFFFFFFD0];
	v12 =	vmul.f32 $1.442695020e+00, v16;
	(erf) = vpow2.f32 v23;
	[tilespmem:s1+$0xFFFFFFE0] =	vst v20  }
0x117: {  	v15 =	vmul.f32 v25, v3;
	v3 =	vmovc v9;
	v16 =	vld [tilespmem:s28+$0xFFFFFFE0];
	(erf) = vpow2.f32 v22;
	(xrf2) =	vadd.scan.msk.f32 $0xffff, v31;
	[tilespmem:s1+$0x0] =	vst v24  }
0x118: {  	v24 =	vmul.f32 v27, v7;
	v23 =	vld [tilespmem:s12+$0xFFFFFFE0];
	v20 =	vadd.f32 v35, v33;
	v22 =	vbroadcast v12, $0xF;
	v9, _, _ =	vpop (xrf2)  }
0x119: {  	v7 =	vmovc v8;
	v8 =	vmovc v19;
	v12 =	vld [tilespmem:s28+$0xFFFFFFF0];
	v31 =	vmul.f32 $1.442695020e+00, v9;
	(erf) = vpow2.f32 v28;
	[tilespmem:s1+$0x20] =	vst v15;
	v9 =	vmov v17  }
0x11a: {  	v19 =	vld [tilespmem:s12+$0xFFFFFFF0];
	v17 =	vmul.f32 $2.000000030e-01, v20;
	(erf) = vpow2.f32 v22;
	(xrf2) =	vadd.scan.msk.f32 $0xffff, v29;
	v27 =	vpop (erf);
	[tilespmem:s1+$0x40] =	vst v24;
	s1 =	smov.u32 s2  }
0x11b: {  	v24 =	vadd.f32 v30, v21;
	v15 =	vld [tilespmem:s28+$0x0];
	v22 =	vbroadcast v31, $0xF;
	v25, _, _ =	vpop (xrf2);
	v14 =	vmul.f32 v27, v14;
	[tilespmem:s2+$0xFFFFFF90] =	vst v27  }
0x11c: {  	v27 =	vld [tilespmem:s12+$0x0];
	v28 =	vmax.f32 v20, v17;
	v32 =	vmul.f32 $1.442695020e+00, v25;
	v20 =	vpop (erf);
	(erf) = vpow2.f32 v26  }
0x11d: {  	v26 =	vmul.f32 $2.000000030e-01, v24;
	v29 =	vadd.f32 v23, v16;
	v17 =	vld [tilespmem:s28+$0x10];
	v28 =	vmul.f32 v28, v1;
	v31 =	vpop (erf);
	[tilespmem:s2+$0xFFFFFF80] =	vst v14  }
0x11e: {  	v30 =	vld [tilespmem:s12+$0x10];
	v23 =	vbroadcast v32, $0xF;
	v37 =	vmul.f32 v31, v13;
	v25, _, _ =	vpop (xrf2);
	[tilespmem:s2+$0xFFFFFFF0] =	vst v20;
	v13 =	vmov v33  }
0x11f: {  	s2 =	sadd.s32 $0x100, s2;
	v26 =	vmax.f32 v24, v26;
	v38 =	vmul.f32 $2.000000030e-01, v29;
	v33 =	vadd.f32 v19, v12;
	v19 =	vld [tilespmem:s28+$0x20];
	(xrf2) =	vadd.scan.msk.f32 $0xffff, v28;
	v24 =	vpop (erf)  }
0x120: {  	v35 =	vmul.f32 $1.442695020e+00, v25;
	v14 =	vmov v18;
	v26 =	vmul.f32 v26, v1;
	v28 =	vld [tilespmem:s12+$0x20];
	[tilespmem:s2+$0x60] =	vst v37;
	v36 =	vpop (erf)  }
0x121: {  	v18 =	vld [tilespmem:s28+$0xFFFFFFC0];
	v38 =	vmax.f32 v29, v38;
	v29 =	vmul.f32 $2.000000030e-01, v33;
	v27 =	vadd.f32 v27, v15;
	[tilespmem:s2+$0xFFFFFFB0] =	vst v36;
	v32, _, _ =	vpop (xrf2)  }
0x122: {  	v37 =	vmul.f32 v38, v1;
	(xrf2) =	vadd.scan.msk.f32 $0xffff, v26;
	v26 =	vmul.f32 $1.442695020e+00, v32;
	[tilespmem:s1+$0x10] =	vst v24;
	v25 =	vpop (erf)  }
0x123: {  	v29 =	vmax.f32 v33, v29;
	v32 =	vmul.f32 $2.000000030e-01, v27;
	v33 =	vadd.f32 v30, v17;
	v30 =	vpop (erf);
	[tilespmem:s1+$0x30] =	vst v25  }
0x124: {  	v35 =	vbroadcast v35, $0xF;
	v29 =	vmul.f32 v29, v1;
	[tilespmem:s2+$0xFFFFFFD0] =	vst v30;
	v38, _, _ =	vpop (xrf2)  }
0x125: {  	v32 =	vmax.f32 v27, v32;
	v39 =	vmul.f32 $2.000000030e-01, v33;
	v40 =	vadd.f32 v28, v19;
	(xrf2) =	vadd.scan.msk.f32 $0xffff, v37;
	v27 =	vpop (erf)  }
0x126: {  	v34 =	vadd.f32 v34, v18;
	v37 =	vmul.f32 v32, v1;
	v32 =	vmul.f32 $1.442695020e+00, v38;
	[tilespmem:s1+$0x50] =	vst v27  }
.Ltmp2:
0x127: {  	v28 =	vbroadcast v26, $0xF;
	v41 =	vmax.f32 v33, v39;
	v38 =	vmul.f32 $2.000000030e-01, v40;
	[tilespmem:s2+$0x70] =	vst v31;
	(pc) =	sbr.rel @p0 .LBB2_7-.Ltmp2, $4  }
0x128: {  	v39 =	vmul.f32 $2.000000030e-01, v34;
	v31 =	vmul.f32 v41, v1;
	(xrf2) =	vadd.scan.msk.f32 $0xffff, v29  }
0x129: {  	v36 =	vmul.f32 v36, v11;
	v26 =	vbroadcast v32, $0xF;
	v29 =	vmax.f32 v40, v38;
	v33, _, _ =	vpop (xrf2)  }
0x12a: {  	v11 =	vmovc v21;
	v34 =	vmax.f32 v34, v39;
	v29 =	vmul.f32 v29, v1;
	v32 =	vmul.f32 $1.442695020e+00, v33  }
0x12b: {  	s28 =	sadd.s32 $0x80, s28;
	v21 =	vmul.f32 v34, v1;
	(xrf2) =	vadd.scan.msk.f32 $0xffff, v37;
	[tilespmem:s2+$0xFFFFFFA0] =	vst v36;
	(erf) = vpow2.f32 v35  }
0x12c: {  	v32 =	vbroadcast v32, $0xF  }
0x12d: {  	v33, _, _ =	vpop (xrf2);
	(erf) = vpow2.f32 v22;
	v10 =	vmul.f32 v30, v10;
	(xrf2) =	vadd.scan.msk.f32 $0xffff, v21  }
0x12e: {  	v2 =	vmul.f32 v20, v2;
	v33 =	vmul.f32 $1.442695020e+00, v33  }
0x12f: {  	v4 =	vmul.f32 v24, v4;
	(erf) = vpow2.f32 v32  }
0x130: {  	v45 =	vbroadcast v33, $0xF;
	v46, _, _ =	vpop (xrf2);
	(erf) = vpow2.f32 v23;
	(xrf2) =	vadd.scan.msk.f32 $0xffff, v31  }
0x131: {  	v49 =	vmul.f32 v27, v7;
	v22 =	vmul.f32 $1.442695020e+00, v46  }
0x132: {  	[tilespmem:s1+$0xFFFFFFE0] =	vst v2;
	v2 =	vmul.f32 v25, v3;
	(erf) = vpow2.f32 v45  }
0x133: {  	[tilespmem:s2+$0xFFFFFFC0] =	vst v10;
	v47 =	vbroadcast v22, $0xF;
	v48, _, _ =	vpop (xrf2);
	(erf) = vpow2.f32 v28;
	(xrf2) =	vadd.scan.msk.f32 $0xffff, v29  }
0x134: {  	[tilespmem:s1+$0x0] =	vst v4;
	v3 =	vpop (erf)  }
0x135: {  	[tilespmem:s1+$0x40] =	vst v49;
	(erf) = vpow2.f32 v47;
	v50, _, _ =	vpop (xrf2)  }
0x136: {  	[tilespmem:s1+$0x20] =	vst v2;
	v2 =	vpop (erf)  }
0x137: {  	v51 =	vmul.f32 v3, v14;
	[tilespmem:s2+$0xFFFFFF90] =	vst v3;
	v3, _, _ =	vpop (xrf2)  }
0x138: {  	(erf) = vpow2.f32 v26;
	[tilespmem:s2+$0xFFFFFFF0] =	vst v2;
	v52 =	vpop (erf);
	v3 =	vmul.f32 $1.442695020e+00, v3  }
0x139: {  	s31 =	sadd.s32 $0x100, s2;
	v2 =	vmul.f32 v2, v6;
	[tilespmem:s2+$0xFFFFFF80] =	vst v51;
	v54 =	vpop (erf)  }
0x13a: {  	v55 =	vmul.f32 $1.442695020e+00, v48;
	[tilespmem:s31+$0x70] =	vst v52;
	v57, _, _ =	vpop (xrf2);
	v3 =	vbroadcast v3, $0xF  }
0x13b: {  	v53 =	vmul.f32 v52, v13;
	[tilespmem:s2+$0xFFFFFFE0] =	vst v2;
	v56 =	vpop (erf)  }
0x13c: {  	v14 =	vbroadcast v55, $0xF;
	[tilespmem:s2+$0x10] =	vst v54;
	v58 =	vpop (erf);
	(erf) = vpow2.f32 v3  }
0x13d: {  	v7 =	vmul.f32 $1.442695020e+00, v50;
	[tilespmem:s31+$0x60] =	vst v53;
	v4 =	vmul.f32 $1.442695020e+00, v57;
	v59, _, _ =	vpop (xrf2)  }
0x13e: {  	[tilespmem:s31+$0xFFFFFFB0] =	vst v56;
	v11 =	vmul.f32 v56, v11;
	v60 =	vpop (erf);
	(erf) = vpow2.f32 v14  }
0x13f: {  	v3 =	vbroadcast v7, $0xF;
	[tilespmem:s2+$0x30] =	vst v58;
	v22 =	vmul.f32 $1.442695020e+00, v59  }
0x140: {  	v4 =	vbroadcast v4, $0xF;
	v2 =	vmul.f32 v58, v9;
	[tilespmem:s31+$0xFFFFFFA0] =	vst v11  }
0x141: {  	[tilespmem:s31+$0xFFFFFFD0] =	vst v60;
	v61 =	vpop (erf);
	(erf) = vpow2.f32 v3;
	v62 =	vbroadcast v22, $0xF  }
0x142: {  	v3 =	vmul.f32 v54, v5;
	[tilespmem:s2+$0x20] =	vst v2;
	(erf) = vpow2.f32 v4  }
0x143: {  	v7 =	vmul.f32 v60, v16;
	[tilespmem:s2+$0x50] =	vst v61;
	(erf) = vpow2.f32 v62  }
0x144: {  	[tilespmem:s2+$0x0] =	vst v3;
	v3 =	vmul.f32 v61, v8  }
0x145: {  	[tilespmem:s31+$0xFFFFFFC0] =	vst v7;
	v2 =	vpop (erf)  }
0x146: {  	[tilespmem:s2+$0x40] =	vst v3;
	v3 =	vmul.f32 v2, v18  }
0x147: {  	[tilespmem:s31+$0xFFFFFF90] =	vst v2;
	v2 =	vpop (erf)  }
0x148: {  	[tilespmem:s31+$0xFFFFFFF0] =	vst v2;
	v2 =	vmul.f32 v2, v12  }
0x149: {  	[tilespmem:s31+$0xFFFFFF80] =	vst v3  }
0x14a: {  	[tilespmem:s31+$0xFFFFFFE0] =	vst v2;
	v3 =	vpop (erf)  }
0x14b: {  	[tilespmem:s31+$0x10] =	vst v3;
	v4 =	vpop (erf)  }
0x14c: {  	v3 =	vmul.f32 v3, v15;
	[tilespmem:s31+$0x30] =	vst v4;
	v63 =	vpop (erf)  }
0x14d: {  	v2 =	vmul.f32 v4, v17;
	[tilespmem:s31+$0x50] =	vst v63  }
0x14e: {  	s29 =	sadd.s32 $0x1, s29;
	[tilespmem:s31+$0x0] =	vst v3;
	v3 =	vmul.f32 v63, v19  }
0x14f: {  	p0 =	sne.s32 s29, $0xC;
	[tilespmem:s31+$0x20] =	vst v2  }
.Ltmp3:
0x150: {  	[tilespmem:s31+$0x40] =	vst v3;
	(pc) =	sbr.rel @p0 .LBB2_4-.Ltmp3, $4  }
0x151: {  	[spmem:s3] =	stream.indirect.scatter.add.f32 [tilespmem:s26], [sflag:$0x5], $0x20, s30, s16, $0xb8;
	[tilespmem:$0x1B270] =	vst v63  }
0x152: {  	_ =	swait.ge [sflag:s13], $0x3200  }
0x153: {  	[sflag:s13] =	ssyncset.done $0x0  }
0x154: {  	[sflag:s13] =	ssyncadd.s32 $0xFFFFCE00  }
0x155: {  	_ =	swait.ge [sflag:s19], $0x1900  }
0x156: {  	[sflag:s19] =	ssyncset.done $0x0  }
0x157: {  	[sflag:s19] =	ssyncadd.s32 $0xFFFFE700  }
0x158: {  	_ =	swait.ge [sflag:s20], $0x1900  }
0x159: {  	[sflag:s20] =	ssyncset.done $0x0  }
0x15a: {  	s1 =	simm.s32 $0x4E70;
	[sflag:s20] =	ssyncadd.s32 $0xFFFFE700  }
0x15b: {  	s2 =	simm.s32 $0x6770;
	v13 =	vld [tilespmem:s1+$0x30]  }
0x15c: {  	v2 =	vld [tilespmem:s2+$0x30];
	_ =	sdelay $0x2  }
0x15d: {  	v11 =	vld [tilespmem:s1+$0xFFFFFFD0]  }
0x15e: {  	v3 =	vld [tilespmem:s2+$0xFFFFFFD0]  }
0x15f: {  	v12 =	vld [tilespmem:s1+$0xFFFFFFE0];
	v4 =	vadd.f32 v2, v13  }
0x160: {  	v5 =	vld [tilespmem:s2+$0xFFFFFFE0]  }
0x161: {  	v6 =	vmul.f32 $2.000000030e-01, v4  }
0x162: {  	v2 =	vld [tilespmem:s1+$0xFFFFFFF0]  }
0x163: {  	v4 =	vmax.f32 v4, v6;
	v6 =	vld [tilespmem:s2+$0xFFFFFFF0]  }
0x164: {  	v9 =	vld [tilespmem:s2+$0x0];
	v8 =	vadd.f32 v3, v11;
	v7 =	vmul.f32 v4, v1  }
0x165: {  	v10 =	vld [tilespmem:s2+$0xFFFFFFC0];
	v5 =	vadd.f32 v5, v12  }
0x166: {  	v4 =	vld [tilespmem:s1+$0x0];
	(xrf2) =	vadd.scan.msk.f32 $0xffff, v7;
	v7 =	vmul.f32 $2.000000030e-01, v8  }
0x167: {  	v17 =	vld [tilespmem:s1+$0xFFFFFFC0];
	v14 =	vmul.f32 $2.000000030e-01, v5  }
0x168: {  	v3 =	vld [tilespmem:s1+$0x10];
	v7 =	vmax.f32 v8, v7;
	v6 =	vadd.f32 v6, v2  }
0x169: {  	v5 =	vmax.f32 v5, v14;
	v8 =	vld [tilespmem:s2+$0x10];
	v15 =	vmul.f32 v7, v1  }
0x16a: {  	v5 =	vmul.f32 v5, v1;
	v14 =	vmul.f32 $2.000000030e-01, v6  }
0x16b: {  	v9 =	vadd.f32 v9, v4;
	(xrf2) =	vadd.scan.msk.f32 $0xffff, v15  }
0x16c: {  	v7 =	vld [tilespmem:s1+$0x20];
	(xrf2) =	vadd.scan.msk.f32 $0xffff, v5;
	v5 =	vmax.f32 v6, v14;
	v6 =	vadd.f32 v10, v17  }
0x16d: {  	v15 =	vld [tilespmem:s2+$0x20];
	v16 =	vmul.f32 $2.000000030e-01, v9  }
0x16e: {  	s29 =	simm.s32 $0x4EF0;
	v8 =	vadd.f32 v8, v3;
	v10 =	vmul.f32 $2.000000030e-01, v6  }
0x16f: {  	s30 =	simm.s32 $0x67F0;
	v18 =	vld [tilespmem:s29+$0x30];
	v5 =	vmul.f32 v5, v1;
	v9 =	vmax.f32 v9, v16  }
0x170: {  	v16 =	vld [tilespmem:s30+$0x30];
	v9 =	vmul.f32 v9, v1;
	v19 =	vmul.f32 $2.000000030e-01, v8;
	v14, _, _ =	vpop (xrf2);
	v6 =	vmax.f32 v6, v10  }
0x171: {  	(xrf2) =	vadd.scan.msk.f32 $0xffff, v5;
	v5 =	vmul.f32 $1.442695020e+00, v14;
	v6 =	vmul.f32 v6, v1  }
0x172: {  	v21 =	vld [tilespmem:s29+$0xFFFFFFD0];
	v14 =	vadd.f32 v15, v7  }
0x173: {  	(xrf2) =	vadd.scan.msk.f32 $0xffff, v9;
	v8 =	vmax.f32 v8, v19;
	v9 =	vld [tilespmem:s30+$0xFFFFFFD0];
	v5 =	vbroadcast v5, $0xF  }
0x174: {  	v8 =	vmul.f32 v8, v1;
	v15 =	vmul.f32 $2.000000030e-01, v14  }
0x175: {  	v10 =	vld [tilespmem:s29+$0xFFFFFFE0];
	(xrf2) =	vadd.scan.msk.f32 $0xffff, v6;
	(erf) = vpow2.f32 v5;
	v5 =	vadd.f32 v16, v18;
	v6, _, _ =	vpop (xrf2)  }
0x176: {  	(xrf2) =	vadd.scan.msk.f32 $0xffff, v8;
	v8 =	vld [tilespmem:s30+$0xFFFFFFE0];
	v14 =	vmax.f32 v14, v15;
	v15 =	vmul.f32 $1.442695020e+00, v6;
	v6, _, _ =	vpop (xrf2)  }
0x177: {  	v22 =	vld [tilespmem:s30+$0xFFFFFFF0];
	v19 =	vmul.f32 $2.000000030e-01, v5;
	v20 =	vmul.f32 $1.442695020e+00, v6  }
0x178: {  	v14 =	vmul.f32 v14, v1;
	v23 =	vadd.f32 v9, v21;
	v6 =	vld [tilespmem:s29+$0xFFFFFFF0]  }
0x179: {  	v15 =	vbroadcast v15, $0xF;
	v9 =	vmax.f32 v5, v19;
	v19 =	vbroadcast v20, $0xF  }
0x17a: {  	v29 =	vld [tilespmem:s30+$0x20];
	(xrf2) =	vadd.scan.msk.f32 $0xffff, v14;
	v20 =	vmul.f32 $2.000000030e-01, v23  }
0x17b: {  	v5 =	vld [tilespmem:s29+$0x0];
	v24 =	vadd.f32 v8, v10;
	v14 =	vmul.f32 v9, v1;
	(erf) = vpow2.f32 v15  }
0x17c: {  	v15 =	vld [tilespmem:s30+$0x0];
	(erf) = vpow2.f32 v19;
	v20 =	vmax.f32 v23, v20;
	v9, _, _ =	vpop (xrf2)  }
0x17d: {  	v16 =	vld [tilespmem:s30+$0xFFFFFFC0];
	v23 =	vmul.f32 $2.000000030e-01, v24;
	(xrf2) =	vadd.scan.msk.f32 $0xffff, v14;
	v22 =	vadd.f32 v22, v6;
	v20 =	vmul.f32 v20, v1;
	v19, _, _ =	vpop (xrf2)  }
0x17e: {  	v8 =	vmul.f32 $1.442695020e+00, v9;
	v9 =	vld [tilespmem:s29+$0x10];
	v14 =	vmul.f32 $1.442695020e+00, v19;
	v26 =	vpop (erf)  }
0x17f: {  	v23 =	vmax.f32 v24, v23;
	v19 =	vld [tilespmem:s30+$0x10];
	v24 =	vmul.f32 $2.000000030e-01, v22;
	v28 =	vmul.f32 v26, v13;
	v13, _, _ =	vpop (xrf2)  }
0x180: {  	v23 =	vmul.f32 v23, v1;
	v25 =	vbroadcast v8, $0xF;
	v8 =	vld [tilespmem:s29+$0x20];
	v30, _, _ =	vpop (xrf2);
	(xrf2) =	vadd.scan.msk.f32 $0xffff, v20  }
0x181: {  	v15 =	vadd.f32 v15, v5;
	v27 =	vbroadcast v14, $0xF;
	v14 =	vld [tilespmem:s29+$0xFFFFFFC0]  }
0x182: {  	v13 =	vmul.f32 $1.442695020e+00, v13;
	v22 =	vmax.f32 v22, v24;
	(xrf2) =	vadd.scan.msk.f32 $0xffff, v23  }
0x183: {  	v24 =	vmul.f32 $2.000000030e-01, v15;
	v22 =	vmul.f32 v22, v1  }
0x184: {  	v20 =	vmul.f32 $1.442695020e+00, v30;
	v13 =	vbroadcast v13, $0xF;
	v23, _, _ =	vpop (xrf2);
	v19 =	vadd.f32 v19, v9  }
0x185: {  	v15 =	vmax.f32 v15, v24;
	v23 =	vmul.f32 $1.442695020e+00, v23;
	(xrf2) =	vadd.scan.msk.f32 $0xffff, v22;
	v29 =	vadd.f32 v29, v8  }
0x186: {  	v15 =	vmul.f32 v15, v1;
	v24 =	vmul.f32 $2.000000030e-01, v19;
	v16 =	vadd.f32 v16, v14  }
0x187: {  	s12 =	simm.s32 $0x6870;
	(erf) = vpow2.f32 v13;
	v22 =	vmul.f32 $2.000000030e-01, v29;
	v30, _, _ =	vpop (xrf2)  }
0x188: {  	s31 =	simm.s32 $0x4F70;
	v33 =	vld [tilespmem:s12+$0xFFFFFFD0];
	v31 =	vpop (erf);
	v19 =	vmax.f32 v19, v24;
	v24 =	vmul.f32 $2.000000030e-01, v16;
	v30 =	vmul.f32 $1.442695020e+00, v30  }
0x189: {  	v32 =	vmul.f32 v31, v11;
	v13 =	vld [tilespmem:s31+$0x30];
	(erf) = vpow2.f32 v25;
	v25 =	vpop (erf);
	v22 =	vmax.f32 v29, v22  }
0x18a: {  	s1 =	simm.s32 $0xB2B0;
	(xrf2) =	vadd.scan.msk.f32 $0xffff, v15;
	v34 =	vmul.f32 v25, v12;
	v11 =	vmax.f32 v16, v24;
	v15 =	vbroadcast v30, $0xF;
	v24 =	vld [tilespmem:s12+$0x30];
	v16, _, _ =	vpop (xrf2)  }
0x18b: {  	[tilespmem:s1+$0x70] =	vst v26;
	v26 =	vld [tilespmem:s12+$0x0];
	v11 =	vmul.f32 v11, v1;
	v16 =	vmul.f32 $1.442695020e+00, v16  }
0x18c: {  	v12 =	vld [tilespmem:s31+$0xFFFFFFF0];
	(erf) = vpow2.f32 v15;
	v15 =	vmul.f32 v22, v1;
	v22, _, _ =	vpop (xrf2)  }
0x18d: {  	v20 =	vbroadcast v20, $0xF;
	[tilespmem:s1+$0xFFFFFFD0] =	vst v25;
	v25 =	vld [tilespmem:s12+$0xFFFFFFF0];
	v22 =	vmul.f32 $1.442695020e+00, v22  }
0x18e: {  	v19 =	vmul.f32 v19, v1;
	(xrf2) =	vadd.scan.msk.f32 $0xffff, v11;
	v11 =	vld [tilespmem:s31+$0xFFFFFFD0];
	v30 =	vbroadcast v16, $0xF  }
0x18f: {  	(erf) = vpow2.f32 v27;
	v16 =	vld [tilespmem:s31+$0xFFFFFFE0];
	v27, _, _ =	vpop (xrf2);
	v24 =	vadd.f32 v24, v13;
	v22 =	vbroadcast v22, $0xF  }
0x190: {  	(xrf2) =	vadd.scan.msk.f32 $0xffff, v19;
	v19 =	vld [tilespmem:s12+$0xFFFFFFE0];
	v27 =	vmul.f32 $1.442695020e+00, v27;
	(erf) = vpow2.f32 v30  }
0x191: {  	[tilespmem:s1+$0x60] =	vst v28;
	v28 =	vpop (erf);
	(xrf2) =	vadd.scan.msk.f32 $0xffff, v15;
	v15 =	vld [tilespmem:s31+$0x0];
	(erf) = vpow2.f32 v20;
	v20 =	vmul.f32 $2.000000030e-01, v24  }
0x192: {  	[tilespmem:s1+$0xFFFFFFB0] =	vst v31;
	v23 =	vbroadcast v23, $0xF;
	v31 =	vmul.f32 v28, v17  }
0x193: {  	v55 =	vld [tilespmem:s12+$0x10];
	(erf) = vpow2.f32 v22;
	v30 =	vadd.f32 v33, v11;
	v24 =	vmax.f32 v24, v20  }
0x194: {  	v25 =	vadd.f32 v25, v12;
	v17 =	vld [tilespmem:s31+$0x10];
	v22 =	vbroadcast v27, $0xF;
	v27, _, _ =	vpop (xrf2);
	v24 =	vmul.f32 v24, v1  }
0x195: {  	[tilespmem:s1+$0xFFFFFFA0] =	vst v32;
	v54 =	vadd.f32 v19, v16;
	v27 =	vmul.f32 $1.442695020e+00, v27;
	v53 =	vmul.f32 $2.000000030e-01, v30  }
0x196: {  	v29 =	vld [tilespmem:s12+$0xFFFFFFC0];
	v57 =	vmul.f32 $2.000000030e-01, v25;
	(erf) = vpow2.f32 v23;
	v26 =	vadd.f32 v26, v15;
	v20 =	vpop (erf);
	(xrf2) =	vadd.scan.msk.f32 $0xffff, v24  }
0x197: {  	[tilespmem:s1+$0xFFFFFFC0] =	vst v34;
	v19 =	vld [tilespmem:s31+$0x20];
	v56 =	vmul.f32 $2.000000030e-01, v54;
	v35 =	vpop (erf);
	v23 =	vbroadcast v27, $0xF;
	v30 =	vmax.f32 v30, v53  }
0x198: {  	s2 =	simm.s32 $0xB3B0;
	[tilespmem:s1+$0xFFFFFF90] =	vst v28;
	v27 =	vmul.f32 v35, v18;
	v18, _, _ =	vpop (xrf2);
	v28 =	vmul.f32 v30, v1;
	v30 =	vld [tilespmem:s12+$0x20]  }
0x199: {  	[tilespmem:s1+$0xFFFFFF80] =	vst v31;
	v34 =	vadd.f32 v55, v17;
	v59 =	vmul.f32 $2.000000030e-01, v26;
	v36 =	vmul.f32 $1.442695020e+00, v18;
	v18 =	vld [tilespmem:s31+$0xFFFFFFC0]  }
0x19a: {  	v31 =	vmax.f32 v54, v56;
	v58, _, _ =	vpop (xrf2);
	[tilespmem:s2+$0x60] =	vst v27;
	v27 =	vmax.f32 v25, v57;
	(xrf2) =	vadd.scan.msk.f32 $0xffff, v28  }
0x19b: {  	[tilespmem:s1+$0xFFFFFFF0] =	vst v20;
	v24 =	vpop (erf);
	v31 =	vmul.f32 v31, v1  }
0x19c: {  	[tilespmem:s2+$0x70] =	vst v35;
	v26 =	vmax.f32 v26, v59;
	v33 =	vmul.f32 $1.442695020e+00, v58;
	v37 =	vpop (erf);
	v28 =	vmul.f32 $2.000000030e-01, v34  }
0x19d: {  	v39 =	vmul.f32 v26, v1;
	v38 =	vmul.f32 v27, v1;
	v27, _, _ =	vpop (xrf2);
	v60 =	vadd.f32 v30, v19;
	(xrf2) =	vadd.scan.msk.f32 $0xffff, v31  }
0x19e: {  	[tilespmem:s1+$0x10] =	vst v24;
	v36 =	vbroadcast v36, $0xF;
	v63 =	vmul.f32 v37, v21;
	v29 =	vadd.f32 v29, v18  }
0x19f: {  	[tilespmem:s2+$0xFFFFFFB0] =	vst v37;
	v25 =	vpop (erf);
	v34 =	vmax.f32 v34, v28;
	v28 =	vbroadcast v33, $0xF;
	v40 =	vmul.f32 $2.000000030e-01, v60  }
0x1a0: {  	[tilespmem:s1+$0x30] =	vst v25;
	v31 =	vmul.f32 v34, v1;
	v61 =	vmul.f32 $2.000000030e-01, v29;
	v62, _, _ =	vpop (xrf2);
	(xrf2) =	vadd.scan.msk.f32 $0xffff, v38  }
0x1a1: {  	v30 =	vpop (erf);
	[tilespmem:s2+$0xFFFFFFA0] =	vst v63;
	(erf) = vpow2.f32 v36;
	v26 =	vmul.f32 $1.442695020e+00, v27;
	v32 =	vmax.f32 v60, v40  }
0x1a2: {  	[tilespmem:s2+$0xFFFFFFD0] =	vst v30;
	v27 =	vpop (erf);
	v21 =	vmax.f32 v29, v61;
	v29 =	vmul.f32 v32, v1;
	v32 =	vmul.f32 $1.442695020e+00, v62  }
0x1a3: {  	s15 =	simm.s32 $0x10;
	s28 =	simm.s32 $0x4FF0;
	[tilespmem:s1+$0x50] =	vst v27;
	v26 =	vbroadcast v26, $0xF;
	(xrf2) =	vadd.scan.msk.f32 $0xffff, v39;
	v21 =	vmul.f32 v21, v1  }
.LBB2_10:
0x1a4: {  	v33 =	vld [tilespmem:s28+$0x30];
	v32 =	vbroadcast v32, $0xF;
	s12 =	sadd.s32 $0x80, s12;
	v34, _, _ =	vpop (xrf2);
	v30 =	vmul.f32 v30, v10;
	v10 =	vmov v16  }
0x1a5: {  	s15 =	sadd.s32 $0x8, s15;
	v35 =	vld [tilespmem:s12+$0x30];
	v36 =	vmul.f32 $1.442695020e+00, v34;
	(erf) = vpow2.f32 v22  }
0x1a6: {  	v20 =	vmul.f32 v20, v2;
	v2 =	vmovc v6;
	p0 =	slt.u32 s15, $0x188;
	v34 =	vld [tilespmem:s12+$0xFFFFFFC0];
	(xrf2) =	vadd.scan.msk.f32 $0xffff, v21;
	(erf) = vpow2.f32 v32;
	[tilespmem:s2+$0xFFFFFFC0] =	vst v30  }
0x1a7: {  	v24 =	vmul.f32 v24, v4;
	v6 =	vmov v12;
	v21 =	vld [tilespmem:s28+$0xFFFFFFD0];
	v22 =	vbroadcast v36, $0xF;
	v16, _, _ =	vpop (xrf2)  }
0x1a8: {  	v4 =	vmovc v5;
	v5 =	vmov v15;
	v30 =	vld [tilespmem:s12+$0xFFFFFFD0];
	v12 =	vmul.f32 $1.442695020e+00, v16;
	(erf) = vpow2.f32 v23;
	[tilespmem:s1+$0xFFFFFFE0] =	vst v20  }
0x1a9: {  	v15 =	vmul.f32 v25, v3;
	v3 =	vmovc v9;
	v16 =	vld [tilespmem:s28+$0xFFFFFFE0];
	(erf) = vpow2.f32 v22;
	(xrf2) =	vadd.scan.msk.f32 $0xffff, v31;
	[tilespmem:s1+$0x0] =	vst v24  }
0x1aa: {  	v24 =	vmul.f32 v27, v7;
	v23 =	vld [tilespmem:s12+$0xFFFFFFE0];
	v20 =	vadd.f32 v35, v33;
	v22 =	vbroadcast v12, $0xF;
	v9, _, _ =	vpop (xrf2)  }
0x1ab: {  	v7 =	vmovc v8;
	v8 =	vmovc v19;
	v12 =	vld [tilespmem:s28+$0xFFFFFFF0];
	v31 =	vmul.f32 $1.442695020e+00, v9;
	(erf) = vpow2.f32 v28;
	[tilespmem:s1+$0x20] =	vst v15;
	v9 =	vmov v17  }
0x1ac: {  	v19 =	vld [tilespmem:s12+$0xFFFFFFF0];
	v17 =	vmul.f32 $2.000000030e-01, v20;
	(erf) = vpow2.f32 v22;
	(xrf2) =	vadd.scan.msk.f32 $0xffff, v29;
	v27 =	vpop (erf);
	[tilespmem:s1+$0x40] =	vst v24;
	s1 =	smov.u32 s2  }
0x1ad: {  	v24 =	vadd.f32 v30, v21;
	v15 =	vld [tilespmem:s28+$0x0];
	v22 =	vbroadcast v31, $0xF;
	v25, _, _ =	vpop (xrf2);
	v14 =	vmul.f32 v27, v14;
	[tilespmem:s2+$0xFFFFFF90] =	vst v27  }
0x1ae: {  	v27 =	vld [tilespmem:s12+$0x0];
	v28 =	vmax.f32 v20, v17;
	v32 =	vmul.f32 $1.442695020e+00, v25;
	v20 =	vpop (erf);
	(erf) = vpow2.f32 v26  }
0x1af: {  	v26 =	vmul.f32 $2.000000030e-01, v24;
	v29 =	vadd.f32 v23, v16;
	v17 =	vld [tilespmem:s28+$0x10];
	v28 =	vmul.f32 v28, v1;
	v31 =	vpop (erf);
	[tilespmem:s2+$0xFFFFFF80] =	vst v14  }
0x1b0: {  	v30 =	vld [tilespmem:s12+$0x10];
	v23 =	vbroadcast v32, $0xF;
	v37 =	vmul.f32 v31, v13;
	v25, _, _ =	vpop (xrf2);
	[tilespmem:s2+$0xFFFFFFF0] =	vst v20;
	v13 =	vmov v33  }
0x1b1: {  	s2 =	sadd.s32 $0x100, s2;
	v26 =	vmax.f32 v24, v26;
	v38 =	vmul.f32 $2.000000030e-01, v29;
	v33 =	vadd.f32 v19, v12;
	v19 =	vld [tilespmem:s28+$0x20];
	(xrf2) =	vadd.scan.msk.f32 $0xffff, v28;
	v24 =	vpop (erf)  }
0x1b2: {  	v35 =	vmul.f32 $1.442695020e+00, v25;
	v14 =	vmov v18;
	v26 =	vmul.f32 v26, v1;
	v28 =	vld [tilespmem:s12+$0x20];
	[tilespmem:s2+$0x60] =	vst v37;
	v36 =	vpop (erf)  }
0x1b3: {  	v18 =	vld [tilespmem:s28+$0xFFFFFFC0];
	v38 =	vmax.f32 v29, v38;
	v29 =	vmul.f32 $2.000000030e-01, v33;
	v27 =	vadd.f32 v27, v15;
	[tilespmem:s2+$0xFFFFFFB0] =	vst v36;
	v32, _, _ =	vpop (xrf2)  }
0x1b4: {  	v37 =	vmul.f32 v38, v1;
	(xrf2) =	vadd.scan.msk.f32 $0xffff, v26;
	v26 =	vmul.f32 $1.442695020e+00, v32;
	[tilespmem:s1+$0x10] =	vst v24;
	v25 =	vpop (erf)  }
0x1b5: {  	v29 =	vmax.f32 v33, v29;
	v32 =	vmul.f32 $2.000000030e-01, v27;
	v33 =	vadd.f32 v30, v17;
	v30 =	vpop (erf);
	[tilespmem:s1+$0x30] =	vst v25  }
0x1b6: {  	v35 =	vbroadcast v35, $0xF;
	v29 =	vmul.f32 v29, v1;
	[tilespmem:s2+$0xFFFFFFD0] =	vst v30;
	v38, _, _ =	vpop (xrf2)  }
0x1b7: {  	v32 =	vmax.f32 v27, v32;
	v39 =	vmul.f32 $2.000000030e-01, v33;
	v40 =	vadd.f32 v28, v19;
	(xrf2) =	vadd.scan.msk.f32 $0xffff, v37;
	v27 =	vpop (erf)  }
0x1b8: {  	v34 =	vadd.f32 v34, v18;
	v37 =	vmul.f32 v32, v1;
	v32 =	vmul.f32 $1.442695020e+00, v38;
	[tilespmem:s1+$0x50] =	vst v27  }
.Ltmp4:
0x1b9: {  	v28 =	vbroadcast v26, $0xF;
	v41 =	vmax.f32 v33, v39;
	v38 =	vmul.f32 $2.000000030e-01, v40;
	[tilespmem:s2+$0x70] =	vst v31;
	(pc) =	sbr.rel @p0 .LBB2_10-.Ltmp4, $4  }
0x1ba: {  	v39 =	vmul.f32 $2.000000030e-01, v34;
	v31 =	vmul.f32 v41, v1;
	(xrf2) =	vadd.scan.msk.f32 $0xffff, v29  }
0x1bb: {  	v36 =	vmul.f32 v36, v11;
	v26 =	vbroadcast v32, $0xF;
	v29 =	vmax.f32 v40, v38;
	v33, _, _ =	vpop (xrf2)  }
0x1bc: {  	v11 =	vmovc v21;
	v34 =	vmax.f32 v34, v39;
	v29 =	vmul.f32 v29, v1;
	v32 =	vmul.f32 $1.442695020e+00, v33  }
0x1bd: {  	s28 =	sadd.s32 $0x80, s28;
	v21 =	vmul.f32 v34, v1;
	(xrf2) =	vadd.scan.msk.f32 $0xffff, v37;
	[tilespmem:s2+$0xFFFFFFA0] =	vst v36;
	(erf) = vpow2.f32 v35  }
0x1be: {  	v50, _, _ =	vpop (xrf2)  }
0x1bf: {  	v1 =	vbroadcast v32, $0xF;
	v32 =	vmul.f32 $1.442695020e+00, v50  }
0x1c0: {  	(erf) = vpow2.f32 v22;
	(xrf2) =	vadd.scan.msk.f32 $0xffff, v21  }
0x1c1: {  	(erf) = vpow2.f32 v1;
	v1 =	vbroadcast v32, $0xF  }
0x1c2: {  	(erf) = vpow2.f32 v23  }
0x1c3: {  	v51, _, _ =	vpop (xrf2);
	(erf) = vpow2.f32 v1;
	v1 =	vmul.f32 v20, v2  }
0x1c4: {  	v21 =	vmul.f32 $1.442695020e+00, v51  }
0x1c5: {  	v2 =	vmul.f32 v24, v4;
	[tilespmem:s1+$0xFFFFFFE0] =	vst v1;
	v1 =	vmul.f32 v25, v3  }
0x1c6: {  	(xrf2) =	vadd.scan.msk.f32 $0xffff, v31;
	v52 =	vbroadcast v21, $0xF;
	v53, _, _ =	vpop (xrf2);
	(erf) = vpow2.f32 v28  }
0x1c7: {  	[tilespmem:s1+$0x0] =	vst v2;
	v2 =	vmul.f32 v27, v7;
	v3 =	vpop (erf)  }
0x1c8: {  	(xrf2) =	vadd.scan.msk.f32 $0xffff, v29;
	(erf) = vpow2.f32 v52;
	v54, _, _ =	vpop (xrf2);
	[tilespmem:s1+$0x20] =	vst v1  }
0x1c9: {  	v10 =	vmul.f32 v30, v10;
	[tilespmem:s1+$0x40] =	vst v2;
	v1 =	vpop (erf)  }
0x1ca: {  	v2 =	vmul.f32 v3, v14;
	[tilespmem:s2+$0xFFFFFF90] =	vst v3;
	v3, _, _ =	vpop (xrf2)  }
0x1cb: {  	[tilespmem:s2+$0xFFFFFFC0] =	vst v10;
	(erf) = vpow2.f32 v26;
	v55 =	vpop (erf)  }
0x1cc: {  	[tilespmem:s2+$0xFFFFFF80] =	vst v2;
	v3 =	vmul.f32 $1.442695020e+00, v3;
	v2 =	vmul.f32 v55, v13  }
0x1cd: {  	s28 =	sadd.s32 $0x100, s2;
	[tilespmem:s2+$0xFFFFFFF0] =	vst v1;
	v56 =	vpop (erf)  }
0x1ce: {  	v10 =	vmul.f32 $1.442695020e+00, v53;
	[tilespmem:s28+$0x70] =	vst v55;
	v57 =	vpop (erf);
	v3 =	vbroadcast v3, $0xF  }
0x1cf: {  	v4 =	vmul.f32 $1.442695020e+00, v54;
	v1 =	vmul.f32 v1, v6;
	[tilespmem:s2+$0x10] =	vst v56;
	v58 =	vpop (erf)  }
0x1d0: {  	v10 =	vbroadcast v10, $0xF;
	[tilespmem:s28+$0x60] =	vst v2;
	(erf) = vpow2.f32 v3;
	v2, _, _ =	vpop (xrf2)  }
0x1d1: {  	[tilespmem:s2+$0xFFFFFFE0] =	vst v1;
	v11 =	vmul.f32 v57, v11;
	v3 =	vbroadcast v4, $0xF;
	v60 =	vpop (erf)  }
0x1d2: {  	[tilespmem:s28+$0xFFFFFFB0] =	vst v57;
	(erf) = vpow2.f32 v10;
	v2 =	vmul.f32 $1.442695020e+00, v2;
	v59, _, _ =	vpop (xrf2)  }
0x1d3: {  	[tilespmem:s2+$0x30] =	vst v58;
	v1 =	vmul.f32 v58, v9;
	v21 =	vmul.f32 $1.442695020e+00, v59  }
0x1d4: {  	[tilespmem:s28+$0xFFFFFFA0] =	vst v11;
	v4 =	vmul.f32 v60, v16;
	v2 =	vbroadcast v2, $0xF  }
0x1d5: {  	[tilespmem:s28+$0xFFFFFFD0] =	vst v60;
	v61 =	vpop (erf);
	(erf) = vpow2.f32 v3;
	v62 =	vbroadcast v21, $0xF  }
0x1d6: {  	[tilespmem:s2+$0x20] =	vst v1;
	(erf) = vpow2.f32 v2;
	v2 =	vmul.f32 v56, v5  }
0x1d7: {  	[tilespmem:s28+$0xFFFFFFC0] =	vst v4;
	(erf) = vpow2.f32 v62  }
0x1d8: {  	[tilespmem:s2+$0x0] =	vst v2;
	v2 =	vmul.f32 v61, v8  }
0x1d9: {  	[tilespmem:s2+$0x50] =	vst v61;
	v1 =	vpop (erf)  }
0x1da: {  	[tilespmem:s2+$0x40] =	vst v2;
	v2 =	vmul.f32 v1, v18  }
0x1db: {  	[tilespmem:s28+$0xFFFFFF90] =	vst v1;
	v1 =	vpop (erf)  }
0x1dc: {  	[tilespmem:s28+$0xFFFFFFF0] =	vst v1;
	v1 =	vmul.f32 v1, v12  }
0x1dd: {  	[tilespmem:s28+$0xFFFFFF80] =	vst v2  }
0x1de: {  	[tilespmem:s28+$0xFFFFFFE0] =	vst v1;
	v2 =	vpop (erf)  }
0x1df: {  	[tilespmem:s28+$0x10] =	vst v2;
	v3 =	vpop (erf)  }
0x1e0: {  	v2 =	vmul.f32 v2, v15;
	[tilespmem:s28+$0x30] =	vst v3;
	v63 =	vpop (erf)  }
0x1e1: {  	v1 =	vmul.f32 v3, v17;
	[tilespmem:s28+$0x50] =	vst v63  }
0x1e2: {  	[tilespmem:s28+$0x0] =	vst v2;
	v2 =	vmul.f32 v63, v19  }
0x1e3: {  	[tilespmem:s28+$0x20] =	vst v1  }
0x1e4: {  	s29 =	simm.s32 $0x4C90;
	[tilespmem:s28+$0x40] =	vst v2  }
0x1e5: {  	[spmem:s3] =	stream.indirect.scatter.add.f32 [tilespmem:s23], [sflag:$0x5], $0x20, s29, s16, $0xb8;
	[tilespmem:$0x1B270] =	vst v63  }
0x1e6: {  	_ =	swait.ge [sflag:s13], $0x3200  }
0x1e7: {  	s30 =	sshll.u32 s0, $0x6;
	s4 =	sadd.s32 $0x1, s4;
	[sflag:s13] =	ssyncset.done $0x0  }
0x1e8: {  	s31 =	sshrl.u32 s7, $0x3;
	p0 =	sne.s32 s4, s11;
	[sflag:s13] =	ssyncadd.s32 $0xFFFFCE00  }
.Ltmp5:
0x1e9: {  	s1 =	sor.u32 $0x1C05, s30;
	[bflag:$0x0] =	sbarrier.arrive $0xFFFF;
	(pc) =	sbr.rel @p0 .LBB2_1-.Ltmp5, $4  }
0x1ea: {  	[hbm:s10], [sflag:s1] =	dma.local [spmem:s31], $0x9C4  }
0x1eb: {  	_ =	swait.ge [sflag:s13], $0x9C4  }
0x1ec: {  	[sflag:s13] =	ssyncset.done $0x0  }
0x1ed: {  	[sflag:s13] =	ssyncadd.s32 $0xFFFFF63C  }
0x1ee: {  	_ =	sfence.sel $0x180000  }
0x1ef: {  	[bflag:$0x0] =	sbarrier.arrive $0xFFFF  }
0x1f0: {  	_ =	strace $0x9000004A  }
0x1f1: {  	[bflag:$0x2] =	sbarrier.arrive $0xFFFF  }
0x1f2: {  	p0 =	sne.s32 s0, $0x0;
	s0 =	rddreg [dreg:$0x3]  }
0x1f3: {  	s0 =	sadd.s32 @!p0 $0x100000, s0  }
0x1f4: {  	[sflag:s0] =	ssyncadd.tile.s32 @!p0 $0x1;
	_ =	shalt  }
.Lfunc_end2:
_tile_overlayer_lowered:
.L_overlay_start_2:
0x1f5: {  	(tag) =	ssettag $0x2  }
0x1f6: {  	s0 =	rddreg [dreg:$0x0];
	s2 =	stileid.u32  }
0x1f7: {  	s1 =	rddreg [dreg:$0x1];
	p0 =	sne.s32 s2, $0x0  }
0x1f8: {  	s3 =	rddreg [dreg:$0x2];
	[bflag:$0x3] =	sbarrier.arrive $0xFFFF;
	s2 =	simm.s32 @!p0 $0x1C05  }
0x1f9: {  	[timem:s3], [sflag:s2] =	dma.local @!p0 [hbm:s0], s1  }
0x1fa: {  	s0 =	simm.s32 @!p0 $0x5  }
0x1fb: {  	_ =	swait.ge @!p0 [sflag:s0], s1  }
0x1fc: {  	s1 =	ssub.s32 @!p0 $0x0, s1;
	[sflag:s0] =	ssyncset.done @!p0 $0x0  }
0x1fd: {  	[sflag:s0] =	ssyncadd.s32 @!p0 s1  }
0x1fe: {  	[bflag:$0x3] =	sbarrier.arrive $0xFFFF  }
0x1ff: {  	_ =	shalt  }

// kernel: kernel.7.cloned.1.call-start
scs
__scs_entry_jumppad:
0x0: {  	(pc) =	sbr.rel $0x88, $3  }
0x1: {  	(tag) =	ssettag $0x0;
	lr =	simm.s32 $0x1  }
0x2: {  	[smem:$0x3F90] =	sst lr;
	_ =	strace $0xD0000000  }
0x3: {  	_ = 	snop  }
0x4: {  	_ = 	snop  }
0x5: {  	_ = 	snop  }
0x6: {  	_ = 	snop  }
0x7: {  	_ = 	snop  }
__scs_overlays_trampoline_lowered:
0x8: {  	[smem:$0x3F9F] =	sst s0  }
0x9: {  	[smem:$0x3FA0] =	sst s1  }
0xa: {  	[smem:$0x3FA1] =	sst s2  }
0xb: {  	[smem:$0x3FA2] =	sst s3  }
0xc: {  	[smem:$0x3FA3] =	sst s4  }
0xd: {  	[smem:$0x3FA4] =	sst s5  }
0xe: {  	[smem:$0x3FA5] =	sst s6  }
0xf: {  	[smem:$0x3FA6] =	sst s7  }
0x10: {  	[smem:$0x3FA7] =	sst s8  }
0x11: {  	[smem:$0x3FA8] =	sst s9;
	s0 =	simm.s32 @!p0 $0x0  }
0x12: {  	s1 =	sld [smem:$0x3F8E];
	s0 =	simm.s32 @p0 $0x1  }
0x13: {  	[smem:$0x3FA9] =	sst s0;
	s0 =	simm.s32 @!p1 $0x0  }
0x14: {  	s2 =	sld [smem:$0x3F8D];
	s0 =	simm.s32 @p1 $0x1  }
0x15: {  	[smem:$0x3FAA] =	sst s0;
	s0 =	simm.s32 @!p2 $0x0  }
0x16: {  	s3 =	sld [smem:$0x3FDB];
	s0 =	simm.s32 @p2 $0x1  }
0x17: {  	s4 =	simm.s32 $0x1BF5;
	[smem:$0x3FAC] =	sst s0  }
0x18: {  	s0 =	sld [smem:$0x3F8F];
	_ =	swait.ge [sflag:s4], $0x0  }
0x19: {  	s7 =	sld [smem:$0x3F90]  }
0x1a: {  	s8 =	sadd.s32 $0xFFFFE003, lr  }
0x1b: {  	s9 =	sadd.s32 $0xFFFFFEF7, lr;
	s5 =	simm.s32 $0xFFFFFFFF;
	p2 =	slt.u32 s8, $0xFFFFF086  }
0x1c: {  	p1 =	slt.u32 s9, $0xF7A;
	s5 =	simm.s32 @!p2 $0x0  }
0x1d: {  	s5 =	simm.s32 @p1 $0x1;
	p0 =	seq.s32 s7, s2  }
0x1e: {  	s7 =	smul.u32 @!p0 $0xF7A, s2;
	p2 =	seq.s32 @!p0 s5, $0x0  }
0x1f: {  	s9 =	smul.u32 $0xF7A, s1;
	s8 =	simm.s32 @!p0 $0x1BF5;
	p2 =	por !p2, p0  }
0x20: {  	[sflag:s8] =	ssyncset.s32 @!p0 $0xFFFFF086;
	s6 =	sadd.s32 @!p0 s3, s7;
	s7 =	simm.s32 @!p0 $0x108  }
0x21: {  	s3 =	sadd.s32 s3, s9;
	s6 =	sadd.s32 @!p0 $0x88, s6;
	s7 =	simm.s32 @p2 $0x1082  }
0x22: {  	[simem:s7], [sflag:s8] =	dma.local @!p0 [hbm:s6], $0xF7A  }
0x23: {  	s9 =	sor.u32 $0xD0000000, s2;
	s6 =	simm.s32 $0x108;
	_ =	swait.ge @!p0 [sflag:s8], $0x0  }
0x24: {  	s3 =	sadd.s32 $0x88, s3;
	s6 =	simm.s32 @!p1 $0x1082;
	[sflag:s4] =	ssyncset.s32 $0xFFFFF086  }
0x25: {  	[simem:s6], [sflag:s4] =	dma.local [hbm:s3], $0xF7A  }
0x26: {  	[smem:$0x3F90] =	sst s1;
	(tag) =	ssettag s2;
	_ =	strace s9  }
0x27: {  	s1 =	sld [smem:$0x3FA0]  }
0x28: {  	s2 =	sld [smem:$0x3FA1]  }
0x29: {  	s4 =	sld [smem:$0x3FA3]  }
0x2a: {  	p0 =	seq.s32 s5, $0x0;
	s5 =	sld [smem:$0x3FA4]  }
0x2b: {  	s6 =	sld [smem:$0x3FA5]  }
0x2c: {  	s7 =	sld [smem:$0x3FA6]  }
0x2d: {  	s3 =	simm.s32 $0x108;
	s8 =	sld [smem:$0x3FA7]  }
0x2e: {  	s3 =	simm.s32 @!p0 $0x1082;
	s9 =	sld [smem:$0x3FA8]  }
0x2f: {  	lr =	sadd.s32 s0, s3;
	s0 =	sld [smem:$0x3F9F]  }
0x30: {  	s3 =	sld [smem:$0x3FA2]  }
0x31: {  	[smem:$0x3FAB] =	sst s10  }
0x32: {  	s10 =	sld [smem:$0x3FA9];
	_ =	sdelay $0x3  }
0x33: {  	p0 =	seq.s32 s10, $0x1;
	s10 =	sld [smem:$0x3FAB];
	_ =	sdelay $0x3  }
0x34: {  	[smem:$0x3FAB] =	sst s10  }
0x35: {  	s10 =	sld [smem:$0x3FAA];
	_ =	sdelay $0x3  }
0x36: {  	p1 =	seq.s32 s10, $0x1;
	s10 =	sld [smem:$0x3FAB];
	_ =	sdelay $0x3  }
0x37: {  	[smem:$0x3FAB] =	sst s10  }
0x38: {  	s10 =	sld [smem:$0x3FAC]  }
0x39: {  	_ = 	snop;
	(pc) =	sbr.ind lr, $3  }
0x3a: {  	_ = 	snop  }
0x3b: {  	_ = 	snop  }
0x3c: {  	p2 =	seq.s32 s10, $0x1;
	s10 =	sld [smem:$0x3FAB]  }
0x3d: {  	_ =	shalt  }
0x3e: {  	_ =	shalt  }
0x3f: {  	_ =	shalt  }
0x40: {  	_ =	shalt  }
0x41: {  	_ =	shalt  }
0x42: {  	_ =	shalt  }
0x43: {  	_ =	shalt  }
0x44: {  	_ =	shalt  }
0x45: {  	_ =	shalt  }
0x46: {  	_ =	shalt  }
0x47: {  	_ =	shalt  }
0x48: {  	_ =	shalt  }
0x49: {  	_ =	shalt  }
0x4a: {  	_ =	shalt  }
0x4b: {  	_ =	shalt  }
0x4c: {  	_ =	shalt  }
0x4d: {  	_ =	shalt  }
0x4e: {  	_ =	shalt  }
0x4f: {  	_ =	shalt  }
0x50: {  	_ =	shalt  }
0x51: {  	_ =	shalt  }
0x52: {  	_ =	shalt  }
0x53: {  	_ =	shalt  }
0x54: {  	_ =	shalt  }
0x55: {  	_ =	shalt  }
0x56: {  	_ =	shalt  }
0x57: {  	_ =	shalt  }
0x58: {  	_ =	shalt  }
0x59: {  	_ =	shalt  }
0x5a: {  	_ =	shalt  }
0x5b: {  	_ =	shalt  }
0x5c: {  	_ =	shalt  }
0x5d: {  	_ =	shalt  }
0x5e: {  	_ =	shalt  }
0x5f: {  	_ =	shalt  }
0x60: {  	_ =	shalt  }
0x61: {  	_ =	shalt  }
0x62: {  	_ =	shalt  }
0x63: {  	_ =	shalt  }
0x64: {  	_ =	shalt  }
0x65: {  	_ =	shalt  }
0x66: {  	_ =	shalt  }
0x67: {  	_ =	shalt  }
0x68: {  	_ =	shalt  }
0x69: {  	_ =	shalt  }
0x6a: {  	_ =	shalt  }
0x6b: {  	_ =	shalt  }
0x6c: {  	_ =	shalt  }
0x6d: {  	_ =	shalt  }
0x6e: {  	_ =	shalt  }
0x6f: {  	_ =	shalt  }
0x70: {  	_ =	shalt  }
0x71: {  	_ =	shalt  }
0x72: {  	_ =	shalt  }
0x73: {  	_ =	shalt  }
0x74: {  	_ =	shalt  }
0x75: {  	_ =	shalt  }
0x76: {  	_ =	shalt  }
0x77: {  	_ =	shalt  }
0x78: {  	_ =	shalt  }
0x79: {  	_ =	shalt  }
0x7a: {  	_ =	shalt  }
0x7b: {  	_ =	shalt  }
0x7c: {  	_ =	shalt  }
0x7d: {  	_ =	shalt  }
0x7e: {  	_ =	shalt  }
0x7f: {  	_ =	shalt  }
0x80: {  	_ =	shalt  }
0x81: {  	_ =	shalt  }
0x82: {  	_ =	shalt  }
0x83: {  	_ =	shalt  }
0x84: {  	_ =	shalt  }
0x85: {  	_ =	shalt  }
0x86: {  	_ =	shalt  }
0x87: {  	_ =	shalt  }
.Lfunc_end0:
.L_simem_size_0:
called_computation_lowered:
.L_overlay_start_0:
0x88: {  	s2 =	sld [smem:$0x3FD9]  }
0x89: {  	s3 =	sld [smem:$0x3FFE];
	_ =	sdelay $0x1  }
0x8a: {  	s1 =	srdreg.scid  }
0x8b: {  	s0 =	sand.u32 $0x1, s1  }
0x8c: {  	s17 =	sshll.u32 s0, $0xA;
	s2 =	sadd.s32 s3, s2  }
0x8d: {  	s2 =	sadd.s32 s2, s17  }
0x8e: {  	[smem:$0x3FB7] =	sst s2  }
0x8f: {  	_ = 	snop  }
0x90: {  	s2 =	sld [smem:$0x3FC2];
	(tm) =	ssettm $0x1  }
0x91: {  	s18 =	sld [smem:$0x3FFB];
	_ =	sdelay $0x3  }
0x92: {  	_ =	strace s18  }
0x93: {  	s3 =	sld [smem:$0x3FFC];
	_ =	sdelay $0x3  }
0x94: {  	_ =	strace s3  }
0x95: {  	s3 =	sld [smem:$0x3FFD];
	_ =	sdelay $0x3  }
0x96: {  	_ =	strace s3  }
0x97: {  	_ =	strace $0x8FFFFFFF  }
0x98: {  	s19 =	sld [smem:$0x3FDB];
	_ =	sdelay $0x1  }
0x99: {  	s4 =	simm.s32 $_scs_section_size  }
0x9a: {  	s5 =	simm.s32 $_size__tile_overlayer_lowered;
	s6 =	simm.s32 $_tile_overlayer_lowered  }
0x9b: {  	s22 =	simm.s32 $0x1BFF;
	s21 =	sshll.u32 s6, $0x1;
	s3 =	sadd.s32 s4, s19  }
0x9c: {  	s7 =	simm.s32 $0x0;
	s20 =	sshll.u32 s5, $0x1;
	s5 =	sadd.s32 s21, s3  }
0x9d: {  	[timem:s7], [sflag:s22] =	dma.local [hbm:s5], s20  }
0x9e: {  	_ =	swait.ge [sflag:s22], s20  }
0x9f: {  	s4 =	ssub.s32 $0x0, s20;
	[sflag:s22] =	ssyncset.done $0x0  }
0xa0: {  	[sflag:s22] =	ssyncadd.s32 s4;
	_ =	sdelay $0x1  }
0xa1: {  	s23 =	simm.s32 $0x1B8B  }
0xa2: {  	_ =	swait.ge [sflag:s23], $0x1  }
0xa3: {  	[sflag:s23] =	ssyncset.done $0x0  }
0xa4: {  	s25 =	simm.s32 $0x1B8E;
	s24 =	sld [smem:$0x3FFE];
	[sflag:s23] =	ssyncadd.s32 $0xFFFFFFFF  }
0xa5: {  	s26 =	simm.s32 $execute0_lowered;
	[smem:$0x3FD2] =	sst s25  }
0xa6: {  	s5 =	sshll.u32 s26, $0x1;
	_ =	strace $0x80000046;
	[dreg:$0x1] =	wrdreg $0xFFFFFFFF  }
0xa7: {  	s28 =	simm.s32 $_size_execute0_lowered;
	s3 =	sadd.s32 s3, s5;
	[dreg:$0x0] =	wrdreg $0x0  }
0xa8: {  	s5 =	sshll.u32 s28, $0x1;
	[dreg:$0x2] =	wrdreg s3  }
0xa9: {  	[dreg:$0x3] =	wrdreg s5  }
0xaa: {  	[dreg:$0x4] =	wrdreg $0xC0  }
0xab: {  	_ =	task [dreg:s7], $0x5FFFF  }
0xac: {  	[dreg:$0x1] =	wrdreg $0xFFFFFFFF  }
0xad: {  	[dreg:$0x0] =	wrdreg $0x60  }
0xae: {  	[dreg:$0x2] =	wrdreg s24  }
0xaf: {  	[dreg:$0x3] =	wrdreg s2  }
0xb0: {  	[dreg:$0x4] =	wrdreg $0x164500  }
0xb1: {  	[dreg:$0x5] =	wrdreg $0x9  }
0xb2: {  	_ =	task.clear_ibuf [dreg:s7], $0x6FFFF;
	_ =	strace $0x90000046  }
0xb3: {  	s29 =	simm.s32 $0x9;
	_ =	strace $0x80000048  }
0xb4: {  	_ =	swait.ge [sflag:s29], $0x1  }
0xb5: {  	[sflag:s29] =	ssyncadd.s32 $0xFFFFFFFF  }
0xb6: {  	_ =	strace $0x90000048  }
0xb7: {  	_ =	sfence  }
0xb8: {  	s30 =	sld [smem:$0x0];
	_ =	sdelay $0x2  }
0xb9: {  	s31 =	sshll.u32 s1, $0xD;
	s1 =	sshrl.u32 s1, $0x2  }
0xba: {  	s3 =	sand.u32 $0x4000, s31;
	s1 =	sadd.s32 s1, s30  }
0xbb: {  	s0 =	sor.u32 s3, s0;
	s1 =	sshll.u32 s1, $0x11  }
0xbc: {  	s0 =	sor.u32 s1, s0  }
0xbd: {  	s0 =	sadd.s32 $0x8F2B, s0  }
0xbe: {  	[sflag:s0] =	ssyncadd.remote.s32 $0x1  }
0xbf: {  	_ =	sfence.sel $0xFFFF  }
0xc0: {  	[dreg:$0x0] =	wrdreg $0xFFFFFFFF;
	(pc) =	sbr.abs _section_cstart, $3  }
0xc1: {  	[dreg:$0x1] =	wrdreg $0xFFFFFFFF  }
0xc2: {  	_ =	task.clear_ibuf [dreg:s7], $0x2FFFF;
	_ =	strace $0x9FFFFFFF  }
0xc3: {  	(tm) =	ssettm $0x7FFFFFFF  }
tec
execute0_lowered:
.L_overlay_start_1:
0x0: {  	(tag) =	ssettag $0x1  }
0x1: {  	s0 =	srdreg.scid;
	s1 =	rddreg [dreg:$0x0]  }
0x2: {  	s3 =	rddreg [dreg:$0x2];
	s13 =	simm.s32 $0x5;
	s14 =	simm.s32 $0x2710  }
0x3: {  	s16 =	simm.s32 $0x190;
	s17 =	simm.s32 $0x4E30;
	s18 =	simm.s32 $0x6730  }
0x4: {  	s19 =	simm.s32 $0x1;
	s20 =	simm.s32 $0x2;
	s21 =	simm.s32 $0x8030  }
0x5: {  	s22 =	simm.s32 $0x9930;
	s23 =	simm.s32 $0xB230;
	s24 =	simm.s32 $0x3  }
0x6: {  	s25 =	simm.s32 $0x4;
	s2 =	sand.u32 $0x1, s0;
	s0 =	stileid.u32  }
0x7: {  	s26 =	simm.s32 $0xE430;
	s6 =	sadd.s32 $0x3A00, s1;
	s8 =	smul.u32 $0x9C4, s0  }
0x8: {  	s4 =	sshll.u32 s2, $0x4;
	s9 =	smul.u32 $0x9C40, s2;
	s2 =	ssub.s32 $0x2, s2  }
0x9: {  	s10 =	smul.u32 $0x13880, s0;
	s5 =	sor.u32 s0, s4;
	s4 =	simm.s32 $0x0  }
0xa: {  	s30 =	sshrl.u32 s2, $0x1;
	s7 =	smul.u32 $0x4E2, s5;
	[smem:$0x7FF] =	sst s4  }
0xb: {  	s5 =	sadd.s32 $0x8A00, s1;
	s29 =	sadd.s32 s8, s9;
	s2 =	ssub.s32 s2, s30  }
0xc: {  	s31 =	sshrl.u32 s10, $0x2;
	_ =	strace $0x80000047;
	s11 =	sadd.s32 s7, s1  }
0xd: {  	s1 =	sadd.s32 s29, s1;
	s7 =	sadd.s32 s31, s3;
	s8 =	sadd.s32 $0x17800, s11  }
0xe: {  	v0 =	vimm.f32 $0.0e+00;
	s9 =	sadd.s32 $0xDA00, s11;
	s10 =	sadd.s32 $0x21600, s1;
	s11 =	smax.u32 s2, $0x1  }
.LBB2_1:
0xf: {  	s1 =	simm.s32 $0x80;
	s2 =	simm.s32 $0x0  }
.LBB2_2:
0x10: {  	p0 =	sne.s32 s1, $0x13800;
	[tilespmem:s2+$0x11630] =	vst v0;
	s12 =	smov.u32 s1;
	s1 =	sadd.s32 $0x80, s1  }
.Ltmp0:
0x11: {  	[tilespmem:s2+$0x11640] =	vst v0;
	(pc) =	sbr.rel @p0 .LBB2_2-.Ltmp0, $2  }
0x12: {  	_ =	sdelay $0x2  }
0x13: {  	s2 =	sshra.s32 s12, $0x2  }
0x14: {  	[tilespmem:s2+$0x11630] =	vst v0  }
0x15: {  	[tilespmem:s2+$0x11640] =	vst v0;
	s1 =	simm.s32 $0x11630  }
0x16: {  	[spmem:s7] =	stream.linear.scatter [tilespmem:s1], [sflag:$0x5], $0x4E20, $0x38;
	[tilespmem:$0x1B270] =	vst v63  }
0x17: {  	_ =	swait.ge [sflag:s13], $0x4E20  }
0x18: {  	[sflag:s13] =	ssyncset.done $0x0  }
0x19: {  	s29 =	simm.s32 $0x0;
	[sflag:s13] =	ssyncadd.s32 $0xFFFFB1E0  }
0x1a: {  	[tilespmem:s29], [sflag:$0x5] =	stream.linear.gather [hbm4b:s8+s29], $0x2710, $0x38;
	[tilespmem:$0x1B270] =	vst v63  }
0x1b: {  	_ =	swait.ge [sflag:s13], $0x2710  }
0x1c: {  	[sflag:s13] =	ssyncset.done $0x0  }
0x1d: {  	[sflag:s13] =	ssyncadd.s32 $0xFFFFD8F0  }
0x1e: {  	[tilespmem:s14], [sflag:$0x5] =	stream.linear.gather [hbm4b:s9+s29], $0x2710, $0x38;
	[tilespmem:$0x1B270] =	vst v63  }
0x1f: {  	_ =	swait.ge [sflag:s13], $0x2710  }
0x20: {  	[sflag:s13] =	ssyncset.done $0x0  }
0x21: {  	[sflag:s13] =	ssyncadd.s32 $0xFFFFD8F0  }
0x22: {  	s31 =	simm.s32 $0x4E20;
	s30 =	rddreg [dreg:$0x1]  }
0x23: {  	[tilespmem:s31], [sflag:$0x5] =	stream.linear.gather [hbm4b:s30+s29], $0x10, $0x38;
	[tilespmem:$0x1B270] =	vst v63  }
0x24: {  	_ =	swait.ge [sflag:s13], $0x10  }
0x25: {  	[sflag:s13] =	ssyncset.done $0x0  }
0x26: {  	[sflag:s13] =	ssyncadd.s32 $0xFFFFFFF0  }
0x27: {  	[bflag:$0x0] =	sbarrier.arrive $0xFFFF  }
0x28: {  	v1 =	vld [tilespmem:$0x4E20];
	[tilespmem:s17], [sflag:$0x1] =	stream.indirect.gather [hbm4b:s5+s16], $0x10, s29, s16, $0xb8  }
0x29: {  	_ = 	snop  }
0x2a: {  	[tilespmem:s18], [sflag:$0x2] =	stream.indirect.gather [hbm4b:s6+s16], $0x10, s14, s16, $0xb8;
	[tilespmem:$0x1B270] =	vst v63  }
.LBB2_4:
0x2b: {  	_ =	swait.ge [sflag:s19], $0x1900  }
0x2c: {  	[sflag:s19] =	ssyncset.done $0x0  }
0x2d: {  	[sflag:s19] =	ssyncadd.s32 $0xFFFFE700  }
0x2e: {  	s31 =	smul.u32 $0x320, s29;
	_ =	swait.ge [sflag:s20], $0x1900  }
0x2f: {  	[sflag:s20] =	ssyncset.done $0x0  }
0x30: {  	s1 =	sadd.s32 $0x190, s31;
	[sflag:s20] =	ssyncadd.s32 $0xFFFFE700  }
0x31: {  	[tilespmem:s21], [sflag:$0x3] =	stream.indirect.gather [hbm4b:s5+s16], $0x10, s1, s16, $0xb8;
	[tilespmem:$0x1B270] =	vst v63  }
0x32: {  	s12 =	simm.s32 $0x4E70;
	s30 =	sadd.s32 $0x28A0, s31  }
0x33: {  	[tilespmem:s22], [sflag:$0x4] =	stream.indirect.gather [hbm4b:s6+s16], $0x10, s30, s16, $0xb8;
	[tilespmem:$0x1B270] =	vst v63  }
0x34: {  	s2 =	simm.s32 $0x6770;
	v13 =	vld [tilespmem:s12+$0x30]  }
0x35: {  	v2 =	vld [tilespmem:s2+$0x30];
	_ =	sdelay $0x2  }
0x36: {  	v11 =	vld [tilespmem:s12+$0xFFFFFFD0]  }
0x37: {  	v3 =	vld [tilespmem:s2+$0xFFFFFFD0]  }
0x38: {  	v12 =	vld [tilespmem:s12+$0xFFFFFFE0];
	v4 =	vadd.f32 v2, v13  }
0x39: {  	v5 =	vld [tilespmem:s2+$0xFFFFFFE0]  }
0x3a: {  	v6 =	vmul.f32 $2.000000030e-01, v4  }
0x3b: {  	v2 =	vld [tilespmem:s12+$0xFFFFFFF0]  }
0x3c: {  	v4 =	vmax.f32 v4, v6;
	v6 =	vld [tilespmem:s2+$0xFFFFFFF0]  }
0x3d: {  	v9 =	vld [tilespmem:s2+$0x0];
	v8 =	vadd.f32 v3, v11;
	v7 =	vmul.f32 v4, v1  }
0x3e: {  	v10 =	vld [tilespmem:s2+$0xFFFFFFC0];
	v5 =	vadd.f32 v5, v12  }
0x3f: {  	v4 =	vld [tilespmem:s12+$0x0];
	(xrf2) =	vadd.scan.msk.f32 $0xffff, v7;
	v7 =	vmul.f32 $2.000000030e-01, v8  }
0x40: {  	v17 =	vld [tilespmem:s12+$0xFFFFFFC0];
	v14 =	vmul.f32 $2.000000030e-01, v5  }
0x41: {  	v3 =	vld [tilespmem:s12+$0x10];
	v7 =	vmax.f32 v8, v7;
	v6 =	vadd.f32 v6, v2  }
0x42: {  	v5 =	vmax.f32 v5, v14;
	v8 =	vld [tilespmem:s2+$0x10];
	v15 =	vmul.f32 v7, v1  }
0x43: {  	v5 =	vmul.f32 v5, v1;
	v14 =	vmul.f32 $2.000000030e-01, v6  }
0x44: {  	v9 =	vadd.f32 v9, v4;
	(xrf2) =	vadd.scan.msk.f32 $0xffff, v15  }
0x45: {  	v7 =	vld [tilespmem:s12+$0x20];
	(xrf2) =	vadd.scan.msk.f32 $0xffff, v5;
	v5 =	vmax.f32 v6, v14;
	v6 =	vadd.f32 v10, v17  }
0x46: {  	v15 =	vld [tilespmem:s2+$0x20];
	v16 =	vmul.f32 $2.000000030e-01, v9  }
0x47: {  	s15 =	simm.s32 $0x4EF0;
	v8 =	vadd.f32 v8, v3;
	v10 =	vmul.f32 $2.000000030e-01, v6  }
0x48: {  	v18 =	vld [tilespmem:s15+$0x30];
	s12 =	simm.s32 $0x67F0;
	v5 =	vmul.f32 v5, v1;
	v9 =	vmax.f32 v9, v16  }
0x49: {  	v16 =	vld [tilespmem:s12+$0x30];
	v9 =	vmul.f32 v9, v1;
	v19 =	vmul.f32 $2.000000030e-01, v8;
	v14, _, _ =	vpop (xrf2);
	v6 =	vmax.f32 v6, v10  }
0x4a: {  	(xrf2) =	vadd.scan.msk.f32 $0xffff, v5;
	v5 =	vmul.f32 $1.442695020e+00, v14;
	v6 =	vmul.f32 v6, v1  }
0x4b: {  	v21 =	vld [tilespmem:s15+$0xFFFFFFD0];
	v14 =	vadd.f32 v15, v7  }
0x4c: {  	(xrf2) =	vadd.scan.msk.f32 $0xffff, v9;
	v8 =	vmax.f32 v8, v19;
	v9 =	vld [tilespmem:s12+$0xFFFFFFD0];
	v5 =	vbroadcast v5, $0xF  }
0x4d: {  	v8 =	vmul.f32 v8, v1;
	v15 =	vmul.f32 $2.000000030e-01, v14  }
0x4e: {  	v10 =	vld [tilespmem:s15+$0xFFFFFFE0];
	(xrf2) =	vadd.scan.msk.f32 $0xffff, v6;
	(erf) = vpow2.f32 v5;
	v5 =	vadd.f32 v16, v18;
	v6, _, _ =	vpop (xrf2)  }
0x4f: {  	(xrf2) =	vadd.scan.msk.f32 $0xffff, v8;
	v8 =	vld [tilespmem:s12+$0xFFFFFFE0];
	v14 =	vmax.f32 v14, v15;
	v15 =	vmul.f32 $1.442695020e+00, v6;
	v6, _, _ =	vpop (xrf2)  }
0x50: {  	v22 =	vld [tilespmem:s12+$0xFFFFFFF0];
	v19 =	vmul.f32 $2.000000030e-01, v5;
	v20 =	vmul.f32 $1.442695020e+00, v6  }
0x51: {  	v14 =	vmul.f32 v14, v1;
	v23 =	vadd.f32 v9, v21;
	v6 =	vld [tilespmem:s15+$0xFFFFFFF0]  }
0x52: {  	v15 =	vbroadcast v15, $0xF;
	v9 =	vmax.f32 v5, v19;
	v19 =	vbroadcast v20, $0xF  }
0x53: {  	v29 =	vld [tilespmem:s12+$0x20];
	(xrf2) =	vadd.scan.msk.f32 $0xffff, v14;
	v20 =	vmul.f32 $2.000000030e-01, v23  }
0x54: {  	v5 =	vld [tilespmem:s15+$0x0];
	v24 =	vadd.f32 v8, v10;
	v14 =	vmul.f32 v9, v1;
	(erf) = vpow2.f32 v15  }
0x55: {  	v15 =	vld [tilespmem:s12+$0x0];
	(erf) = vpow2.f32 v19;
	v20 =	vmax.f32 v23, v20;
	v9, _, _ =	vpop (xrf2)  }
0x56: {  	v16 =	vld [tilespmem:s12+$0xFFFFFFC0];
	v23 =	vmul.f32 $2.000000030e-01, v24;
	(xrf2) =	vadd.scan.msk.f32 $0xffff, v14;
	v22 =	vadd.f32 v22, v6;
	v20 =	vmul.f32 v20, v1;
	v19, _, _ =	vpop (xrf2)  }
0x57: {  	v8 =	vmul.f32 $1.442695020e+00, v9;
	v9 =	vld [tilespmem:s15+$0x10];
	v14 =	vmul.f32 $1.442695020e+00, v19;
	v26 =	vpop (erf)  }
0x58: {  	v23 =	vmax.f32 v24, v23;
	v19 =	vld [tilespmem:s12+$0x10];
	v24 =	vmul.f32 $2.000000030e-01, v22;
	v28 =	vmul.f32 v26, v13;
	v13, _, _ =	vpop (xrf2)  }
0x59: {  	v23 =	vmul.f32 v23, v1;
	v25 =	vbroadcast v8, $0xF;
	v8 =	vld [tilespmem:s15+$0x20];
	v30, _, _ =	vpop (xrf2);
	(xrf2) =	vadd.scan.msk.f32 $0xffff, v20  }
0x5a: {  	v15 =	vadd.f32 v15, v5;
	v27 =	vbroadcast v14, $0xF;
	v14 =	vld [tilespmem:s15+$0xFFFFFFC0]  }
0x5b: {  	v13 =	vmul.f32 $1.442695020e+00, v13;
	v22 =	vmax.f32 v22, v24;
	(xrf2) =	vadd.scan.msk.f32 $0xffff, v23  }
0x5c: {  	v24 =	vmul.f32 $2.000000030e-01, v15;
	v22 =	vmul.f32 v22, v1  }
0x5d: {  	v20 =	vmul.f32 $1.442695020e+00, v30;
	v13 =	vbroadcast v13, $0xF;
	v23, _, _ =	vpop (xrf2);
	v19 =	vadd.f32 v19, v9  }
0x5e: {  	v15 =	vmax.f32 v15, v24;
	v23 =	vmul.f32 $1.442695020e+00, v23;
	(xrf2) =	vadd.scan.msk.f32 $0xffff, v22;
	v29 =	vadd.f32 v29, v8  }
0x5f: {  	v15 =	vmul.f32 v15, v1;
	v24 =	vmul.f32 $2.000000030e-01, v19;
	v16 =	vadd.f32 v16, v14  }
0x60: {  	s12 =	simm.s32 $0x6870;
	(erf) = vpow2.f32 v13;
	v22 =	vmul.f32 $2.000000030e-01, v29;
	v30, _, _ =	vpop (xrf2)  }
0x61: {  	v33 =	vld [tilespmem:s12+$0xFFFFFFD0];
	s15 =	simm.s32 $0x4F70;
	v31 =	vpop (erf);
	v19 =	vmax.f32 v19, v24;
	v24 =	vmul.f32 $2.000000030e-01, v16;
	v30 =	vmul.f32 $1.442695020e+00, v30  }
0x62: {  	v32 =	vmul.f32 v31, v11;
	v13 =	vld [tilespmem:s15+$0x30];
	(erf) = vpow2.f32 v25;
	v25 =	vpop (erf);
	v22 =	vmax.f32 v29, v22  }
0x63: {  	s1 =	simm.s32 $0xB2B0;
	(xrf2) =	vadd.scan.msk.f32 $0xffff, v15;
	v34 =	vmul.f32 v25, v12;
	v11 =	vmax.f32 v16, v24;
	v15 =	vbroadcast v30, $0xF;
	v24 =	vld [tilespmem:s12+$0x30];
	v16, _, _ =	vpop (xrf2)  }
0x64: {  	[tilespmem:s1+$0x70] =	vst v26;
	v26 =	vld [tilespmem:s12+$0x0];
	v11 =	vmul.f32 v11, v1;
	v16 =	vmul.f32 $1.442695020e+00, v16  }
0x65: {  	v12 =	vld [tilespmem:s15+$0xFFFFFFF0];
	(erf) = vpow2.f32 v15;
	v15 =	vmul.f32 v22, v1;
	v22, _, _ =	vpop (xrf2)  }
0x66: {  	v20 =	vbroadcast v20, $0xF;
	[tilespmem:s1+$0xFFFFFFD0] =	vst v25;
	v25 =	vld [tilespmem:s12+$0xFFFFFFF0];
	v22 =	vmul.f32 $1.442695020e+00, v22  }
0x67: {  	v19 =	vmul.f32 v19, v1;
	(xrf2) =	vadd.scan.msk.f32 $0xffff, v11;
	v11 =	vld [tilespmem:s15+$0xFFFFFFD0];
	v30 =	vbroadcast v16, $0xF  }
0x68: {  	(erf) = vpow2.f32 v27;
	v16 =	vld [tilespmem:s15+$0xFFFFFFE0];
	v27, _, _ =	vpop (xrf2);
	v24 =	vadd.f32 v24, v13;
	v22 =	vbroadcast v22, $0xF  }
0x69: {  	(xrf2) =	vadd.scan.msk.f32 $0xffff, v19;
	v19 =	vld [tilespmem:s12+$0xFFFFFFE0];
	v27 =	vmul.f32 $1.442695020e+00, v27;
	(erf) = vpow2.f32 v30  }
0x6a: {  	[tilespmem:s1+$0x60] =	vst v28;
	v28 =	vpop (erf);
	(xrf2) =	vadd.scan.msk.f32 $0xffff, v15;
	v15 =	vld [tilespmem:s15+$0x0];
	(erf) = vpow2.f32 v20;
	v20 =	vmul.f32 $2.000000030e-01, v24  }
0x6b: {  	[tilespmem:s1+$0xFFFFFFB0] =	vst v31;
	v23 =	vbroadcast v23, $0xF;
	v31 =	vmul.f32 v28, v17  }
0x6c: {  	v55 =	vld [tilespmem:s12+$0x10];
	(erf) = vpow2.f32 v22;
	v30 =	vadd.f32 v33, v11;
	v24 =	vmax.f32 v24, v20  }
0x6d: {  	v25 =	vadd.f32 v25, v12;
	v17 =	vld [tilespmem:s15+$0x10];
	v22 =	vbroadcast v27, $0xF;
	v27, _, _ =	vpop (xrf2);
	v24 =	vmul.f32 v24, v1  }
0x6e: {  	[tilespmem:s1+$0xFFFFFFA0] =	vst v32;
	v54 =	vadd.f32 v19, v16;
	v27 =	vmul.f32 $1.442695020e+00, v27;
	v53 =	vmul.f32 $2.000000030e-01, v30  }
0x6f: {  	v29 =	vld [tilespmem:s12+$0xFFFFFFC0];
	v57 =	vmul.f32 $2.000000030e-01, v25;
	(erf) = vpow2.f32 v23;
	v26 =	vadd.f32 v26, v15;
	v20 =	vpop (erf);
	(xrf2) =	vadd.scan.msk.f32 $0xffff, v24  }
0x70: {  	[tilespmem:s1+$0xFFFFFFC0] =	vst v34;
	v19 =	vld [tilespmem:s15+$0x20];
	v56 =	vmul.f32 $2.000000030e-01, v54;
	v35 =	vpop (erf);
	v23 =	vbroadcast v27, $0xF;
	v30 =	vmax.f32 v30, v53  }
0x71: {  	s2 =	simm.s32 $0xB3B0;
	[tilespmem:s1+$0xFFFFFF90] =	vst v28;
	v27 =	vmul.f32 v35, v18;
	v18, _, _ =	vpop (xrf2);
	v28 =	vmul.f32 v30, v1;
	v30 =	vld [tilespmem:s12+$0x20]  }
0x72: {  	[tilespmem:s1+$0xFFFFFF80] =	vst v31;
	v34 =	vadd.f32 v55, v17;
	v59 =	vmul.f32 $2.000000030e-01, v26;
	v36 =	vmul.f32 $1.442695020e+00, v18;
	v18 =	vld [tilespmem:s15+$0xFFFFFFC0]  }
0x73: {  	v31 =	vmax.f32 v54, v56;
	v58, _, _ =	vpop (xrf2);
	[tilespmem:s2+$0x60] =	vst v27;
	v27 =	vmax.f32 v25, v57;
	(xrf2) =	vadd.scan.msk.f32 $0xffff, v28  }
0x74: {  	[tilespmem:s1+$0xFFFFFFF0] =	vst v20;
	v24 =	vpop (erf);
	v31 =	vmul.f32 v31, v1  }
0x75: {  	[tilespmem:s2+$0x70] =	vst v35;
	v26 =	vmax.f32 v26, v59;
	v33 =	vmul.f32 $1.442695020e+00, v58;
	v37 =	vpop (erf);
	v28 =	vmul.f32 $2.000000030e-01, v34  }
0x76: {  	v39 =	vmul.f32 v26, v1;
	v38 =	vmul.f32 v27, v1;
	v27, _, _ =	vpop (xrf2);
	v60 =	vadd.f32 v30, v19;
	(xrf2) =	vadd.scan.msk.f32 $0xffff, v31  }
0x77: {  	[tilespmem:s1+$0x10] =	vst v24;
	v36 =	vbroadcast v36, $0xF;
	v63 =	vmul.f32 v37, v21;
	v29 =	vadd.f32 v29, v18  }
0x78: {  	[tilespmem:s2+$0xFFFFFFB0] =	vst v37;
	v25 =	vpop (erf);
	v34 =	vmax.f32 v34, v28;
	v28 =	vbroadcast v33, $0xF;
	v40 =	vmul.f32 $2.000000030e-01, v60  }
0x79: {  	[tilespmem:s1+$0x30] =	vst v25;
	v31 =	vmul.f32 v34, v1;
	v61 =	vmul.f32 $2.000000030e-01, v29;
	v62, _, _ =	vpop (xrf2);
	(xrf2) =	vadd.scan.msk.f32 $0xffff, v38  }
0x7a: {  	v30 =	vpop (erf);
	[tilespmem:s2+$0xFFFFFFA0] =	vst v63;
	(erf) = vpow2.f32 v36;
	v26 =	vmul.f32 $1.442695020e+00, v27;
	v32 =	vmax.f32 v60, v40  }
0x7b: {  	[tilespmem:s2+$0xFFFFFFD0] =	vst v30;
	v27 =	vpop (erf);
	v21 =	vmax.f32 v29, v61;
	v29 =	vmul.f32 v32, v1;
	v32 =	vmul.f32 $1.442695020e+00, v62  }
0x7c: {  	s28 =	simm.s32 $0x4FF0;
	s15 =	simm.s32 $0x10;
	[tilespmem:s1+$0x50] =	vst v27;
	v26 =	vbroadcast v26, $0xF;
	(xrf2) =	vadd.scan.msk.f32 $0xffff, v39;
	v21 =	vmul.f32 v21, v1  }
.LBB2_5:
0x7d: {  	v33 =	vld [tilespmem:s28+$0x30];
	v32 =	vbroadcast v32, $0xF;
	s12 =	sadd.s32 $0x80, s12;
	v34, _, _ =	vpop (xrf2);
	v30 =	vmul.f32 v30, v10;
	v10 =	vmov v16  }
0x7e: {  	s15 =	sadd.s32 $0x8, s15;
	v35 =	vld [tilespmem:s12+$0x30];
	v36 =	vmul.f32 $1.442695020e+00, v34;
	(erf) = vpow2.f32 v22  }
0x7f: {  	v20 =	vmul.f32 v20, v2;
	v2 =	vmovc v6;
	p0 =	slt.u32 s15, $0x188;
	v34 =	vld [tilespmem:s12+$0xFFFFFFC0];
	(xrf2) =	vadd.scan.msk.f32 $0xffff, v21;
	(erf) = vpow2.f32 v32;
	[tilespmem:s2+$0xFFFFFFC0] =	vst v30  }
0x80: {  	v24 =	vmul.f32 v24, v4;
	v6 =	vmov v12;
	v21 =	vld [tilespmem:s28+$0xFFFFFFD0];
	v22 =	vbroadcast v36, $0xF;
	v16, _, _ =	vpop (xrf2)  }
0x81: {  	v4 =	vmovc v5;
	v5 =	vmov v15;
	v30 =	vld [tilespmem:s12+$0xFFFFFFD0];
	v12 =	vmul.f32 $1.442695020e+00, v16;
	(erf) = vpow2.f32 v23;
	[tilespmem:s1+$0xFFFFFFE0] =	vst v20  }
0x82: {  	v15 =	vmul.f32 v25, v3;
	v3 =	vmovc v9;
	v16 =	vld [tilespmem:s28+$0xFFFFFFE0];
	(erf) = vpow2.f32 v22;
	(xrf2) =	vadd.scan.msk.f32 $0xffff, v31;
	[tilespmem:s1+$0x0] =	vst v24  }
0x83: {  	v24 =	vmul.f32 v27, v7;
	v23 =	vld [tilespmem:s12+$0xFFFFFFE0];
	v20 =	vadd.f32 v35, v33;
	v22 =	vbroadcast v12, $0xF;
	v9, _, _ =	vpop (xrf2)  }
0x84: {  	v7 =	vmovc v8;
	v8 =	vmovc v19;
	v12 =	vld [tilespmem:s28+$0xFFFFFFF0];
	v31 =	vmul.f32 $1.442695020e+00, v9;
	(erf) = vpow2.f32 v28;
	[tilespmem:s1+$0x20] =	vst v15;
	v9 =	vmov v17  }
0x85: {  	v19 =	vld [tilespmem:s12+$0xFFFFFFF0];
	v17 =	vmul.f32 $2.000000030e-01, v20;
	(erf) = vpow2.f32 v22;
	(xrf2) =	vadd.scan.msk.f32 $0xffff, v29;
	v27 =	vpop (erf);
	[tilespmem:s1+$0x40] =	vst v24;
	s1 =	smov.u32 s2  }
0x86: {  	v24 =	vadd.f32 v30, v21;
	v15 =	vld [tilespmem:s28+$0x0];
	v22 =	vbroadcast v31, $0xF;
	v25, _, _ =	vpop (xrf2);
	v14 =	vmul.f32 v27, v14;
	[tilespmem:s2+$0xFFFFFF90] =	vst v27  }
0x87: {  	v27 =	vld [tilespmem:s12+$0x0];
	v28 =	vmax.f32 v20, v17;
	v32 =	vmul.f32 $1.442695020e+00, v25;
	v20 =	vpop (erf);
	(erf) = vpow2.f32 v26  }
0x88: {  	v26 =	vmul.f32 $2.000000030e-01, v24;
	v29 =	vadd.f32 v23, v16;
	v17 =	vld [tilespmem:s28+$0x10];
	v28 =	vmul.f32 v28, v1;
	v31 =	vpop (erf);
	[tilespmem:s2+$0xFFFFFF80] =	vst v14  }
0x89: {  	v30 =	vld [tilespmem:s12+$0x10];
	v23 =	vbroadcast v32, $0xF;
	v37 =	vmul.f32 v31, v13;
	v25, _, _ =	vpop (xrf2);
	[tilespmem:s2+$0xFFFFFFF0] =	vst v20;
	v13 =	vmov v33  }
0x8a: {  	s2 =	sadd.s32 $0x100, s2;
	v26 =	vmax.f32 v24, v26;
	v38 =	vmul.f32 $2.000000030e-01, v29;
	v33 =	vadd.f32 v19, v12;
	v19 =	vld [tilespmem:s28+$0x20];
	(xrf2) =	vadd.scan.msk.f32 $0xffff, v28;
	v24 =	vpop (erf)  }
0x8b: {  	v35 =	vmul.f32 $1.442695020e+00, v25;
	v14 =	vmov v18;
	v26 =	vmul.f32 v26, v1;
	v28 =	vld [tilespmem:s12+$0x20];
	[tilespmem:s2+$0x60] =	vst v37;
	v36 =	vpop (erf)  }
0x8c: {  	v18 =	vld [tilespmem:s28+$0xFFFFFFC0];
	v38 =	vmax.f32 v29, v38;
	v29 =	vmul.f32 $2.000000030e-01, v33;
	v27 =	vadd.f32 v27, v15;
	[tilespmem:s2+$0xFFFFFFB0] =	vst v36;
	v32, _, _ =	vpop (xrf2)  }
0x8d: {  	v37 =	vmul.f32 v38, v1;
	(xrf2) =	vadd.scan.msk.f32 $0xffff, v26;
	v26 =	vmul.f32 $1.442695020e+00, v32;
	[tilespmem:s1+$0x10] =	vst v24;
	v25 =	vpop (erf)  }
0x8e: {  	v29 =	vmax.f32 v33, v29;
	v32 =	vmul.f32 $2.000000030e-01, v27;
	v33 =	vadd.f32 v30, v17;
	v30 =	vpop (erf);
	[tilespmem:s1+$0x30] =	vst v25  }
0x8f: {  	v35 =	vbroadcast v35, $0xF;
	v29 =	vmul.f32 v29, v1;
	[tilespmem:s2+$0xFFFFFFD0] =	vst v30;
	v38, _, _ =	vpop (xrf2)  }
0x90: {  	v32 =	vmax.f32 v27, v32;
	v39 =	vmul.f32 $2.000000030e-01, v33;
	v40 =	vadd.f32 v28, v19;
	(xrf2) =	vadd.scan.msk.f32 $0xffff, v37;
	v27 =	vpop (erf)  }
0x91: {  	v34 =	vadd.f32 v34, v18;
	v37 =	vmul.f32 v32, v1;
	v32 =	vmul.f32 $1.442695020e+00, v38;
	[tilespmem:s1+$0x50] =	vst v27  }
.Ltmp1:
0x92: {  	v28 =	vbroadcast v26, $0xF;
	v41 =	vmax.f32 v33, v39;
	v38 =	vmul.f32 $2.000000030e-01, v40;
	[tilespmem:s2+$0x70] =	vst v31;
	(pc) =	sbr.rel @p0 .LBB2_5-.Ltmp1, $4  }
0x93: {  	v39 =	vmul.f32 $2.000000030e-01, v34;
	v31 =	vmul.f32 v41, v1;
	(xrf2) =	vadd.scan.msk.f32 $0xffff, v29  }
0x94: {  	v36 =	vmul.f32 v36, v11;
	v26 =	vbroadcast v32, $0xF;
	v29 =	vmax.f32 v40, v38;
	v33, _, _ =	vpop (xrf2)  }
0x95: {  	v11 =	vmovc v21;
	v34 =	vmax.f32 v34, v39;
	v29 =	vmul.f32 v29, v1;
	v32 =	vmul.f32 $1.442695020e+00, v33  }
0x96: {  	s28 =	sadd.s32 $0x80, s28;
	v21 =	vmul.f32 v34, v1;
	(xrf2) =	vadd.scan.msk.f32 $0xffff, v37;
	[tilespmem:s2+$0xFFFFFFA0] =	vst v36;
	(erf) = vpow2.f32 v35  }
0x97: {  	_ = 	snop  }
0x98: {  	v32 =	vbroadcast v32, $0xF;
	v33, _, _ =	vpop (xrf2);
	(erf) = vpow2.f32 v22;
	(xrf2) =	vadd.scan.msk.f32 $0xffff, v21  }
0x99: {  	v10 =	vmul.f32 v30, v10;
	v33 =	vmul.f32 $1.442695020e+00, v33  }
0x9a: {  	v2 =	vmul.f32 v20, v2;
	(erf) = vpow2.f32 v32  }
0x9b: {  	v4 =	vmul.f32 v24, v4;
	v21 =	vbroadcast v33, $0xF  }
0x9c: {  	[tilespmem:s1+$0xFFFFFFE0] =	vst v2;
	v2 =	vmul.f32 v25, v3;
	v22, _, _ =	vpop (xrf2);
	(erf) = vpow2.f32 v23  }
0x9d: {  	v22 =	vmul.f32 $1.442695020e+00, v22;
	(erf) = vpow2.f32 v21  }
0x9e: {  	(xrf2) =	vadd.scan.msk.f32 $0xffff, v31;
	[tilespmem:s2+$0xFFFFFFC0] =	vst v10;
	v20, _, _ =	vpop (xrf2);
	(erf) = vpow2.f32 v28  }
0x9f: {  	[tilespmem:s1+$0x0] =	vst v4;
	v4 =	vmul.f32 v27, v7;
	(xrf2) =	vadd.scan.msk.f32 $0xffff, v29;
	v10 =	vbroadcast v22, $0xF;
	v3 =	vpop (erf)  }
0xa0: {  	[tilespmem:s1+$0x20] =	vst v2;
	v7, _, _ =	vpop (xrf2)  }
0xa1: {  	[tilespmem:s1+$0x40] =	vst v4;
	v2 =	vpop (erf)  }
0xa2: {  	(erf) = vpow2.f32 v10;
	v4 =	vmul.f32 v3, v14;
	[tilespmem:s2+$0xFFFFFF90] =	vst v3;
	v3, _, _ =	vpop (xrf2)  }
0xa3: {  	(erf) = vpow2.f32 v26;
	[tilespmem:s2+$0xFFFFFFF0] =	vst v2;
	v10 =	vpop (erf);
	v3 =	vmul.f32 $1.442695020e+00, v3  }
0xa4: {  	s15 =	sadd.s32 $0x100, s2;
	v2 =	vmul.f32 v2, v6;
	[tilespmem:s2+$0xFFFFFF80] =	vst v4;
	v4 =	vmul.f32 v10, v13  }
0xa5: {  	v14 =	vmul.f32 $1.442695020e+00, v20;
	v13 =	vpop (erf);
	[tilespmem:s15+$0x70] =	vst v10;
	v3 =	vbroadcast v3, $0xF  }
0xa6: {  	v7 =	vmul.f32 $1.442695020e+00, v7;
	[tilespmem:s2+$0xFFFFFFE0] =	vst v2;
	v20 =	vpop (erf)  }
0xa7: {  	v14 =	vbroadcast v14, $0xF;
	[tilespmem:s2+$0x10] =	vst v13;
	v21 =	vpop (erf);
	(erf) = vpow2.f32 v3  }
0xa8: {  	[tilespmem:s15+$0x60] =	vst v4;
	v11 =	vmul.f32 v20, v11;
	v4, _, _ =	vpop (xrf2)  }
0xa9: {  	[tilespmem:s15+$0xFFFFFFB0] =	vst v20;
	v4 =	vmul.f32 $1.442695020e+00, v4;
	v22, _, _ =	vpop (xrf2);
	(erf) = vpow2.f32 v14  }
0xaa: {  	v3 =	vbroadcast v7, $0xF;
	[tilespmem:s2+$0x30] =	vst v21;
	v22 =	vmul.f32 $1.442695020e+00, v22  }
0xab: {  	v2 =	vmul.f32 v21, v9;
	v7 =	vpop (erf);
	[tilespmem:s15+$0xFFFFFFA0] =	vst v11;
	v4 =	vbroadcast v4, $0xF  }
0xac: {  	[tilespmem:s15+$0xFFFFFFD0] =	vst v7;
	(erf) = vpow2.f32 v3;
	v20 =	vbroadcast v22, $0xF  }
0xad: {  	v23 =	vpop (erf);
	v3 =	vmul.f32 v13, v5;
	[tilespmem:s2+$0x20] =	vst v2;
	(erf) = vpow2.f32 v4  }
0xae: {  	v7 =	vmul.f32 v7, v16;
	[tilespmem:s2+$0x50] =	vst v23;
	(erf) = vpow2.f32 v20  }
0xaf: {  	[tilespmem:s2+$0x0] =	vst v3;
	v3 =	vmul.f32 v23, v8  }
0xb0: {  	[tilespmem:s15+$0xFFFFFFC0] =	vst v7;
	v2 =	vpop (erf)  }
0xb1: {  	[tilespmem:s2+$0x40] =	vst v3;
	v3 =	vmul.f32 v2, v18  }
0xb2: {  	[tilespmem:s15+$0xFFFFFF90] =	vst v2;
	v2 =	vpop (erf)  }
0xb3: {  	[tilespmem:s15+$0xFFFFFFF0] =	vst v2;
	v2 =	vmul.f32 v2, v12  }
0xb4: {  	[tilespmem:s15+$0xFFFFFF80] =	vst v3  }
0xb5: {  	[tilespmem:s15+$0xFFFFFFE0] =	vst v2;
	v3 =	vpop (erf)  }
0xb6: {  	[tilespmem:s15+$0x10] =	vst v3;
	v4 =	vpop (erf)  }
0xb7: {  	v3 =	vmul.f32 v3, v15;
	[tilespmem:s15+$0x30] =	vst v4;
	v5 =	vpop (erf)  }
0xb8: {  	s12 =	smul.u32 $0xC80, s29;
	v2 =	vmul.f32 v4, v17;
	[tilespmem:s15+$0x50] =	vst v5  }
0xb9: {  	[tilespmem:s15+$0x0] =	vst v3;
	v3 =	vmul.f32 v5, v19  }
0xba: {  	s2 =	sshra.s32 s12, $0x2;
	[tilespmem:s15+$0x20] =	vst v2  }
0xbb: {  	[tilespmem:s15+$0x40] =	vst v3;
	s15 =	sadd.s32 $0x2710, s2  }
0xbc: {  	[spmem:s3] =	stream.indirect.scatter.add.f32 [tilespmem:s23], [sflag:$0x5], $0x20, s15, s16, $0xb8;
	[tilespmem:$0x1B270] =	vst v63  }
0xbd: {  	_ =	swait.ge [sflag:s13], $0x3200  }
0xbe: {  	[sflag:s13] =	ssyncset.done $0x0  }
0xbf: {  	[sflag:s13] =	ssyncadd.s32 $0xFFFFCE00  }
0xc0: {  	_ =	swait.ge [sflag:s24], $0x1900  }
0xc1: {  	[sflag:s24] =	ssyncset.done $0x0  }
0xc2: {  	[sflag:s24] =	ssyncadd.s32 $0xFFFFE700  }
0xc3: {  	_ =	swait.ge [sflag:s25], $0x1900  }
0xc4: {  	[sflag:s25] =	ssyncset.done $0x0  }
0xc5: {  	s2 =	sadd.s32 $0x320, s31;
	[sflag:s25] =	ssyncadd.s32 $0xFFFFE700  }
0xc6: {  	[tilespmem:s17], [sflag:$0x1] =	stream.indirect.gather [hbm4b:s5+s16], $0x10, s2, s16, $0xb8;
	[tilespmem:$0x1B270] =	vst v63  }
0xc7: {  	s12 =	sadd.s32 $0x2A30, s31;
	s15 =	simm.s32 $0x8070  }
0xc8: {  	[tilespmem:s18], [sflag:$0x2] =	stream.indirect.gather [hbm4b:s6+s16], $0x10, s12, s16, $0xb8;
	[tilespmem:$0x1B270] =	vst v63  }
0xc9: {  	s31 =	simm.s32 $0x9970;
	v13 =	vld [tilespmem:s15+$0x30]  }
0xca: {  	v2 =	vld [tilespmem:s31+$0x30];
	_ =	sdelay $0x2  }
0xcb: {  	v11 =	vld [tilespmem:s15+$0xFFFFFFD0]  }
0xcc: {  	v3 =	vld [tilespmem:s31+$0xFFFFFFD0]  }
0xcd: {  	v12 =	vld [tilespmem:s15+$0xFFFFFFE0];
	v4 =	vadd.f32 v2, v13  }
0xce: {  	v5 =	vld [tilespmem:s31+$0xFFFFFFE0]  }
0xcf: {  	v6 =	vmul.f32 $2.000000030e-01, v4  }
0xd0: {  	v2 =	vld [tilespmem:s15+$0xFFFFFFF0]  }
0xd1: {  	v4 =	vmax.f32 v4, v6;
	v6 =	vld [tilespmem:s31+$0xFFFFFFF0]  }
0xd2: {  	v9 =	vld [tilespmem:s31+$0x0];
	v8 =	vadd.f32 v3, v11;
	v7 =	vmul.f32 v4, v1  }
0xd3: {  	v10 =	vld [tilespmem:s31+$0xFFFFFFC0];
	v5 =	vadd.f32 v5, v12  }
0xd4: {  	v4 =	vld [tilespmem:s15+$0x0];
	(xrf2) =	vadd.scan.msk.f32 $0xffff, v7;
	v7 =	vmul.f32 $2.000000030e-01, v8  }
0xd5: {  	v17 =	vld [tilespmem:s15+$0xFFFFFFC0];
	v14 =	vmul.f32 $2.000000030e-01, v5  }
0xd6: {  	v3 =	vld [tilespmem:s15+$0x10];
	v7 =	vmax.f32 v8, v7;
	v6 =	vadd.f32 v6, v2  }
0xd7: {  	v5 =	vmax.f32 v5, v14;
	v8 =	vld [tilespmem:s31+$0x10];
	v15 =	vmul.f32 v7, v1  }
0xd8: {  	v5 =	vmul.f32 v5, v1;
	v14 =	vmul.f32 $2.000000030e-01, v6  }
0xd9: {  	v9 =	vadd.f32 v9, v4;
	(xrf2) =	vadd.scan.msk.f32 $0xffff, v15  }
0xda: {  	v7 =	vld [tilespmem:s15+$0x20];
	(xrf2) =	vadd.scan.msk.f32 $0xffff, v5;
	v5 =	vmax.f32 v6, v14;
	v6 =	vadd.f32 v10, v17  }
0xdb: {  	v15 =	vld [tilespmem:s31+$0x20];
	v16 =	vmul.f32 $2.000000030e-01, v9  }
0xdc: {  	s12 =	simm.s32 $0x80F0;
	v8 =	vadd.f32 v8, v3;
	v10 =	vmul.f32 $2.000000030e-01, v6  }
0xdd: {  	v18 =	vld [tilespmem:s12+$0x30];
	s15 =	simm.s32 $0x99F0;
	v5 =	vmul.f32 v5, v1;
	v9 =	vmax.f32 v9, v16  }
0xde: {  	v16 =	vld [tilespmem:s15+$0x30];
	v9 =	vmul.f32 v9, v1;
	v19 =	vmul.f32 $2.000000030e-01, v8;
	v14, _, _ =	vpop (xrf2);
	v6 =	vmax.f32 v6, v10  }
0xdf: {  	(xrf2) =	vadd.scan.msk.f32 $0xffff, v5;
	v5 =	vmul.f32 $1.442695020e+00, v14;
	v6 =	vmul.f32 v6, v1  }
0xe0: {  	v21 =	vld [tilespmem:s12+$0xFFFFFFD0];
	v14 =	vadd.f32 v15, v7  }
0xe1: {  	(xrf2) =	vadd.scan.msk.f32 $0xffff, v9;
	v9 =	vld [tilespmem:s15+$0xFFFFFFD0];
	v8 =	vmax.f32 v8, v19;
	v5 =	vbroadcast v5, $0xF  }
0xe2: {  	v8 =	vmul.f32 v8, v1;
	v15 =	vmul.f32 $2.000000030e-01, v14  }
0xe3: {  	v10 =	vld [tilespmem:s12+$0xFFFFFFE0];
	(xrf2) =	vadd.scan.msk.f32 $0xffff, v6;
	(erf) = vpow2.f32 v5;
	v5 =	vadd.f32 v16, v18;
	v6, _, _ =	vpop (xrf2)  }
0xe4: {  	(xrf2) =	vadd.scan.msk.f32 $0xffff, v8;
	v8 =	vld [tilespmem:s15+$0xFFFFFFE0];
	v14 =	vmax.f32 v14, v15;
	v15 =	vmul.f32 $1.442695020e+00, v6;
	v6, _, _ =	vpop (xrf2)  }
0xe5: {  	v22 =	vld [tilespmem:s15+$0xFFFFFFF0];
	v19 =	vmul.f32 $2.000000030e-01, v5;
	v20 =	vmul.f32 $1.442695020e+00, v6  }
0xe6: {  	v23 =	vadd.f32 v9, v21;
	v14 =	vmul.f32 v14, v1;
	v6 =	vld [tilespmem:s12+$0xFFFFFFF0]  }
0xe7: {  	v15 =	vbroadcast v15, $0xF;
	v9 =	vmax.f32 v5, v19;
	v19 =	vbroadcast v20, $0xF  }
0xe8: {  	v29 =	vld [tilespmem:s15+$0x20];
	v20 =	vmul.f32 $2.000000030e-01, v23  }
0xe9: {  	(xrf2) =	vadd.scan.msk.f32 $0xffff, v14;
	v5 =	vld [tilespmem:s12+$0x0];
	v14 =	vmul.f32 v9, v1;
	(erf) = vpow2.f32 v15;
	v24 =	vadd.f32 v8, v10  }
0xea: {  	v15 =	vld [tilespmem:s15+$0x0];
	(erf) = vpow2.f32 v19;
	v20 =	vmax.f32 v23, v20;
	v9, _, _ =	vpop (xrf2)  }
0xeb: {  	v16 =	vld [tilespmem:s15+$0xFFFFFFC0];
	(xrf2) =	vadd.scan.msk.f32 $0xffff, v14;
	v23 =	vmul.f32 $2.000000030e-01, v24;
	v22 =	vadd.f32 v22, v6;
	v20 =	vmul.f32 v20, v1;
	v19, _, _ =	vpop (xrf2)  }
0xec: {  	v8 =	vmul.f32 $1.442695020e+00, v9;
	v9 =	vld [tilespmem:s12+$0x10];
	v14 =	vmul.f32 $1.442695020e+00, v19;
	v26 =	vpop (erf)  }
0xed: {  	v19 =	vld [tilespmem:s15+$0x10];
	v23 =	vmax.f32 v24, v23;
	v24 =	vmul.f32 $2.000000030e-01, v22;
	v28 =	vmul.f32 v26, v13;
	v13, _, _ =	vpop (xrf2)  }
0xee: {  	v25 =	vbroadcast v8, $0xF;
	v8 =	vld [tilespmem:s12+$0x20];
	v23 =	vmul.f32 v23, v1;
	v30, _, _ =	vpop (xrf2);
	(xrf2) =	vadd.scan.msk.f32 $0xffff, v20  }
0xef: {  	v15 =	vadd.f32 v15, v5;
	v27 =	vbroadcast v14, $0xF;
	v14 =	vld [tilespmem:s12+$0xFFFFFFC0]  }
0xf0: {  	v13 =	vmul.f32 $1.442695020e+00, v13;
	v22 =	vmax.f32 v22, v24;
	v20 =	vmul.f32 $1.442695020e+00, v30;
	(xrf2) =	vadd.scan.msk.f32 $0xffff, v23  }
0xf1: {  	v24 =	vmul.f32 $2.000000030e-01, v15;
	v22 =	vmul.f32 v22, v1  }
0xf2: {  	v13 =	vbroadcast v13, $0xF;
	v19 =	vadd.f32 v19, v9  }
0xf3: {  	v23, _, _ =	vpop (xrf2);
	v15 =	vmax.f32 v15, v24;
	(xrf2) =	vadd.scan.msk.f32 $0xffff, v22;
	v20 =	vbroadcast v20, $0xF;
	v29 =	vadd.f32 v29, v8  }
0xf4: {  	v31 =	vpop (erf);
	v15 =	vmul.f32 v15, v1;
	v24 =	vmul.f32 $2.000000030e-01, v19;
	v16 =	vadd.f32 v16, v14  }
0xf5: {  	s12 =	simm.s32 $0x9A70;
	(erf) = vpow2.f32 v13;
	v22 =	vmul.f32 $2.000000030e-01, v29;
	v30, _, _ =	vpop (xrf2)  }
0xf6: {  	s31 =	simm.s32 $0x8170;
	v52 =	vld [tilespmem:s12+$0xFFFFFFD0];
	v19 =	vmax.f32 v19, v24;
	v24 =	vmul.f32 $2.000000030e-01, v16;
	v30 =	vmul.f32 $1.442695020e+00, v30  }
0xf7: {  	v51 =	vmul.f32 v31, v11;
	v13 =	vld [tilespmem:s31+$0x30];
	(erf) = vpow2.f32 v25;
	v25 =	vpop (erf);
	v22 =	vmax.f32 v29, v22  }
0xf8: {  	s1 =	simm.s32 $0xE4B0;
	(xrf2) =	vadd.scan.msk.f32 $0xffff, v15;
	v34 =	vmul.f32 v25, v12;
	v11 =	vmax.f32 v16, v24;
	v15 =	vbroadcast v30, $0xF;
	v24 =	vld [tilespmem:s12+$0x30];
	v16, _, _ =	vpop (xrf2)  }
0xf9: {  	[tilespmem:s1+$0x70] =	vst v26;
	v26 =	vld [tilespmem:s12+$0x0];
	v11 =	vmul.f32 v11, v1;
	v16 =	vmul.f32 $1.442695020e+00, v16  }
0xfa: {  	v12 =	vld [tilespmem:s31+$0xFFFFFFF0];
	(erf) = vpow2.f32 v15;
	v15 =	vmul.f32 v22, v1;
	v22, _, _ =	vpop (xrf2)  }
0xfb: {  	v23 =	vmul.f32 $1.442695020e+00, v23;
	[tilespmem:s1+$0xFFFFFFD0] =	vst v25;
	v25 =	vld [tilespmem:s12+$0xFFFFFFF0];
	v22 =	vmul.f32 $1.442695020e+00, v22  }
0xfc: {  	v19 =	vmul.f32 v19, v1;
	(xrf2) =	vadd.scan.msk.f32 $0xffff, v11;
	v11 =	vld [tilespmem:s31+$0xFFFFFFD0];
	v30 =	vbroadcast v16, $0xF  }
0xfd: {  	(erf) = vpow2.f32 v27;
	v16 =	vld [tilespmem:s31+$0xFFFFFFE0];
	v27, _, _ =	vpop (xrf2);
	v24 =	vadd.f32 v24, v13;
	v22 =	vbroadcast v22, $0xF  }
0xfe: {  	(xrf2) =	vadd.scan.msk.f32 $0xffff, v19;
	v19 =	vld [tilespmem:s12+$0xFFFFFFE0];
	v27 =	vmul.f32 $1.442695020e+00, v27;
	(erf) = vpow2.f32 v30  }
0xff: {  	[tilespmem:s1+$0x60] =	vst v28;
	v28 =	vpop (erf);
	(xrf2) =	vadd.scan.msk.f32 $0xffff, v15;
	v15 =	vld [tilespmem:s31+$0x0];
	(erf) = vpow2.f32 v20;
	v20 =	vmul.f32 $2.000000030e-01, v24  }
0x100: {  	[tilespmem:s1+$0xFFFFFFB0] =	vst v31;
	v23 =	vbroadcast v23, $0xF;
	v31 =	vmul.f32 v28, v17  }
0x101: {  	v55 =	vld [tilespmem:s12+$0x10];
	(erf) = vpow2.f32 v22;
	v30 =	vadd.f32 v52, v11;
	v24 =	vmax.f32 v24, v20  }
0x102: {  	v25 =	vadd.f32 v25, v12;
	v17 =	vld [tilespmem:s31+$0x10];
	v22 =	vbroadcast v27, $0xF;
	v27, _, _ =	vpop (xrf2);
	v24 =	vmul.f32 v24, v1  }
0x103: {  	[tilespmem:s1+$0xFFFFFFA0] =	vst v51;
	v54 =	vadd.f32 v19, v16;
	v27 =	vmul.f32 $1.442695020e+00, v27;
	v53 =	vmul.f32 $2.000000030e-01, v30  }
0x104: {  	v29 =	vld [tilespmem:s12+$0xFFFFFFC0];
	v57 =	vmul.f32 $2.000000030e-01, v25;
	(erf) = vpow2.f32 v23;
	v26 =	vadd.f32 v26, v15;
	v20 =	vpop (erf);
	(xrf2) =	vadd.scan.msk.f32 $0xffff, v24  }
0x105: {  	[tilespmem:s1+$0xFFFFFFC0] =	vst v34;
	v19 =	vld [tilespmem:s31+$0x20];
	v56 =	vmul.f32 $2.000000030e-01, v54;
	v35 =	vpop (erf);
	v23 =	vbroadcast v27, $0xF;
	v30 =	vmax.f32 v30, v53  }
0x106: {  	s2 =	simm.s32 $0xE5B0;
	[tilespmem:s1+$0xFFFFFF90] =	vst v28;
	v27 =	vmul.f32 v35, v18;
	v18, _, _ =	vpop (xrf2);
	v28 =	vmul.f32 v30, v1;
	v30 =	vld [tilespmem:s12+$0x20]  }
0x107: {  	[tilespmem:s1+$0xFFFFFF80] =	vst v31;
	v34 =	vadd.f32 v55, v17;
	v59 =	vmul.f32 $2.000000030e-01, v26;
	v36 =	vmul.f32 $1.442695020e+00, v18;
	v18 =	vld [tilespmem:s31+$0xFFFFFFC0]  }
0x108: {  	v31 =	vmax.f32 v54, v56;
	v58, _, _ =	vpop (xrf2);
	[tilespmem:s2+$0x60] =	vst v27;
	v27 =	vmax.f32 v25, v57;
	(xrf2) =	vadd.scan.msk.f32 $0xffff, v28  }
0x109: {  	[tilespmem:s1+$0xFFFFFFF0] =	vst v20;
	v24 =	vpop (erf);
	v31 =	vmul.f32 v31, v1  }
0x10a: {  	[tilespmem:s2+$0x70] =	vst v35;
	v26 =	vmax.f32 v26, v59;
	v33 =	vmul.f32 $1.442695020e+00, v58;
	v37 =	vpop (erf);
	v28 =	vmul.f32 $2.000000030e-01, v34  }
0x10b: {  	v39 =	vmul.f32 v26, v1;
	v38 =	vmul.f32 v27, v1;
	v27, _, _ =	vpop (xrf2);
	v60 =	vadd.f32 v30, v19;
	(xrf2) =	vadd.scan.msk.f32 $0xffff, v31  }
0x10c: {  	[tilespmem:s1+$0x10] =	vst v24;
	v36 =	vbroadcast v36, $0xF;
	v63 =	vmul.f32 v37, v21;
	v29 =	vadd.f32 v29, v18  }
0x10d: {  	[tilespmem:s2+$0xFFFFFFB0] =	vst v37;
	v25 =	vpop (erf);
	v34 =	vmax.f32 v34, v28;
	v28 =	vbroadcast v33, $0xF;
	v40 =	vmul.f32 $2.000000030e-01, v60  }
0x10e: {  	[tilespmem:s1+$0x30] =	vst v25;
	v31 =	vmul.f32 v34, v1;
	v61 =	vmul.f32 $2.000000030e-01, v29;
	v62, _, _ =	vpop (xrf2);
	(xrf2) =	vadd.scan.msk.f32 $0xffff, v38  }
0x10f: {  	v30 =	vpop (erf);
	[tilespmem:s2+$0xFFFFFFA0] =	vst v63;
	(erf) = vpow2.f32 v36;
	v26 =	vmul.f32 $1.442695020e+00, v27;
	v32 =	vmax.f32 v60, v40  }
0x110: {  	[tilespmem:s2+$0xFFFFFFD0] =	vst v30;
	v27 =	vpop (erf);
	v21 =	vmax.f32 v29, v61;
	v29 =	vmul.f32 v32, v1;
	v32 =	vmul.f32 $1.442695020e+00, v62  }
0x111: {  	s28 =	simm.s32 $0x81F0;
	s15 =	simm.s32 $0x10;
	[tilespmem:s1+$0x50] =	vst v27;
	v26 =	vbroadcast v26, $0xF;
	(xrf2) =	vadd.scan.msk.f32 $0xffff, v39;
	v21 =	vmul.f32 v21, v1  }
.LBB2_7:
0x112: {  	v33 =	vld [tilespmem:s28+$0x30];
	v32 =	vbroadcast v32, $0xF;
	s12 =	sadd.s32 $0x80, s12;
	v34, _, _ =	vpop (xrf2);
	v30 =	vmul.f32 v30, v10;
	v10 =	vmov v16  }
0x113: {  	s15 =	sadd.s32 $0x8, s15;
	v35 =	vld [tilespmem:s12+$0x30];
	v36 =	vmul.f32 $1.442695020e+00, v34;
	(erf) = vpow2.f32 v22  }
0x114: {  	v20 =	vmul.f32 v20, v2;
	v2 =	vmovc v6;
	p0 =	slt.u32 s15, $0x188;
	v34 =	vld [tilespmem:s12+$0xFFFFFFC0];
	(xrf2) =	vadd.scan.msk.f32 $0xffff, v21;
	(erf) = vpow2.f32 v32;
	[tilespmem:s2+$0xFFFFFFC0] =	vst v30  }
0x115: {  	v24 =	vmul.f32 v24, v4;
	v6 =	vmov v12;
	v21 =	vld [tilespmem:s28+$0xFFFFFFD0];
	v22 =	vbroadcast v36, $0xF;
	v16, _, _ =	vpop (xrf2)  }
0x116: {  	v4 =	vmovc v5;
	v5 =	vmov v15;
	v30 =	vld [tilespmem:s12+$0xFFFFFFD0];
	v12 =	vmul.f32 $1.442695020e+00, v16;
	(erf) = vpow2.f32 v23;
	[tilespmem:s1+$0xFFFFFFE0] =	vst v20  }
0x117: {  	v15 =	vmul.f32 v25, v3;
	v3 =	vmovc v9;
	v16 =	vld [tilespmem:s28+$0xFFFFFFE0];
	(erf) = vpow2.f32 v22;
	(xrf2) =	vadd.scan.msk.f32 $0xffff, v31;
	[tilespmem:s1+$0x0] =	vst v24  }
0x118: {  	v24 =	vmul.f32 v27, v7;
	v23 =	vld [tilespmem:s12+$0xFFFFFFE0];
	v20 =	vadd.f32 v35, v33;
	v22 =	vbroadcast v12, $0xF;
	v9, _, _ =	vpop (xrf2)  }
0x119: {  	v7 =	vmovc v8;
	v8 =	vmovc v19;
	v12 =	vld [tilespmem:s28+$0xFFFFFFF0];
	v31 =	vmul.f32 $1.442695020e+00, v9;
	(erf) = vpow2.f32 v28;
	[tilespmem:s1+$0x20] =	vst v15;
	v9 =	vmov v17  }
0x11a: {  	v19 =	vld [tilespmem:s12+$0xFFFFFFF0];
	v17 =	vmul.f32 $2.000000030e-01, v20;
	(erf) = vpow2.f32 v22;
	(xrf2) =	vadd.scan.msk.f32 $0xffff, v29;
	v27 =	vpop (erf);
	[tilespmem:s1+$0x40] =	vst v24;
	s1 =	smov.u32 s2  }
0x11b: {  	v24 =	vadd.f32 v30, v21;
	v15 =	vld [tilespmem:s28+$0x0];
	v22 =	vbroadcast v31, $0xF;
	v25, _, _ =	vpop (xrf2);
	v14 =	vmul.f32 v27, v14;
	[tilespmem:s2+$0xFFFFFF90] =	vst v27  }
0x11c: {  	v27 =	vld [tilespmem:s12+$0x0];
	v28 =	vmax.f32 v20, v17;
	v32 =	vmul.f32 $1.442695020e+00, v25;
	v20 =	vpop (erf);
	(erf) = vpow2.f32 v26  }
0x11d: {  	v26 =	vmul.f32 $2.000000030e-01, v24;
	v29 =	vadd.f32 v23, v16;
	v17 =	vld [tilespmem:s28+$0x10];
	v28 =	vmul.f32 v28, v1;
	v31 =	vpop (erf);
	[tilespmem:s2+$0xFFFFFF80] =	vst v14  }
0x11e: {  	v30 =	vld [tilespmem:s12+$0x10];
	v23 =	vbroadcast v32, $0xF;
	v37 =	vmul.f32 v31, v13;
	v25, _, _ =	vpop (xrf2);
	[tilespmem:s2+$0xFFFFFFF0] =	vst v20;
	v13 =	vmov v33  }
0x11f: {  	s2 =	sadd.s32 $0x100, s2;
	v26 =	vmax.f32 v24, v26;
	v38 =	vmul.f32 $2.000000030e-01, v29;
	v33 =	vadd.f32 v19, v12;
	v19 =	vld [tilespmem:s28+$0x20];
	(xrf2) =	vadd.scan.msk.f32 $0xffff, v28;
	v24 =	vpop (erf)  }
0x120: {  	v35 =	vmul.f32 $1.442695020e+00, v25;
	v14 =	vmov v18;
	v26 =	vmul.f32 v26, v1;
	v28 =	vld [tilespmem:s12+$0x20];
	[tilespmem:s2+$0x60] =	vst v37;
	v36 =	vpop (erf)  }
0x121: {  	v18 =	vld [tilespmem:s28+$0xFFFFFFC0];
	v38 =	vmax.f32 v29, v38;
	v29 =	vmul.f32 $2.000000030e-01, v33;
	v27 =	vadd.f32 v27, v15;
	[tilespmem:s2+$0xFFFFFFB0] =	vst v36;
	v32, _, _ =	vpop (xrf2)  }
0x122: {  	v37 =	vmul.f32 v38, v1;
	(xrf2) =	vadd.scan.msk.f32 $0xffff, v26;
	v26 =	vmul.f32 $1.442695020e+00, v32;
	[tilespmem:s1+$0x10] =	vst v24;
	v25 =	vpop (erf)  }
0x123: {  	v29 =	vmax.f32 v33, v29;
	v32 =	vmul.f32 $2.000000030e-01, v27;
	v33 =	vadd.f32 v30, v17;
	v30 =	vpop (erf);
	[tilespmem:s1+$0x30] =	vst v25  }
0x124: {  	v35 =	vbroadcast v35, $0xF;
	v29 =	vmul.f32 v29, v1;
	[tilespmem:s2+$0xFFFFFFD0] =	vst v30;
	v38, _, _ =	vpop (xrf2)  }
0x125: {  	v32 =	vmax.f32 v27, v32;
	v39 =	vmul.f32 $2.000000030e-01, v33;
	v40 =	vadd.f32 v28, v19;
	(xrf2) =	vadd.scan.msk.f32 $0xffff, v37;
	v27 =	vpop (erf)  }
0x126: {  	v34 =	vadd.f32 v34, v18;
	v37 =	vmul.f32 v32, v1;
	v32 =	vmul.f32 $1.442695020e+00, v38;
	[tilespmem:s1+$0x50] =	vst v27  }
.Ltmp2:
0x127: {  	v28 =	vbroadcast v26, $0xF;
	v41 =	vmax.f32 v33, v39;
	v38 =	vmul.f32 $2.000000030e-01, v40;
	[tilespmem:s2+$0x70] =	vst v31;
	(pc) =	sbr.rel @p0 .LBB2_7-.Ltmp2, $4  }
0x128: {  	v39 =	vmul.f32 $2.000000030e-01, v34;
	v31 =	vmul.f32 v41, v1;
	(xrf2) =	vadd.scan.msk.f32 $0xffff, v29  }
0x129: {  	v36 =	vmul.f32 v36, v11;
	v26 =	vbroadcast v32, $0xF;
	v29 =	vmax.f32 v40, v38;
	v33, _, _ =	vpop (xrf2)  }
0x12a: {  	v11 =	vmovc v21;
	v34 =	vmax.f32 v34, v39;
	v29 =	vmul.f32 v29, v1;
	v32 =	vmul.f32 $1.442695020e+00, v33  }
0x12b: {  	s28 =	sadd.s32 $0x80, s28;
	v21 =	vmul.f32 v34, v1;
	(xrf2) =	vadd.scan.msk.f32 $0xffff, v37;
	[tilespmem:s2+$0xFFFFFFA0] =	vst v36;
	(erf) = vpow2.f32 v35  }
0x12c: {  	v32 =	vbroadcast v32, $0xF  }
0x12d: {  	v33, _, _ =	vpop (xrf2);
	(erf) = vpow2.f32 v22;
	v10 =	vmul.f32 v30, v10;
	(xrf2) =	vadd.scan.msk.f32 $0xffff, v21  }
0x12e: {  	v2 =	vmul.f32 v20, v2;
	v33 =	vmul.f32 $1.442695020e+00, v33  }
0x12f: {  	v4 =	vmul.f32 v24, v4;
	(erf) = vpow2.f32 v32  }
0x130: {  	v45 =	vbroadcast v33, $0xF;
	v46, _, _ =	vpop (xrf2);
	(erf) = vpow2.f32 v23;
	(xrf2) =	vadd.scan.msk.f32 $0xffff, v31  }
0x131: {  	v49 =	vmul.f32 v27, v7;
	v22 =	vmul.f32 $1.442695020e+00, v46  }
0x132: {  	[tilespmem:s1+$0xFFFFFFE0] =	vst v2;
	v2 =	vmul.f32 v25, v3;
	(erf) = vpow2.f32 v45  }
0x133: {  	[tilespmem:s2+$0xFFFFFFC0] =	vst v10;
	v47 =	vbroadcast v22, $0xF;
	v48, _, _ =	vpop (xrf2);
	(erf) = vpow2.f32 v28;
	(xrf2) =	vadd.scan.msk.f32 $0xffff, v29  }
0x134: {  	[tilespmem:s1+$0x0] =	vst v4;
	v3 =	vpop (erf)  }
0x135: {  	[tilespmem:s1+$0x40] =	vst v49;
	(erf) = vpow2.f32 v47;
	v50, _, _ =	vpop (xrf2)  }
0x136: {  	[tilespmem:s1+$0x20] =	vst v2;
	v2 =	vpop (erf)  }
0x137: {  	v51 =	vmul.f32 v3, v14;
	[tilespmem:s2+$0xFFFFFF90] =	vst v3;
	v3, _, _ =	vpop (xrf2)  }
0x138: {  	(erf) = vpow2.f32 v26;
	[tilespmem:s2+$0xFFFFFFF0] =	vst v2;
	v52 =	vpop (erf);
	v3 =	vmul.f32 $1.442695020e+00, v3  }
0x139: {  	s31 =	sadd.s32 $0x100, s2;
	v2 =	vmul.f32 v2, v6;
	[tilespmem:s2+$0xFFFFFF80] =	vst v51;
	v54 =	vpop (erf)  }
0x13a: {  	v55 =	vmul.f32 $1.442695020e+00, v48;
	[tilespmem:s31+$0x70] =	vst v52;
	v57, _, _ =	vpop (xrf2);
	v3 =	vbroadcast v3, $0xF  }
0x13b: {  	v53 =	vmul.f32 v52, v13;
	[tilespmem:s2+$0xFFFFFFE0] =	vst v2;
	v56 =	vpop (erf)  }
0x13c: {  	v14 =	vbroadcast v55, $0xF;
	[tilespmem:s2+$0x10] =	vst v54;
	v58 =	vpop (erf);
	(erf) = vpow2.f32 v3  }
0x13d: {  	v7 =	vmul.f32 $1.442695020e+00, v50;
	[tilespmem:s31+$0x60] =	vst v53;
	v4 =	vmul.f32 $1.442695020e+00, v57;
	v59, _, _ =	vpop (xrf2)  }
0x13e: {  	[tilespmem:s31+$0xFFFFFFB0] =	vst v56;
	v11 =	vmul.f32 v56, v11;
	v60 =	vpop (erf);
	(erf) = vpow2.f32 v14  }
0x13f: {  	v3 =	vbroadcast v7, $0xF;
	[tilespmem:s2+$0x30] =	vst v58;
	v22 =	vmul.f32 $1.442695020e+00, v59  }
0x140: {  	v4 =	vbroadcast v4, $0xF;
	v2 =	vmul.f32 v58, v9;
	[tilespmem:s31+$0xFFFFFFA0] =	vst v11  }
0x141: {  	[tilespmem:s31+$0xFFFFFFD0] =	vst v60;
	v61 =	vpop (erf);
	(erf) = vpow2.f32 v3;
	v62 =	vbroadcast v22, $0xF  }
0x142: {  	v3 =	vmul.f32 v54, v5;
	[tilespmem:s2+$0x20] =	vst v2;
	(erf) = vpow2.f32 v4  }
0x143: {  	v7 =	vmul.f32 v60, v16;
	[tilespmem:s2+$0x50] =	vst v61;
	(erf) = vpow2.f32 v62  }
0x144: {  	[tilespmem:s2+$0x0] =	vst v3;
	v3 =	vmul.f32 v61, v8  }
0x145: {  	[tilespmem:s31+$0xFFFFFFC0] =	vst v7;
	v2 =	vpop (erf)  }
0x146: {  	[tilespmem:s2+$0x40] =	vst v3;
	v3 =	vmul.f32 v2, v18  }
0x147: {  	[tilespmem:s31+$0xFFFFFF90] =	vst v2;
	v2 =	vpop (erf)  }
0x148: {  	[tilespmem:s31+$0xFFFFFFF0] =	vst v2;
	v2 =	vmul.f32 v2, v12  }
0x149: {  	[tilespmem:s31+$0xFFFFFF80] =	vst v3  }
0x14a: {  	[tilespmem:s31+$0xFFFFFFE0] =	vst v2;
	v3 =	vpop (erf)  }
0x14b: {  	[tilespmem:s31+$0x10] =	vst v3;
	v4 =	vpop (erf)  }
0x14c: {  	v3 =	vmul.f32 v3, v15;
	[tilespmem:s31+$0x30] =	vst v4;
	v63 =	vpop (erf)  }
0x14d: {  	v2 =	vmul.f32 v4, v17;
	[tilespmem:s31+$0x50] =	vst v63  }
0x14e: {  	s29 =	sadd.s32 $0x1, s29;
	[tilespmem:s31+$0x0] =	vst v3;
	v3 =	vmul.f32 v63, v19  }
0x14f: {  	p0 =	sne.s32 s29, $0xC;
	[tilespmem:s31+$0x20] =	vst v2  }
.Ltmp3:
0x150: {  	[tilespmem:s31+$0x40] =	vst v3;
	(pc) =	sbr.rel @p0 .LBB2_4-.Ltmp3, $4  }
0x151: {  	[spmem:s3] =	stream.indirect.scatter.add.f32 [tilespmem:s26], [sflag:$0x5], $0x20, s30, s16, $0xb8;
	[tilespmem:$0x1B270] =	vst v63  }
0x152: {  	_ =	swait.ge [sflag:s13], $0x3200  }
0x153: {  	[sflag:s13] =	ssyncset.done $0x0  }
0x154: {  	[sflag:s13] =	ssyncadd.s32 $0xFFFFCE00  }
0x155: {  	_ =	swait.ge [sflag:s19], $0x1900  }
0x156: {  	[sflag:s19] =	ssyncset.done $0x0  }
0x157: {  	[sflag:s19] =	ssyncadd.s32 $0xFFFFE700  }
0x158: {  	_ =	swait.ge [sflag:s20], $0x1900  }
0x159: {  	[sflag:s20] =	ssyncset.done $0x0  }
0x15a: {  	s1 =	simm.s32 $0x4E70;
	[sflag:s20] =	ssyncadd.s32 $0xFFFFE700  }
0x15b: {  	s2 =	simm.s32 $0x6770;
	v13 =	vld [tilespmem:s1+$0x30]  }
0x15c: {  	v2 =	vld [tilespmem:s2+$0x30];
	_ =	sdelay $0x2  }
0x15d: {  	v11 =	vld [tilespmem:s1+$0xFFFFFFD0]  }
0x15e: {  	v3 =	vld [tilespmem:s2+$0xFFFFFFD0]  }
0x15f: {  	v12 =	vld [tilespmem:s1+$0xFFFFFFE0];
	v4 =	vadd.f32 v2, v13  }
0x160: {  	v5 =	vld [tilespmem:s2+$0xFFFFFFE0]  }
0x161: {  	v6 =	vmul.f32 $2.000000030e-01, v4  }
0x162: {  	v2 =	vld [tilespmem:s1+$0xFFFFFFF0]  }
0x163: {  	v4 =	vmax.f32 v4, v6;
	v6 =	vld [tilespmem:s2+$0xFFFFFFF0]  }
0x164: {  	v9 =	vld [tilespmem:s2+$0x0];
	v8 =	vadd.f32 v3, v11;
	v7 =	vmul.f32 v4, v1  }
0x165: {  	v10 =	vld [tilespmem:s2+$0xFFFFFFC0];
	v5 =	vadd.f32 v5, v12  }
0x166: {  	v4 =	vld [tilespmem:s1+$0x0];
	(xrf2) =	vadd.scan.msk.f32 $0xffff, v7;
	v7 =	vmul.f32 $2.000000030e-01, v8  }
0x167: {  	v17 =	vld [tilespmem:s1+$0xFFFFFFC0];
	v14 =	vmul.f32 $2.000000030e-01, v5  }
0x168: {  	v3 =	vld [tilespmem:s1+$0x10];
	v7 =	vmax.f32 v8, v7;
	v6 =	vadd.f32 v6, v2  }
0x169: {  	v5 =	vmax.f32 v5, v14;
	v8 =	vld [tilespmem:s2+$0x10];
	v15 =	vmul.f32 v7, v1  }
0x16a: {  	v5 =	vmul.f32 v5, v1;
	v14 =	vmul.f32 $2.000000030e-01, v6  }
0x16b: {  	v9 =	vadd.f32 v9, v4;
	(xrf2) =	vadd.scan.msk.f32 $0xffff, v15  }
0x16c: {  	v7 =	vld [tilespmem:s1+$0x20];
	(xrf2) =	vadd.scan.msk.f32 $0xffff, v5;
	v5 =	vmax.f32 v6, v14;
	v6 =	vadd.f32 v10, v17  }
0x16d: {  	v15 =	vld [tilespmem:s2+$0x20];
	v16 =	vmul.f32 $2.000000030e-01, v9  }
0x16e: {  	s29 =	simm.s32 $0x4EF0;
	v8 =	vadd.f32 v8, v3;
	v10 =	vmul.f32 $2.000000030e-01, v6  }
0x16f: {  	s30 =	simm.s32 $0x67F0;
	v18 =	vld [tilespmem:s29+$0x30];
	v5 =	vmul.f32 v5, v1;
	v9 =	vmax.f32 v9, v16  }
0x170: {  	v16 =	vld [tilespmem:s30+$0x30];
	v9 =	vmul.f32 v9, v1;
	v19 =	vmul.f32 $2.000000030e-01, v8;
	v14, _, _ =	vpop (xrf2);
	v6 =	vmax.f32 v6, v10  }
0x171: {  	(xrf2) =	vadd.scan.msk.f32 $0xffff, v5;
	v5 =	vmul.f32 $1.442695020e+00, v14;
	v6 =	vmul.f32 v6, v1  }
0x172: {  	v21 =	vld [tilespmem:s29+$0xFFFFFFD0];
	v14 =	vadd.f32 v15, v7  }
0x173: {  	(xrf2) =	vadd.scan.msk.f32 $0xffff, v9;
	v8 =	vmax.f32 v8, v19;
	v9 =	vld [tilespmem:s30+$0xFFFFFFD0];
	v5 =	vbroadcast v5, $0xF  }
0x174: {  	v8 =	vmul.f32 v8, v1;
	v15 =	vmul.f32 $2.000000030e-01, v14  }
0x175: {  	v10 =	vld [tilespmem:s29+$0xFFFFFFE0];
	(xrf2) =	vadd.scan.msk.f32 $0xffff, v6;
	(erf) = vpow2.f32 v5;
	v5 =	vadd.f32 v16, v18;
	v6, _, _ =	vpop (xrf2)  }
0x176: {  	(xrf2) =	vadd.scan.msk.f32 $0xffff, v8;
	v8 =	vld [tilespmem:s30+$0xFFFFFFE0];
	v14 =	vmax.f32 v14, v15;
	v15 =	vmul.f32 $1.442695020e+00, v6;
	v6, _, _ =	vpop (xrf2)  }
0x177: {  	v22 =	vld [tilespmem:s30+$0xFFFFFFF0];
	v19 =	vmul.f32 $2.000000030e-01, v5;
	v20 =	vmul.f32 $1.442695020e+00, v6  }
0x178: {  	v14 =	vmul.f32 v14, v1;
	v23 =	vadd.f32 v9, v21;
	v6 =	vld [tilespmem:s29+$0xFFFFFFF0]  }
0x179: {  	v15 =	vbroadcast v15, $0xF;
	v9 =	vmax.f32 v5, v19;
	v19 =	vbroadcast v20, $0xF  }
0x17a: {  	v29 =	vld [tilespmem:s30+$0x20];
	(xrf2) =	vadd.scan.msk.f32 $0xffff, v14;
	v20 =	vmul.f32 $2.000000030e-01, v23  }
0x17b: {  	v5 =	vld [tilespmem:s29+$0x0];
	v24 =	vadd.f32 v8, v10;
	v14 =	vmul.f32 v9, v1;
	(erf) = vpow2.f32 v15  }
0x17c: {  	v15 =	vld [tilespmem:s30+$0x0];
	(erf) = vpow2.f32 v19;
	v20 =	vmax.f32 v23, v20;
	v9, _, _ =	vpop (xrf2)  }
0x17d: {  	v16 =	vld [tilespmem:s30+$0xFFFFFFC0];
	v23 =	vmul.f32 $2.000000030e-01, v24;
	(xrf2) =	vadd.scan.msk.f32 $0xffff, v14;
	v22 =	vadd.f32 v22, v6;
	v20 =	vmul.f32 v20, v1;
	v19, _, _ =	vpop (xrf2)  }
0x17e: {  	v8 =	vmul.f32 $1.442695020e+00, v9;
	v9 =	vld [tilespmem:s29+$0x10];
	v14 =	vmul.f32 $1.442695020e+00, v19;
	v26 =	vpop (erf)  }
0x17f: {  	v23 =	vmax.f32 v24, v23;
	v19 =	vld [tilespmem:s30+$0x10];
	v24 =	vmul.f32 $2.000000030e-01, v22;
	v28 =	vmul.f32 v26, v13;
	v13, _, _ =	vpop (xrf2)  }
0x180: {  	v23 =	vmul.f32 v23, v1;
	v25 =	vbroadcast v8, $0xF;
	v8 =	vld [tilespmem:s29+$0x20];
	v30, _, _ =	vpop (xrf2);
	(xrf2) =	vadd.scan.msk.f32 $0xffff, v20  }
0x181: {  	v15 =	vadd.f32 v15, v5;
	v27 =	vbroadcast v14, $0xF;
	v14 =	vld [tilespmem:s29+$0xFFFFFFC0]  }
0x182: {  	v13 =	vmul.f32 $1.442695020e+00, v13;
	v22 =	vmax.f32 v22, v24;
	(xrf2) =	vadd.scan.msk.f32 $0xffff, v23  }
0x183: {  	v24 =	vmul.f32 $2.000000030e-01, v15;
	v22 =	vmul.f32 v22, v1  }
0x184: {  	v20 =	vmul.f32 $1.442695020e+00, v30;
	v13 =	vbroadcast v13, $0xF;
	v23, _, _ =	vpop (xrf2);
	v19 =	vadd.f32 v19, v9  }
0x185: {  	v15 =	vmax.f32 v15, v24;
	v23 =	vmul.f32 $1.442695020e+00, v23;
	(xrf2) =	vadd.scan.msk.f32 $0xffff, v22;
	v29 =	vadd.f32 v29, v8  }
0x186: {  	v15 =	vmul.f32 v15, v1;
	v24 =	vmul.f32 $2.000000030e-01, v19;
	v16 =	vadd.f32 v16, v14  }
0x187: {  	s12 =	simm.s32 $0x6870;
	(erf) = vpow2.f32 v13;
	v22 =	vmul.f32 $2.000000030e-01, v29;
	v30, _, _ =	vpop (xrf2)  }
0x188: {  	s31 =	simm.s32 $0x4F70;
	v33 =	vld [tilespmem:s12+$0xFFFFFFD0];
	v31 =	vpop (erf);
	v19 =	vmax.f32 v19, v24;
	v24 =	vmul.f32 $2.000000030e-01, v16;
	v30 =	vmul.f32 $1.442695020e+00, v30  }
0x189: {  	v32 =	vmul.f32 v31, v11;
	v13 =	vld [tilespmem:s31+$0x30];
	(erf) = vpow2.f32 v25;
	v25 =	vpop (erf);
	v22 =	vmax.f32 v29, v22  }
0x18a: {  	s1 =	simm.s32 $0xB2B0;
	(xrf2) =	vadd.scan.msk.f32 $0xffff, v15;
	v34 =	vmul.f32 v25, v12;
	v11 =	vmax.f32 v16, v24;
	v15 =	vbroadcast v30, $0xF;
	v24 =	vld [tilespmem:s12+$0x30];
	v16, _, _ =	vpop (xrf2)  }
0x18b: {  	[tilespmem:s1+$0x70] =	vst v26;
	v26 =	vld [tilespmem:s12+$0x0];
	v11 =	vmul.f32 v11, v1;
	v16 =	vmul.f32 $1.442695020e+00, v16  }
0x18c: {  	v12 =	vld [tilespmem:s31+$0xFFFFFFF0];
	(erf) = vpow2.f32 v15;
	v15 =	vmul.f32 v22, v1;
	v22, _, _ =	vpop (xrf2)  }
0x18d: {  	v20 =	vbroadcast v20, $0xF;
	[tilespmem:s1+$0xFFFFFFD0] =	vst v25;
	v25 =	vld [tilespmem:s12+$0xFFFFFFF0];
	v22 =	vmul.f32 $1.442695020e+00, v22  }
0x18e: {  	v19 =	vmul.f32 v19, v1;
	(xrf2) =	vadd.scan.msk.f32 $0xffff, v11;
	v11 =	vld [tilespmem:s31+$0xFFFFFFD0];
	v30 =	vbroadcast v16, $0xF  }
0x18f: {  	(erf) = vpow2.f32 v27;
	v16 =	vld [tilespmem:s31+$0xFFFFFFE0];
	v27, _, _ =	vpop (xrf2);
	v24 =	vadd.f32 v24, v13;
	v22 =	vbroadcast v22, $0xF  }
0x190: {  	(xrf2) =	vadd.scan.msk.f32 $0xffff, v19;
	v19 =	vld [tilespmem:s12+$0xFFFFFFE0];
	v27 =	vmul.f32 $1.442695020e+00, v27;
	(erf) = vpow2.f32 v30  }
0x191: {  	[tilespmem:s1+$0x60] =	vst v28;
	v28 =	vpop (erf);
	(xrf2) =	vadd.scan.msk.f32 $0xffff, v15;
	v15 =	vld [tilespmem:s31+$0x0];
	(erf) = vpow2.f32 v20;
	v20 =	vmul.f32 $2.000000030e-01, v24  }
0x192: {  	[tilespmem:s1+$0xFFFFFFB0] =	vst v31;
	v23 =	vbroadcast v23, $0xF;
	v31 =	vmul.f32 v28, v17  }
0x193: {  	v55 =	vld [tilespmem:s12+$0x10];
	(erf) = vpow2.f32 v22;
	v30 =	vadd.f32 v33, v11;
	v24 =	vmax.f32 v24, v20  }
0x194: {  	v25 =	vadd.f32 v25, v12;
	v17 =	vld [tilespmem:s31+$0x10];
	v22 =	vbroadcast v27, $0xF;
	v27, _, _ =	vpop (xrf2);
	v24 =	vmul.f32 v24, v1  }
0x195: {  	[tilespmem:s1+$0xFFFFFFA0] =	vst v32;
	v54 =	vadd.f32 v19, v16;
	v27 =	vmul.f32 $1.442695020e+00, v27;
	v53 =	vmul.f32 $2.000000030e-01, v30  }
0x196: {  	v29 =	vld [tilespmem:s12+$0xFFFFFFC0];
	v57 =	vmul.f32 $2.000000030e-01, v25;
	(erf) = vpow2.f32 v23;
	v26 =	vadd.f32 v26, v15;
	v20 =	vpop (erf);
	(xrf2) =	vadd.scan.msk.f32 $0xffff, v24  }
0x197: {  	[tilespmem:s1+$0xFFFFFFC0] =	vst v34;
	v19 =	vld [tilespmem:s31+$0x20];
	v56 =	vmul.f32 $2.000000030e-01, v54;
	v35 =	vpop (erf);
	v23 =	vbroadcast v27, $0xF;
	v30 =	vmax.f32 v30, v53  }
0x198: {  	s2 =	simm.s32 $0xB3B0;
	[tilespmem:s1+$0xFFFFFF90] =	vst v28;
	v27 =	vmul.f32 v35, v18;
	v18, _, _ =	vpop (xrf2);
	v28 =	vmul.f32 v30, v1;
	v30 =	vld [tilespmem:s12+$0x20]  }
0x199: {  	[tilespmem:s1+$0xFFFFFF80] =	vst v31;
	v34 =	vadd.f32 v55, v17;
	v59 =	vmul.f32 $2.000000030e-01, v26;
	v36 =	vmul.f32 $1.442695020e+00, v18;
	v18 =	vld [tilespmem:s31+$0xFFFFFFC0]  }
0x19a: {  	v31 =	vmax.f32 v54, v56;
	v58, _, _ =	vpop (xrf2);
	[tilespmem:s2+$0x60] =	vst v27;
	v27 =	vmax.f32 v25, v57;
	(xrf2) =	vadd.scan.msk.f32 $0xffff, v28  }
0x19b: {  	[tilespmem:s1+$0xFFFFFFF0] =	vst v20;
	v24 =	vpop (erf);
	v31 =	vmul.f32 v31, v1  }
0x19c: {  	[tilespmem:s2+$0x70] =	vst v35;
	v26 =	vmax.f32 v26, v59;
	v33 =	vmul.f32 $1.442695020e+00, v58;
	v37 =	vpop (erf);
	v28 =	vmul.f32 $2.000000030e-01, v34  }
0x19d: {  	v39 =	vmul.f32 v26, v1;
	v38 =	vmul.f32 v27, v1;
	v27, _, _ =	vpop (xrf2);
	v60 =	vadd.f32 v30, v19;
	(xrf2) =	vadd.scan.msk.f32 $0xffff, v31  }
0x19e: {  	[tilespmem:s1+$0x10] =	vst v24;
	v36 =	vbroadcast v36, $0xF;
	v63 =	vmul.f32 v37, v21;
	v29 =	vadd.f32 v29, v18  }
0x19f: {  	[tilespmem:s2+$0xFFFFFFB0] =	vst v37;
	v25 =	vpop (erf);
	v34 =	vmax.f32 v34, v28;
	v28 =	vbroadcast v33, $0xF;
	v40 =	vmul.f32 $2.000000030e-01, v60  }
0x1a0: {  	[tilespmem:s1+$0x30] =	vst v25;
	v31 =	vmul.f32 v34, v1;
	v61 =	vmul.f32 $2.000000030e-01, v29;
	v62, _, _ =	vpop (xrf2);
	(xrf2) =	vadd.scan.msk.f32 $0xffff, v38  }
0x1a1: {  	v30 =	vpop (erf);
	[tilespmem:s2+$0xFFFFFFA0] =	vst v63;
	(erf) = vpow2.f32 v36;
	v26 =	vmul.f32 $1.442695020e+00, v27;
	v32 =	vmax.f32 v60, v40  }
0x1a2: {  	[tilespmem:s2+$0xFFFFFFD0] =	vst v30;
	v27 =	vpop (erf);
	v21 =	vmax.f32 v29, v61;
	v29 =	vmul.f32 v32, v1;
	v32 =	vmul.f32 $1.442695020e+00, v62  }
0x1a3: {  	s15 =	simm.s32 $0x10;
	s28 =	simm.s32 $0x4FF0;
	[tilespmem:s1+$0x50] =	vst v27;
	v26 =	vbroadcast v26, $0xF;
	(xrf2) =	vadd.scan.msk.f32 $0xffff, v39;
	v21 =	vmul.f32 v21, v1  }
.LBB2_10:
0x1a4: {  	v33 =	vld [tilespmem:s28+$0x30];
	v32 =	vbroadcast v32, $0xF;
	s12 =	sadd.s32 $0x80, s12;
	v34, _, _ =	vpop (xrf2);
	v30 =	vmul.f32 v30, v10;
	v10 =	vmov v16  }
0x1a5: {  	s15 =	sadd.s32 $0x8, s15;
	v35 =	vld [tilespmem:s12+$0x30];
	v36 =	vmul.f32 $1.442695020e+00, v34;
	(erf) = vpow2.f32 v22  }
0x1a6: {  	v20 =	vmul.f32 v20, v2;
	v2 =	vmovc v6;
	p0 =	slt.u32 s15, $0x188;
	v34 =	vld [tilespmem:s12+$0xFFFFFFC0];
	(xrf2) =	vadd.scan.msk.f32 $0xffff, v21;
	(erf) = vpow2.f32 v32;
	[tilespmem:s2+$0xFFFFFFC0] =	vst v30  }
0x1a7: {  	v24 =	vmul.f32 v24, v4;
	v6 =	vmov v12;
	v21 =	vld [tilespmem:s28+$0xFFFFFFD0];
	v22 =	vbroadcast v36, $0xF;
	v16, _, _ =	vpop (xrf2)  }
0x1a8: {  	v4 =	vmovc v5;
	v5 =	vmov v15;
	v30 =	vld [tilespmem:s12+$0xFFFFFFD0];
	v12 =	vmul.f32 $1.442695020e+00, v16;
	(erf) = vpow2.f32 v23;
	[tilespmem:s1+$0xFFFFFFE0] =	vst v20  }
0x1a9: {  	v15 =	vmul.f32 v25, v3;
	v3 =	vmovc v9;
	v16 =	vld [tilespmem:s28+$0xFFFFFFE0];
	(erf) = vpow2.f32 v22;
	(xrf2) =	vadd.scan.msk.f32 $0xffff, v31;
	[tilespmem:s1+$0x0] =	vst v24  }
0x1aa: {  	v24 =	vmul.f32 v27, v7;
	v23 =	vld [tilespmem:s12+$0xFFFFFFE0];
	v20 =	vadd.f32 v35, v33;
	v22 =	vbroadcast v12, $0xF;
	v9, _, _ =	vpop (xrf2)  }
0x1ab: {  	v7 =	vmovc v8;
	v8 =	vmovc v19;
	v12 =	vld [tilespmem:s28+$0xFFFFFFF0];
	v31 =	vmul.f32 $1.442695020e+00, v9;
	(erf) = vpow2.f32 v28;
	[tilespmem:s1+$0x20] =	vst v15;
	v9 =	vmov v17  }
0x1ac: {  	v19 =	vld [tilespmem:s12+$0xFFFFFFF0];
	v17 =	vmul.f32 $2.000000030e-01, v20;
	(erf) = vpow2.f32 v22;
	(xrf2) =	vadd.scan.msk.f32 $0xffff, v29;
	v27 =	vpop (erf);
	[tilespmem:s1+$0x40] =	vst v24;
	s1 =	smov.u32 s2  }
0x1ad: {  	v24 =	vadd.f32 v30, v21;
	v15 =	vld [tilespmem:s28+$0x0];
	v22 =	vbroadcast v31, $0xF;
	v25, _, _ =	vpop (xrf2);
	v14 =	vmul.f32 v27, v14;
	[tilespmem:s2+$0xFFFFFF90] =	vst v27  }
0x1ae: {  	v27 =	vld [tilespmem:s12+$0x0];
	v28 =	vmax.f32 v20, v17;
	v32 =	vmul.f32 $1.442695020e+00, v25;
	v20 =	vpop (erf);
	(erf) = vpow2.f32 v26  }
0x1af: {  	v26 =	vmul.f32 $2.000000030e-01, v24;
	v29 =	vadd.f32 v23, v16;
	v17 =	vld [tilespmem:s28+$0x10];
	v28 =	vmul.f32 v28, v1;
	v31 =	vpop (erf);
	[tilespmem:s2+$0xFFFFFF80] =	vst v14  }
0x1b0: {  	v30 =	vld [tilespmem:s12+$0x10];
	v23 =	vbroadcast v32, $0xF;
	v37 =	vmul.f32 v31, v13;
	v25, _, _ =	vpop (xrf2);
	[tilespmem:s2+$0xFFFFFFF0] =	vst v20;
	v13 =	vmov v33  }
0x1b1: {  	s2 =	sadd.s32 $0x100, s2;
	v26 =	vmax.f32 v24, v26;
	v38 =	vmul.f32 $2.000000030e-01, v29;
	v33 =	vadd.f32 v19, v12;
	v19 =	vld [tilespmem:s28+$0x20];
	(xrf2) =	vadd.scan.msk.f32 $0xffff, v28;
	v24 =	vpop (erf)  }
0x1b2: {  	v35 =	vmul.f32 $1.442695020e+00, v25;
	v14 =	vmov v18;
	v26 =	vmul.f32 v26, v1;
	v28 =	vld [tilespmem:s12+$0x20];
	[tilespmem:s2+$0x60] =	vst v37;
	v36 =	vpop (erf)  }
0x1b3: {  	v18 =	vld [tilespmem:s28+$0xFFFFFFC0];
	v38 =	vmax.f32 v29, v38;
	v29 =	vmul.f32 $2.000000030e-01, v33;
	v27 =	vadd.f32 v27, v15;
	[tilespmem:s2+$0xFFFFFFB0] =	vst v36;
	v32, _, _ =	vpop (xrf2)  }
0x1b4: {  	v37 =	vmul.f32 v38, v1;
	(xrf2) =	vadd.scan.msk.f32 $0xffff, v26;
	v26 =	vmul.f32 $1.442695020e+00, v32;
	[tilespmem:s1+$0x10] =	vst v24;
	v25 =	vpop (erf)  }
0x1b5: {  	v29 =	vmax.f32 v33, v29;
	v32 =	vmul.f32 $2.000000030e-01, v27;
	v33 =	vadd.f32 v30, v17;
	v30 =	vpop (erf);
	[tilespmem:s1+$0x30] =	vst v25  }
0x1b6: {  	v35 =	vbroadcast v35, $0xF;
	v29 =	vmul.f32 v29, v1;
	[tilespmem:s2+$0xFFFFFFD0] =	vst v30;
	v38, _, _ =	vpop (xrf2)  }
0x1b7: {  	v32 =	vmax.f32 v27, v32;
	v39 =	vmul.f32 $2.000000030e-01, v33;
	v40 =	vadd.f32 v28, v19;
	(xrf2) =	vadd.scan.msk.f32 $0xffff, v37;
	v27 =	vpop (erf)  }
0x1b8: {  	v34 =	vadd.f32 v34, v18;
	v37 =	vmul.f32 v32, v1;
	v32 =	vmul.f32 $1.442695020e+00, v38;
	[tilespmem:s1+$0x50] =	vst v27  }
.Ltmp4:
0x1b9: {  	v28 =	vbroadcast v26, $0xF;
	v41 =	vmax.f32 v33, v39;
	v38 =	vmul.f32 $2.000000030e-01, v40;
	[tilespmem:s2+$0x70] =	vst v31;
	(pc) =	sbr.rel @p0 .LBB2_10-.Ltmp4, $4  }
0x1ba: {  	v39 =	vmul.f32 $2.000000030e-01, v34;
	v31 =	vmul.f32 v41, v1;
	(xrf2) =	vadd.scan.msk.f32 $0xffff, v29  }
0x1bb: {  	v36 =	vmul.f32 v36, v11;
	v26 =	vbroadcast v32, $0xF;
	v29 =	vmax.f32 v40, v38;
	v33, _, _ =	vpop (xrf2)  }
0x1bc: {  	v11 =	vmovc v21;
	v34 =	vmax.f32 v34, v39;
	v29 =	vmul.f32 v29, v1;
	v32 =	vmul.f32 $1.442695020e+00, v33  }
0x1bd: {  	s28 =	sadd.s32 $0x80, s28;
	v21 =	vmul.f32 v34, v1;
	(xrf2) =	vadd.scan.msk.f32 $0xffff, v37;
	[tilespmem:s2+$0xFFFFFFA0] =	vst v36;
	(erf) = vpow2.f32 v35  }
0x1be: {  	v50, _, _ =	vpop (xrf2)  }
0x1bf: {  	v1 =	vbroadcast v32, $0xF;
	v32 =	vmul.f32 $1.442695020e+00, v50  }
0x1c0: {  	(erf) = vpow2.f32 v22;
	(xrf2) =	vadd.scan.msk.f32 $0xffff, v21  }
0x1c1: {  	(erf) = vpow2.f32 v1;
	v1 =	vbroadcast v32, $0xF  }
0x1c2: {  	(erf) = vpow2.f32 v23  }
0x1c3: {  	v51, _, _ =	vpop (xrf2);
	(erf) = vpow2.f32 v1;
	v1 =	vmul.f32 v20, v2  }
0x1c4: {  	v21 =	vmul.f32 $1.442695020e+00, v51  }
0x1c5: {  	v2 =	vmul.f32 v24, v4;
	[tilespmem:s1+$0xFFFFFFE0] =	vst v1;
	v1 =	vmul.f32 v25, v3  }
0x1c6: {  	(xrf2) =	vadd.scan.msk.f32 $0xffff, v31;
	v52 =	vbroadcast v21, $0xF;
	v53, _, _ =	vpop (xrf2);
	(erf) = vpow2.f32 v28  }
0x1c7: {  	[tilespmem:s1+$0x0] =	vst v2;
	v2 =	vmul.f32 v27, v7;
	v3 =	vpop (erf)  }
0x1c8: {  	(xrf2) =	vadd.scan.msk.f32 $0xffff, v29;
	(erf) = vpow2.f32 v52;
	v54, _, _ =	vpop (xrf2);
	[tilespmem:s1+$0x20] =	vst v1  }
0x1c9: {  	v10 =	vmul.f32 v30, v10;
	[tilespmem:s1+$0x40] =	vst v2;
	v1 =	vpop (erf)  }
0x1ca: {  	v2 =	vmul.f32 v3, v14;
	[tilespmem:s2+$0xFFFFFF90] =	vst v3;
	v3, _, _ =	vpop (xrf2)  }
0x1cb: {  	[tilespmem:s2+$0xFFFFFFC0] =	vst v10;
	(erf) = vpow2.f32 v26;
	v55 =	vpop (erf)  }
0x1cc: {  	[tilespmem:s2+$0xFFFFFF80] =	vst v2;
	v3 =	vmul.f32 $1.442695020e+00, v3;
	v2 =	vmul.f32 v55, v13  }
0x1cd: {  	s28 =	sadd.s32 $0x100, s2;
	[tilespmem:s2+$0xFFFFFFF0] =	vst v1;
	v56 =	vpop (erf)  }
0x1ce: {  	v10 =	vmul.f32 $1.442695020e+00, v53;
	[tilespmem:s28+$0x70] =	vst v55;
	v57 =	vpop (erf);
	v3 =	vbroadcast v3, $0xF  }
0x1cf: {  	v4 =	vmul.f32 $1.442695020e+00, v54;
	v1 =	vmul.f32 v1, v6;
	[tilespmem:s2+$0x10] =	vst v56;
	v58 =	vpop (erf)  }
0x1d0: {  	v10 =	vbroadcast v10, $0xF;
	[tilespmem:s28+$0x60] =	vst v2;
	(erf) = vpow2.f32 v3;
	v2, _, _ =	vpop (xrf2)  }
0x1d1: {  	[tilespmem:s2+$0xFFFFFFE0] =	vst v1;
	v11 =	vmul.f32 v57, v11;
	v3 =	vbroadcast v4, $0xF;
	v60 =	vpop (erf)  }
0x1d2: {  	[tilespmem:s28+$0xFFFFFFB0] =	vst v57;
	(erf) = vpow2.f32 v10;
	v2 =	vmul.f32 $1.442695020e+00, v2;
	v59, _, _ =	vpop (xrf2)  }
0x1d3: {  	[tilespmem:s2+$0x30] =	vst v58;
	v1 =	vmul.f32 v58, v9;
	v21 =	vmul.f32 $1.442695020e+00, v59  }
0x1d4: {  	[tilespmem:s28+$0xFFFFFFA0] =	vst v11;
	v4 =	vmul.f32 v60, v16;
	v2 =	vbroadcast v2, $0xF  }
0x1d5: {  	[tilespmem:s28+$0xFFFFFFD0] =	vst v60;
	v61 =	vpop (erf);
	(erf) = vpow2.f32 v3;
	v62 =	vbroadcast v21, $0xF  }
0x1d6: {  	[tilespmem:s2+$0x20] =	vst v1;
	(erf) = vpow2.f32 v2;
	v2 =	vmul.f32 v56, v5  }
0x1d7: {  	[tilespmem:s28+$0xFFFFFFC0] =	vst v4;
	(erf) = vpow2.f32 v62  }
0x1d8: {  	[tilespmem:s2+$0x0] =	vst v2;
	v2 =	vmul.f32 v61, v8  }
0x1d9: {  	[tilespmem:s2+$0x50] =	vst v61;
	v1 =	vpop (erf)  }
0x1da: {  	[tilespmem:s2+$0x40] =	vst v2;
	v2 =	vmul.f32 v1, v18  }
0x1db: {  	[tilespmem:s28+$0xFFFFFF90] =	vst v1;
	v1 =	vpop (erf)  }
0x1dc: {  	[tilespmem:s28+$0xFFFFFFF0] =	vst v1;
	v1 =	vmul.f32 v1, v12  }
0x1dd: {  	[tilespmem:s28+$0xFFFFFF80] =	vst v2  }
0x1de: {  	[tilespmem:s28+$0xFFFFFFE0] =	vst v1;
	v2 =	vpop (erf)  }
0x1df: {  	[tilespmem:s28+$0x10] =	vst v2;
	v3 =	vpop (erf)  }
0x1e0: {  	v2 =	vmul.f32 v2, v15;
	[tilespmem:s28+$0x30] =	vst v3;
	v63 =	vpop (erf)  }
0x1e1: {  	v1 =	vmul.f32 v3, v17;
	[tilespmem:s28+$0x50] =	vst v63  }
0x1e2: {  	[tilespmem:s28+$0x0] =	vst v2;
	v2 =	vmul.f32 v63, v19  }
0x1e3: {  	[tilespmem:s28+$0x20] =	vst v1  }
0x1e4: {  	s29 =	simm.s32 $0x4C90;
	[tilespmem:s28+$0x40] =	vst v2  }
0x1e5: {  	[spmem:s3] =	stream.indirect.scatter.add.f32 [tilespmem:s23], [sflag:$0x5], $0x20, s29, s16, $0xb8;
	[tilespmem:$0x1B270] =	vst v63  }
0x1e6: {  	_ =	swait.ge [sflag:s13], $0x3200  }
0x1e7: {  	s30 =	sshll.u32 s0, $0x6;
	s4 =	sadd.s32 $0x1, s4;
	[sflag:s13] =	ssyncset.done $0x0  }
0x1e8: {  	s31 =	sshrl.u32 s7, $0x3;
	p0 =	sne.s32 s4, s11;
	[sflag:s13] =	ssyncadd.s32 $0xFFFFCE00  }
.Ltmp5:
0x1e9: {  	s1 =	sor.u32 $0x1C05, s30;
	[bflag:$0x0] =	sbarrier.arrive $0xFFFF;
	(pc) =	sbr.rel @p0 .LBB2_1-.Ltmp5, $4  }
0x1ea: {  	[hbm:s10], [sflag:s1] =	dma.local [spmem:s31], $0x9C4  }
0x1eb: {  	_ =	swait.ge [sflag:s13], $0x9C4  }
0x1ec: {  	[sflag:s13] =	ssyncset.done $0x0  }
0x1ed: {  	[sflag:s13] =	ssyncadd.s32 $0xFFFFF63C  }
0x1ee: {  	_ =	sfence.sel $0x180000  }
0x1ef: {  	[bflag:$0x0] =	sbarrier.arrive $0xFFFF  }
0x1f0: {  	_ =	strace $0x90000047  }
0x1f1: {  	[bflag:$0x2] =	sbarrier.arrive $0xFFFF  }
0x1f2: {  	p0 =	sne.s32 s0, $0x0;
	s0 =	rddreg [dreg:$0x3]  }
0x1f3: {  	s0 =	sadd.s32 @!p0 $0x100000, s0  }
0x1f4: {  	[sflag:s0] =	ssyncadd.tile.s32 @!p0 $0x1;
	_ =	shalt  }
.Lfunc_end2:
_tile_overlayer_lowered:
.L_overlay_start_2:
0x1f5: {  	(tag) =	ssettag $0x2  }
0x1f6: {  	s0 =	rddreg [dreg:$0x0];
	s2 =	stileid.u32  }
0x1f7: {  	s1 =	rddreg [dreg:$0x1];
	p0 =	sne.s32 s2, $0x0  }
0x1f8: {  	s3 =	rddreg [dreg:$0x2];
	[bflag:$0x3] =	sbarrier.arrive $0xFFFF;
	s2 =	simm.s32 @!p0 $0x1C05  }
0x1f9: {  	[timem:s3], [sflag:s2] =	dma.local @!p0 [hbm:s0], s1  }
0x1fa: {  	s0 =	simm.s32 @!p0 $0x5  }
0x1fb: {  	_ =	swait.ge @!p0 [sflag:s0], s1  }
0x1fc: {  	s1 =	ssub.s32 @!p0 $0x0, s1;
	[sflag:s0] =	ssyncset.done @!p0 $0x0  }
0x1fd: {  	[sflag:s0] =	ssyncadd.s32 @!p0 s1  }
0x1fe: {  	[bflag:$0x3] =	sbarrier.arrive $0xFFFF  }
0x1ff: {  	_ =	shalt  }

</sc_bundles>
